<compile_context>
chip_gen: v7x
topology: tpu7x:2x2x1
jax: 0.10.2.dev20260603
libtpu: 0.0.44.dev20260713+nightly
codegen_flags: <defaults>
</compile_context>

<pallas_src>
import jax
import jax.numpy as jnp
from jax import lax
from jax.experimental import pallas as pl
from jax.experimental.pallas import tpu as pltpu
from jax.experimental.pallas import tpu_sc as plsc

_N_VOCAB = 100000
_EMBED_DIM = 32
_BATCH = 16384
_HIST = 200

_LANES = 16
_BT = _BATCH // 128
_DT = _EMBED_DIM // 8
_K = 4
_SBT = _BT // _K


def _gather_impl(emb, idx_t):
    mesh = plsc.VectorSubcoreMesh(core_axis_name="core",
                                  subcore_axis_name="subcore")

    @pl.kernel(
        out_type=jax.ShapeDtypeStruct((_HIST, _DT, _BT, 8, 128),
                                      jnp.float32),
        mesh=mesh,
        scratch_types=[pltpu.VMEM((_K, 128, _EMBED_DIM), jnp.float32),
                       pltpu.SemaphoreType.DMA],
        compiler_params=pltpu.CompilerParams(use_tc_tiling_on_sc=False,
                                             needs_layout_passes=False),
    )
    def k(emb_hbm, idx_hbm, out_hbm, buf, sem):
        def body(i_vmem, o_vmem):
            copies = [
                pltpu.async_copy(emb_hbm.at[i_vmem.at[0, pl.ds(j * 128, 128)]],
                                 buf.at[j], sem)
                for j in range(_K)
            ]
            iota = lax.iota(jnp.int32, _LANES)
            lanes = [iota + g * _LANES for g in range(128 // _LANES)]
            zero = jnp.full((_LANES,), 0, jnp.int32)
            ones = jnp.full((_LANES,), 1, jnp.int32)
            for j in range(_K):
                copies[j].wait()
                jvec = ones * j

                @plsc.parallel_loop(0, _EMBED_DIM, unroll=4)
                def _transpose(d):
                    dd = lax.bitwise_and(d + iota, _EMBED_DIM - 1)
                    dtv = lax.shift_right_logical(dd, 3)
                    subv = lax.bitwise_and(dd, 7)
                    for g in range(128 // _LANES):
                        vals = plsc.load_gather(buf.at[j], [lanes[g], dd])
                        plsc.store_scatter(
                            o_vmem, [zero, dtv, jvec, subv, lanes[g]], vals)

        pltpu.emit_pipeline(
            body,
            grid=(_HIST * _SBT,),
            in_specs=[pl.BlockSpec((1, 128 * _K),
                                   index_map=lambda s: (s // _SBT, s % _SBT))],
            out_specs=[pl.BlockSpec((1, _DT, _K, 8, 128),
                                    index_map=lambda s: (s // _SBT, 0,
                                                         s % _SBT, 0, 0))],
            core_axis_name=("core", "subcore"),
            dimension_semantics=(pltpu.PARALLEL,),
        )(idx_hbm, out_hbm)

    return k(emb, idx_t)


def kernel(a_in, emb):
    idx_t = a_in.T.astype(jnp.int32)
    x5 = _gather_impl(emb, idx_t)
    return x5.transpose(2, 4, 0, 1, 3).reshape(_BATCH, _HIST, _EMBED_DIM)

# --- scband reference (transcript-rebuilt; emitter-appended) ---
"""Pipeline reference for scband-action-tokenizer-30588757082863 (READ-ONLY COPY).

The authoritative reference and input builder live on the scoring server;
editing this copy changes nothing except your own understanding.
"""

import jax, jax.numpy as jnp
import numpy as np

N_VOCAB = 100000
EMBED_DIM = 32
BATCH = 16384
HIST = 200

def setup_inputs(seed: int = 0) -> dict:
    key = jax.random.key(seed)
    k_idx, k_emb = jax.random.split(key)
    a_in = jax.random.randint(k_idx, (BATCH, HIST), 0, N_VOCAB, dtype=jnp.int64)
    emb = jax.random.normal(k_emb, (N_VOCAB, EMBED_DIM), dtype=jnp.float32)
    return {"a_in": a_in, "emb": emb}

def reference(a_in, emb):
    # nn.Embedding forward: table gather
    return jnp.take(emb, a_in, axis=0)

if __name__ == "__main__":
    import jax
    _d = setup_inputs()
    print(jax.jit(kernel)(*tuple(_d.values())))

</pallas_src>

<mosaic_0001>
#map = affine_map<(d0, d1) -> (0, 0)>
#map1 = affine_map<(d0, d1) -> (0, 0, 0, 0, 0)>
module attributes {stable_mosaic.version = 14 : i64} {
  func.func @k(%arg0: i32, %arg1: i32, %arg2: memref<100000x32xf32, #tpu.memory_space<hbm>>, %arg3: memref<200x16384xi32, #tpu.memory_space<hbm>>, %arg4: memref<200x4x128x8x128xf32, #tpu.memory_space<hbm>>, %arg5: memref<4x128x32xf32, #tpu.memory_space<vmem>>, %arg6: memref<!tpu.dma_semaphore, #tpu.memory_space<semaphore_mem>>) attributes {dimension_semantics = [#tpu.dimension_semantics<core_parallel>, #tpu.dimension_semantics<subcore_parallel>], iteration_bounds = array<i64: 2, 16>, scalar_prefetch = 0 : i64, scratch_operands = 2 : i64, tpu.core_type = #tpu.core_type<sc_vector_subcore>, window_params = [{transform_indices = #map}, {transform_indices = #map}, {transform_indices = #map1}]} {
    %mul3A = arith.constant 1 : i32
    %mul3A_0 = arith.muli %arg1, %mul3A : i32
    %add3A = arith.constant 0 : i32
    %add3A_1 = arith.addi %add3A, %mul3A_0 : i32
    %mul3A_2 = arith.constant 16 : i32
    %mul3A_3 = arith.muli %arg0, %mul3A_2 : i32
    %add3A_4 = arith.addi %add3A_1, %mul3A_3 : i32
    %mul3A_5 = arith.constant 200 : i32
    %mul3A_6 = arith.muli %add3A_4, %mul3A_5 : i32
    "tpu.region"() ({
      %run_scoped3A = memref.alloca() : memref<2x1x512xi32, #tpu.memory_space<vmem>>
      %run_scoped3A_7 = tpu.sem_alloc : memref<2x!tpu.dma_semaphore, #tpu.memory_space<semaphore_mem>>
      %run_scoped3A_8 = memref.alloca() : memref<2x1x4x4x8x128xf32, #tpu.memory_space<vmem>>
      %run_scoped3A_9 = tpu.sem_alloc : memref<2x!tpu.dma_semaphore, #tpu.memory_space<semaphore_mem>>
      %add3A_10 = arith.constant 0 : i32
      %add3A_11 = arith.addi %add3A_10, %mul3A_6 : i32
      %select_n3A = arith.constant true
      %select_n3A_12 = arith.constant 0 : i32
      %select_n3A_13 = arith.constant -1 : i32
      %select_n3A_14 = arith.select %select_n3A, %select_n3A_13, %select_n3A_12 : i32
      %eq3A = arith.constant -1 : i32
      %eq3A_15 = arith.cmpi eq, %select_n3A_14, %eq3A : i32
      %select_n3A_16 = arith.constant 199 : i32
      %select_n3A_17 = arith.select %eq3A_15, %select_n3A_16, %select_n3A_14 : i32
      %add3A_18 = arith.addi %select_n3A_17, %mul3A_6 : i32
      %select_n3A_19 = arith.constant true
      %select_n3A_20 = arith.constant 0 : i32
      %select_n3A_21 = arith.constant 1 : i32
      %select_n3A_22 = arith.select %select_n3A_19, %select_n3A_21, %select_n3A_20 : i32
      %eq3A_23 = arith.constant 200 : i32
      %eq3A_24 = arith.cmpi eq, %select_n3A_22, %eq3A_23 : i32
      %select_n3A_25 = arith.constant 0 : i32
      %select_n3A_26 = arith.select %eq3A_24, %select_n3A_25, %select_n3A_22 : i32
      %add3A_27 = arith.addi %select_n3A_26, %mul3A_6 : i32
      %add3A_28 = arith.constant 1 : i32
      %add3A_29 = arith.addi %select_n3A_26, %add3A_28 : i32
      %select_n3A_30 = arith.constant true
      %select_n3A_31 = arith.select %select_n3A_30, %add3A_29, %select_n3A_26 : i32
      %eq3A_32 = arith.constant 200 : i32
      %eq3A_33 = arith.cmpi eq, %select_n3A_31, %eq3A_32 : i32
      %select_n3A_34 = arith.constant 0 : i32
      %select_n3A_35 = arith.select %eq3A_33, %select_n3A_34, %select_n3A_31 : i32
      %add3A_36 = arith.addi %select_n3A_35, %mul3A_6 : i32
      "tpu.trace_start"() <{level = 10 : i32, message = "ep_initialize_0"}> : () -> ()
      %rem3A = arith.constant 0 : i32
      %rem3A_37 = arith.constant 2 : i32
      %rem3A_38 = arith.remui %rem3A, %rem3A_37 : i32
      %jit3A = arith.constant 32 : i32
      %div3A = arith.divsi %add3A_11, %jit3A : i32
      %sign3A = arith.constant 0 : i32
      %sign3A_39 = arith.cmpi sgt, %add3A_11, %sign3A : i32
      %sign3A_40 = arith.extui %sign3A_39 : i1 to i32
      %sign3A_41 = arith.constant 0 : i32
      %sign3A_42 = arith.cmpi slt, %add3A_11, %sign3A_41 : i32
      %sign3A_43 = arith.extui %sign3A_42 : i1 to i32
      %sign3A_44 = arith.subi %sign3A_40, %sign3A_43 : i32
      %sign3A_45 = arith.constant 0 : i32
      %sign3A_46 = arith.cmpi sgt, %jit3A, %sign3A_45 : i32
      %sign3A_47 = arith.extui %sign3A_46 : i1 to i32
      %sign3A_48 = arith.constant 0 : i32
      %sign3A_49 = arith.cmpi slt, %jit3A, %sign3A_48 : i32
      %sign3A_50 = arith.extui %sign3A_49 : i1 to i32
      %sign3A_51 = arith.subi %sign3A_47, %sign3A_50 : i32
      %ne3A = arith.cmpi ne, %sign3A_44, %sign3A_51 : i32
      %rem3A_52 = arith.remsi %add3A_11, %jit3A : i32
      %ne3A_53 = arith.constant 0 : i32
      %ne3A_54 = arith.cmpi ne, %rem3A_52, %ne3A_53 : i32
      %and3A = arith.andi %ne3A, %ne3A_54 : i1
      %sub3A = arith.constant 1 : i32
      %sub3A_55 = arith.subi %div3A, %sub3A : i32
      %select_n3A_56 = arith.select %and3A, %sub3A_55, %div3A : i32
      %jit3A_57 = arith.constant 32 : i32
      %eq3A_58 = arith.constant 0 : i32
      %eq3A_59 = arith.cmpi eq, %jit3A_57, %eq3A_58 : i32
      %jit3A_60 = arith.constant 1 : i32
      %select_n3A_61 = arith.select %eq3A_59, %jit3A_60, %jit3A_57 : i32
      %rem3A_62 = arith.remsi %add3A_11, %select_n3A_61 : i32
      %ne3A_63 = arith.constant 0 : i32
      %ne3A_64 = arith.cmpi ne, %rem3A_62, %ne3A_63 : i32
      %lt3A = arith.constant 0 : i32
      %lt3A_65 = arith.cmpi slt, %rem3A_62, %lt3A : i32
      %lt3A_66 = arith.constant 0 : i32
      %lt3A_67 = arith.cmpi slt, %select_n3A_61, %lt3A_66 : i32
      %ne3A_68 = arith.xori %lt3A_65, %lt3A_67 : i1
      %and3A_69 = arith.andi %ne3A_68, %ne3A_64 : i1
      %add3A_70 = arith.addi %rem3A_62, %select_n3A_61 : i32
      %select_n3A_71 = arith.select %and3A_69, %add3A_70, %rem3A_62 : i32
      %mul3A_72 = arith.constant 1 : i32
      %mul3A_73 = arith.muli %mul3A_72, %select_n3A_56 : i32
      %mul3A_74 = arith.constant 512 : i32
      %mul3A_75 = arith.muli %mul3A_74, %select_n3A_71 : i32
      %dma_start3A = arith.constant 0 : i32
      %dma_start3A_76 = arith.constant 0 : i32
      %dma_start3A_77 = tpu.memref_slice %run_scoped3A[%rem3A_38, %dma_start3A, %dma_start3A_76] : memref<2x1x512xi32, #tpu.memory_space<vmem>> -> memref<1x1x512xi32, #tpu.memory_space<vmem>>
      %dma_start3A_78 = tpu.memref_squeeze %dma_start3A_77 : memref<1x1x512xi32, #tpu.memory_space<vmem>> -> memref<1x512xi32, #tpu.memory_space<vmem>>
      %dma_start3A_79 = tpu.memref_slice %arg3[%mul3A_73, %mul3A_75] : memref<200x16384xi32, #tpu.memory_space<hbm>> -> memref<1x512xi32, #tpu.memory_space<hbm>>
      %dma_start3A_80 = tpu.memref_slice %run_scoped3A_7[%rem3A_38] : memref<2x!tpu.dma_semaphore, #tpu.memory_space<semaphore_mem>> -> memref<1x!tpu.dma_semaphore, #tpu.memory_space<semaphore_mem>>
      %dma_start3A_81 = tpu.memref_squeeze %dma_start3A_80 : memref<1x!tpu.dma_semaphore, #tpu.memory_space<semaphore_mem>> -> memref<!tpu.dma_semaphore, #tpu.memory_space<semaphore_mem>>
      %dma_start3A_82 = arith.constant 0 : i32
      %dma_start3A_83 = arith.constant 0 : i32
      %dma_start3A_84 = tpu.memref_slice %run_scoped3A[%rem3A_38, %dma_start3A_82, %dma_start3A_83] : memref<2x1x512xi32, #tpu.memory_space<vmem>> -> memref<1x1x512xi32, #tpu.memory_space<vmem>>
      %dma_start3A_85 = tpu.memref_squeeze %dma_start3A_84 : memref<1x1x512xi32, #tpu.memory_space<vmem>> -> memref<1x512xi32, #tpu.memory_space<vmem>>
      %dma_start3A_86 = tpu.memref_slice %arg3[%mul3A_73, %mul3A_75] : memref<200x16384xi32, #tpu.memory_space<hbm>> -> memref<1x512xi32, #tpu.memory_space<hbm>>
      tpu.enqueue_dma source(%dma_start3A_86 : memref<1x512xi32, #tpu.memory_space<hbm>>) target(%dma_start3A_85 : memref<1x512xi32, #tpu.memory_space<vmem>>) target_semaphore(%dma_start3A_81 : memref<!tpu.dma_semaphore, #tpu.memory_space<semaphore_mem>>)
      %add3A_87 = arith.constant 0 : i32
      %add3A_88 = arith.constant 1 : i32
      %add3A_89 = arith.addi %add3A_87, %add3A_88 : i32
      %select_n3A_90 = arith.constant true
      %select_n3A_91 = arith.constant 0 : i32
      %select_n3A_92 = arith.select %select_n3A_90, %add3A_89, %select_n3A_91 : i32
      "tpu.trace_stop"() : () -> ()
      %scan3A = arith.constant 0 : i32
      %scan3A_93 = arith.constant 0 : i32
      %scan3A_94 = arith.constant 0 : i32
      %scan3A_95 = arith.constant 0 : i32
      %scan3A_96 = arith.constant 0 : i32
      %scan3A_97 = arith.constant 200 : i32
      %scan3A_98 = arith.addi %scan3A_96, %scan3A_97 : i32
      %scan3A_99 = arith.constant 1 : i32
      %scan3A_100:5 = scf.for %scan3A_207 = %scan3A_96 to %scan3A_98 step %scan3A_99 iter_args(%scan3A_208 = %select_n3A_92, %scan3A_209 = %scan3A, %scan3A_210 = %scan3A_93, %scan3A_211 = %scan3A_94, %scan3A_212 = %scan3A_95) -> (i32, i32, i32, i32, i32)  : i32 {
        %eq3A_213 = arith.constant 0 : i32
        %eq3A_214 = arith.cmpi eq, %scan3A_207, %eq3A_213 : i32
        %eq3A_215 = arith.constant 199 : i32
        %eq3A_216 = arith.cmpi eq, %scan3A_207, %eq3A_215 : i32
        %add3A_217 = arith.addi %scan3A_212, %mul3A_6 : i32
        %sub3A_218 = arith.constant 1 : i32
        %sub3A_219 = arith.subi %scan3A_212, %sub3A_218 : i32
        %select_n3A_220 = arith.constant true
        %select_n3A_221 = arith.select %select_n3A_220, %sub3A_219, %scan3A_212 : i32
        %eq3A_222 = arith.constant -1 : i32
        %eq3A_223 = arith.cmpi eq, %select_n3A_221, %eq3A_222 : i32
        %select_n3A_224 = arith.constant 199 : i32
        %select_n3A_225 = arith.select %eq3A_223, %select_n3A_224, %select_n3A_221 : i32
        %add3A_226 = arith.addi %select_n3A_225, %mul3A_6 : i32
        %add3A_227 = arith.constant 1 : i32
        %add3A_228 = arith.addi %scan3A_212, %add3A_227 : i32
        %select_n3A_229 = arith.constant true
        %select_n3A_230 = arith.select %select_n3A_229, %add3A_228, %scan3A_212 : i32
        %eq3A_231 = arith.constant 200 : i32
        %eq3A_232 = arith.cmpi eq, %select_n3A_230, %eq3A_231 : i32
        %select_n3A_233 = arith.constant 0 : i32
        %select_n3A_234 = arith.select %eq3A_232, %select_n3A_233, %select_n3A_230 : i32
        %add3A_235 = arith.addi %select_n3A_234, %mul3A_6 : i32
        %add3A_236 = arith.constant 1 : i32
        %add3A_237 = arith.addi %select_n3A_234, %add3A_236 : i32
        %select_n3A_238 = arith.constant true
        %select_n3A_239 = arith.select %select_n3A_238, %add3A_237, %select_n3A_234 : i32
        %eq3A_240 = arith.constant 200 : i32
        %eq3A_241 = arith.cmpi eq, %select_n3A_239, %eq3A_240 : i32
        %select_n3A_242 = arith.constant 0 : i32
        %select_n3A_243 = arith.select %eq3A_241, %select_n3A_242, %select_n3A_239 : i32
        %add3A_244 = arith.addi %select_n3A_243, %mul3A_6 : i32
        %jit3A_245 = arith.constant 32 : i32
        %div3A_246 = arith.divsi %add3A_217, %jit3A_245 : i32
        %sign3A_247 = arith.constant 0 : i32
        %sign3A_248 = arith.cmpi sgt, %add3A_217, %sign3A_247 : i32
        %sign3A_249 = arith.extui %sign3A_248 : i1 to i32
        %sign3A_250 = arith.constant 0 : i32
        %sign3A_251 = arith.cmpi slt, %add3A_217, %sign3A_250 : i32
        %sign3A_252 = arith.extui %sign3A_251 : i1 to i32
        %sign3A_253 = arith.subi %sign3A_249, %sign3A_252 : i32
        %sign3A_254 = arith.constant 0 : i32
        %sign3A_255 = arith.cmpi sgt, %jit3A_245, %sign3A_254 : i32
        %sign3A_256 = arith.extui %sign3A_255 : i1 to i32
        %sign3A_257 = arith.constant 0 : i32
        %sign3A_258 = arith.cmpi slt, %jit3A_245, %sign3A_257 : i32
        %sign3A_259 = arith.extui %sign3A_258 : i1 to i32
        %sign3A_260 = arith.subi %sign3A_256, %sign3A_259 : i32
        %ne3A_261 = arith.cmpi ne, %sign3A_253, %sign3A_260 : i32
        %rem3A_262 = arith.remsi %add3A_217, %jit3A_245 : i32
        %ne3A_263 = arith.constant 0 : i32
        %ne3A_264 = arith.cmpi ne, %rem3A_262, %ne3A_263 : i32
        %and3A_265 = arith.andi %ne3A_261, %ne3A_264 : i1
        %sub3A_266 = arith.constant 1 : i32
        %sub3A_267 = arith.subi %div3A_246, %sub3A_266 : i32
        %select_n3A_268 = arith.select %and3A_265, %sub3A_267, %div3A_246 : i32
        %jit3A_269 = arith.constant 32 : i32
        %eq3A_270 = arith.constant 0 : i32
        %eq3A_271 = arith.cmpi eq, %jit3A_269, %eq3A_270 : i32
        %jit3A_272 = arith.constant 1 : i32
        %select_n3A_273 = arith.select %eq3A_271, %jit3A_272, %jit3A_269 : i32
        %rem3A_274 = arith.remsi %add3A_217, %select_n3A_273 : i32
        %ne3A_275 = arith.constant 0 : i32
        %ne3A_276 = arith.cmpi ne, %rem3A_274, %ne3A_275 : i32
        %lt3A_277 = arith.constant 0 : i32
        %lt3A_278 = arith.cmpi slt, %rem3A_274, %lt3A_277 : i32
        %lt3A_279 = arith.constant 0 : i32
        %lt3A_280 = arith.cmpi slt, %select_n3A_273, %lt3A_279 : i32
        %ne3A_281 = arith.xori %lt3A_278, %lt3A_280 : i1
        %and3A_282 = arith.andi %ne3A_281, %ne3A_276 : i1
        %add3A_283 = arith.addi %rem3A_274, %select_n3A_273 : i32
        %select_n3A_284 = arith.select %and3A_282, %add3A_283, %rem3A_274 : i32
        %jit3A_285 = arith.constant 32 : i32
        %div3A_286 = arith.divsi %add3A_235, %jit3A_285 : i32
        %sign3A_287 = arith.constant 0 : i32
        %sign3A_288 = arith.cmpi sgt, %add3A_235, %sign3A_287 : i32
        %sign3A_289 = arith.extui %sign3A_288 : i1 to i32
        %sign3A_290 = arith.constant 0 : i32
        %sign3A_291 = arith.cmpi slt, %add3A_235, %sign3A_290 : i32
        %sign3A_292 = arith.extui %sign3A_291 : i1 to i32
        %sign3A_293 = arith.subi %sign3A_289, %sign3A_292 : i32
        %sign3A_294 = arith.constant 0 : i32
        %sign3A_295 = arith.cmpi sgt, %jit3A_285, %sign3A_294 : i32
        %sign3A_296 = arith.extui %sign3A_295 : i1 to i32
        %sign3A_297 = arith.constant 0 : i32
        %sign3A_298 = arith.cmpi slt, %jit3A_285, %sign3A_297 : i32
        %sign3A_299 = arith.extui %sign3A_298 : i1 to i32
        %sign3A_300 = arith.subi %sign3A_296, %sign3A_299 : i32
        %ne3A_301 = arith.cmpi ne, %sign3A_293, %sign3A_300 : i32
        %rem3A_302 = arith.remsi %add3A_235, %jit3A_285 : i32
        %ne3A_303 = arith.constant 0 : i32
        %ne3A_304 = arith.cmpi ne, %rem3A_302, %ne3A_303 : i32
        %and3A_305 = arith.andi %ne3A_301, %ne3A_304 : i1
        %sub3A_306 = arith.constant 1 : i32
        %sub3A_307 = arith.subi %div3A_286, %sub3A_306 : i32
        %select_n3A_308 = arith.select %and3A_305, %sub3A_307, %div3A_286 : i32
        %jit3A_309 = arith.constant 32 : i32
        %eq3A_310 = arith.constant 0 : i32
        %eq3A_311 = arith.cmpi eq, %jit3A_309, %eq3A_310 : i32
        %jit3A_312 = arith.constant 1 : i32
        %select_n3A_313 = arith.select %eq3A_311, %jit3A_312, %jit3A_309 : i32
        %rem3A_314 = arith.remsi %add3A_235, %select_n3A_313 : i32
        %ne3A_315 = arith.constant 0 : i32
        %ne3A_316 = arith.cmpi ne, %rem3A_314, %ne3A_315 : i32
        %lt3A_317 = arith.constant 0 : i32
        %lt3A_318 = arith.cmpi slt, %rem3A_314, %lt3A_317 : i32
        %lt3A_319 = arith.constant 0 : i32
        %lt3A_320 = arith.cmpi slt, %select_n3A_313, %lt3A_319 : i32
        %ne3A_321 = arith.xori %lt3A_318, %lt3A_320 : i1
        %and3A_322 = arith.andi %ne3A_321, %ne3A_316 : i1
        %add3A_323 = arith.addi %rem3A_314, %select_n3A_313 : i32
        %select_n3A_324 = arith.select %and3A_322, %add3A_323, %rem3A_314 : i32
        %ne3A_325 = arith.cmpi ne, %select_n3A_268, %select_n3A_308 : i32
        %ne3A_326 = arith.cmpi ne, %select_n3A_284, %select_n3A_324 : i32
        %or3A = arith.constant false
        %or3A_327 = arith.ori %or3A, %ne3A_325 : i1
        %or3A_328 = arith.ori %or3A_327, %ne3A_326 : i1
        %ge3A = arith.constant 199 : i32
        %ge3A_329 = arith.cmpi sge, %scan3A_207, %ge3A : i32
        %not3A = arith.constant true
        %not3A_330 = arith.xori %ge3A_329, %not3A : i1
        %and3A_331 = arith.andi %or3A_328, %not3A_330 : i1
        %convert_element_type3A = arith.extui %and3A_331 : i1 to i32
        %cond3A = arith.constant 0 : i32
        %cond3A_332 = arith.cmpi ne, %convert_element_type3A, %cond3A : i32
        scf.if %cond3A_332 {
          "tpu.trace_start"() <{level = 10 : i32, message = "ep_copy_in"}> : () -> ()
          %rem3A_1283 = arith.constant 2 : i32
          %rem3A_1284 = arith.remui %scan3A_208, %rem3A_1283 : i32
          %jit3A_1285 = arith.constant 32 : i32
          %div3A_1286 = arith.divsi %add3A_235, %jit3A_1285 : i32
          %sign3A_1287 = arith.constant 0 : i32
          %sign3A_1288 = arith.cmpi sgt, %add3A_235, %sign3A_1287 : i32
          %sign3A_1289 = arith.extui %sign3A_1288 : i1 to i32
          %sign3A_1290 = arith.constant 0 : i32
          %sign3A_1291 = arith.cmpi slt, %add3A_235, %sign3A_1290 : i32
          %sign3A_1292 = arith.extui %sign3A_1291 : i1 to i32
          %sign3A_1293 = arith.subi %sign3A_1289, %sign3A_1292 : i32
          %sign3A_1294 = arith.constant 0 : i32
          %sign3A_1295 = arith.cmpi sgt, %jit3A_1285, %sign3A_1294 : i32
          %sign3A_1296 = arith.extui %sign3A_1295 : i1 to i32
          %sign3A_1297 = arith.constant 0 : i32
          %sign3A_1298 = arith.cmpi slt, %jit3A_1285, %sign3A_1297 : i32
          %sign3A_1299 = arith.extui %sign3A_1298 : i1 to i32
          %sign3A_1300 = arith.subi %sign3A_1296, %sign3A_1299 : i32
          %ne3A_1301 = arith.cmpi ne, %sign3A_1293, %sign3A_1300 : i32
          %rem3A_1302 = arith.remsi %add3A_235, %jit3A_1285 : i32
          %ne3A_1303 = arith.constant 0 : i32
          %ne3A_1304 = arith.cmpi ne, %rem3A_1302, %ne3A_1303 : i32
          %and3A_1305 = arith.andi %ne3A_1301, %ne3A_1304 : i1
          %sub3A_1306 = arith.constant 1 : i32
          %sub3A_1307 = arith.subi %div3A_1286, %sub3A_1306 : i32
          %select_n3A_1308 = arith.select %and3A_1305, %sub3A_1307, %div3A_1286 : i32
          %jit3A_1309 = arith.constant 32 : i32
          %eq3A_1310 = arith.constant 0 : i32
          %eq3A_1311 = arith.cmpi eq, %jit3A_1309, %eq3A_1310 : i32
          %jit3A_1312 = arith.constant 1 : i32
          %select_n3A_1313 = arith.select %eq3A_1311, %jit3A_1312, %jit3A_1309 : i32
          %rem3A_1314 = arith.remsi %add3A_235, %select_n3A_1313 : i32
          %ne3A_1315 = arith.constant 0 : i32
          %ne3A_1316 = arith.cmpi ne, %rem3A_1314, %ne3A_1315 : i32
          %lt3A_1317 = arith.constant 0 : i32
          %lt3A_1318 = arith.cmpi slt, %rem3A_1314, %lt3A_1317 : i32
          %lt3A_1319 = arith.constant 0 : i32
          %lt3A_1320 = arith.cmpi slt, %select_n3A_1313, %lt3A_1319 : i32
          %ne3A_1321 = arith.xori %lt3A_1318, %lt3A_1320 : i1
          %and3A_1322 = arith.andi %ne3A_1321, %ne3A_1316 : i1
          %add3A_1323 = arith.addi %rem3A_1314, %select_n3A_1313 : i32
          %select_n3A_1324 = arith.select %and3A_1322, %add3A_1323, %rem3A_1314 : i32
          %mul3A_1325 = arith.constant 1 : i32
          %mul3A_1326 = arith.muli %mul3A_1325, %select_n3A_1308 : i32
          %mul3A_1327 = arith.constant 512 : i32
          %mul3A_1328 = arith.muli %mul3A_1327, %select_n3A_1324 : i32
          %dma_start3A_1329 = arith.constant 0 : i32
          %dma_start3A_1330 = arith.constant 0 : i32
          %dma_start3A_1331 = tpu.memref_slice %run_scoped3A[%rem3A_1284, %dma_start3A_1329, %dma_start3A_1330] : memref<2x1x512xi32, #tpu.memory_space<vmem>> -> memref<1x1x512xi32, #tpu.memory_space<vmem>>
          %dma_start3A_1332 = tpu.memref_squeeze %dma_start3A_1331 : memref<1x1x512xi32, #tpu.memory_space<vmem>> -> memref<1x512xi32, #tpu.memory_space<vmem>>
          %dma_start3A_1333 = tpu.memref_slice %arg3[%mul3A_1326, %mul3A_1328] : memref<200x16384xi32, #tpu.memory_space<hbm>> -> memref<1x512xi32, #tpu.memory_space<hbm>>
          %dma_start3A_1334 = tpu.memref_slice %run_scoped3A_7[%rem3A_1284] : memref<2x!tpu.dma_semaphore, #tpu.memory_space<semaphore_mem>> -> memref<1x!tpu.dma_semaphore, #tpu.memory_space<semaphore_mem>>
          %dma_start3A_1335 = tpu.memref_squeeze %dma_start3A_1334 : memref<1x!tpu.dma_semaphore, #tpu.memory_space<semaphore_mem>> -> memref<!tpu.dma_semaphore, #tpu.memory_space<semaphore_mem>>
          %dma_start3A_1336 = arith.constant 0 : i32
          %dma_start3A_1337 = arith.constant 0 : i32
          %dma_start3A_1338 = tpu.memref_slice %run_scoped3A[%rem3A_1284, %dma_start3A_1336, %dma_start3A_1337] : memref<2x1x512xi32, #tpu.memory_space<vmem>> -> memref<1x1x512xi32, #tpu.memory_space<vmem>>
          %dma_start3A_1339 = tpu.memref_squeeze %dma_start3A_1338 : memref<1x1x512xi32, #tpu.memory_space<vmem>> -> memref<1x512xi32, #tpu.memory_space<vmem>>
          %dma_start3A_1340 = tpu.memref_slice %arg3[%mul3A_1326, %mul3A_1328] : memref<200x16384xi32, #tpu.memory_space<hbm>> -> memref<1x512xi32, #tpu.memory_space<hbm>>
          tpu.enqueue_dma source(%dma_start3A_1340 : memref<1x512xi32, #tpu.memory_space<hbm>>) target(%dma_start3A_1339 : memref<1x512xi32, #tpu.memory_space<vmem>>) target_semaphore(%dma_start3A_1335 : memref<!tpu.dma_semaphore, #tpu.memory_space<semaphore_mem>>)
          "tpu.trace_stop"() : () -> ()
        } else {
        }
        %and3A_333 = arith.constant true
        %and3A_334 = arith.andi %and3A_331, %and3A_333 : i1
        %add3A_335 = arith.constant 1 : i32
        %add3A_336 = arith.addi %scan3A_208, %add3A_335 : i32
        %select_n3A_337 = arith.select %and3A_334, %add3A_336, %scan3A_208 : i32
        %jit3A_338 = arith.constant 32 : i32
        %div3A_339 = arith.divsi %add3A_217, %jit3A_338 : i32
        %sign3A_340 = arith.constant 0 : i32
        %sign3A_341 = arith.cmpi sgt, %add3A_217, %sign3A_340 : i32
        %sign3A_342 = arith.extui %sign3A_341 : i1 to i32
        %sign3A_343 = arith.constant 0 : i32
        %sign3A_344 = arith.cmpi slt, %add3A_217, %sign3A_343 : i32
        %sign3A_345 = arith.extui %sign3A_344 : i1 to i32
        %sign3A_346 = arith.subi %sign3A_342, %sign3A_345 : i32
        %sign3A_347 = arith.constant 0 : i32
        %sign3A_348 = arith.cmpi sgt, %jit3A_338, %sign3A_347 : i32
        %sign3A_349 = arith.extui %sign3A_348 : i1 to i32
        %sign3A_350 = arith.constant 0 : i32
        %sign3A_351 = arith.cmpi slt, %jit3A_338, %sign3A_350 : i32
        %sign3A_352 = arith.extui %sign3A_351 : i1 to i32
        %sign3A_353 = arith.subi %sign3A_349, %sign3A_352 : i32
        %ne3A_354 = arith.cmpi ne, %sign3A_346, %sign3A_353 : i32
        %rem3A_355 = arith.remsi %add3A_217, %jit3A_338 : i32
        %ne3A_356 = arith.constant 0 : i32
        %ne3A_357 = arith.cmpi ne, %rem3A_355, %ne3A_356 : i32
        %and3A_358 = arith.andi %ne3A_354, %ne3A_357 : i1
        %sub3A_359 = arith.constant 1 : i32
        %sub3A_360 = arith.subi %div3A_339, %sub3A_359 : i32
        %select_n3A_361 = arith.select %and3A_358, %sub3A_360, %div3A_339 : i32
        %jit3A_362 = arith.constant 32 : i32
        %eq3A_363 = arith.constant 0 : i32
        %eq3A_364 = arith.cmpi eq, %jit3A_362, %eq3A_363 : i32
        %jit3A_365 = arith.constant 1 : i32
        %select_n3A_366 = arith.select %eq3A_364, %jit3A_365, %jit3A_362 : i32
        %rem3A_367 = arith.remsi %add3A_217, %select_n3A_366 : i32
        %ne3A_368 = arith.constant 0 : i32
        %ne3A_369 = arith.cmpi ne, %rem3A_367, %ne3A_368 : i32
        %lt3A_370 = arith.constant 0 : i32
        %lt3A_371 = arith.cmpi slt, %rem3A_367, %lt3A_370 : i32
        %lt3A_372 = arith.constant 0 : i32
        %lt3A_373 = arith.cmpi slt, %select_n3A_366, %lt3A_372 : i32
        %ne3A_374 = arith.xori %lt3A_371, %lt3A_373 : i1
        %and3A_375 = arith.andi %ne3A_374, %ne3A_369 : i1
        %add3A_376 = arith.addi %rem3A_367, %select_n3A_366 : i32
        %select_n3A_377 = arith.select %and3A_375, %add3A_376, %rem3A_367 : i32
        %jit3A_378 = arith.constant 32 : i32
        %div3A_379 = arith.divsi %add3A_235, %jit3A_378 : i32
        %sign3A_380 = arith.constant 0 : i32
        %sign3A_381 = arith.cmpi sgt, %add3A_235, %sign3A_380 : i32
        %sign3A_382 = arith.extui %sign3A_381 : i1 to i32
        %sign3A_383 = arith.constant 0 : i32
        %sign3A_384 = arith.cmpi slt, %add3A_235, %sign3A_383 : i32
        %sign3A_385 = arith.extui %sign3A_384 : i1 to i32
        %sign3A_386 = arith.subi %sign3A_382, %sign3A_385 : i32
        %sign3A_387 = arith.constant 0 : i32
        %sign3A_388 = arith.cmpi sgt, %jit3A_378, %sign3A_387 : i32
        %sign3A_389 = arith.extui %sign3A_388 : i1 to i32
        %sign3A_390 = arith.constant 0 : i32
        %sign3A_391 = arith.cmpi slt, %jit3A_378, %sign3A_390 : i32
        %sign3A_392 = arith.extui %sign3A_391 : i1 to i32
        %sign3A_393 = arith.subi %sign3A_389, %sign3A_392 : i32
        %ne3A_394 = arith.cmpi ne, %sign3A_386, %sign3A_393 : i32
        %rem3A_395 = arith.remsi %add3A_235, %jit3A_378 : i32
        %ne3A_396 = arith.constant 0 : i32
        %ne3A_397 = arith.cmpi ne, %rem3A_395, %ne3A_396 : i32
        %and3A_398 = arith.andi %ne3A_394, %ne3A_397 : i1
        %sub3A_399 = arith.constant 1 : i32
        %sub3A_400 = arith.subi %div3A_379, %sub3A_399 : i32
        %select_n3A_401 = arith.select %and3A_398, %sub3A_400, %div3A_379 : i32
        %jit3A_402 = arith.constant 32 : i32
        %eq3A_403 = arith.constant 0 : i32
        %eq3A_404 = arith.cmpi eq, %jit3A_402, %eq3A_403 : i32
        %jit3A_405 = arith.constant 1 : i32
        %select_n3A_406 = arith.select %eq3A_404, %jit3A_405, %jit3A_402 : i32
        %rem3A_407 = arith.remsi %add3A_235, %select_n3A_406 : i32
        %ne3A_408 = arith.constant 0 : i32
        %ne3A_409 = arith.cmpi ne, %rem3A_407, %ne3A_408 : i32
        %lt3A_410 = arith.constant 0 : i32
        %lt3A_411 = arith.cmpi slt, %rem3A_407, %lt3A_410 : i32
        %lt3A_412 = arith.constant 0 : i32
        %lt3A_413 = arith.cmpi slt, %select_n3A_406, %lt3A_412 : i32
        %ne3A_414 = arith.xori %lt3A_411, %lt3A_413 : i1
        %and3A_415 = arith.andi %ne3A_414, %ne3A_409 : i1
        %add3A_416 = arith.addi %rem3A_407, %select_n3A_406 : i32
        %select_n3A_417 = arith.select %and3A_415, %add3A_416, %rem3A_407 : i32
        %ne3A_418 = arith.cmpi ne, %select_n3A_361, %select_n3A_401 : i32
        %ne3A_419 = arith.cmpi ne, %select_n3A_377, %select_n3A_417 : i32
        %or3A_420 = arith.constant false
        %or3A_421 = arith.ori %or3A_420, %ne3A_418 : i1
        %or3A_422 = arith.constant false
        %or3A_423 = arith.ori %or3A_421, %or3A_422 : i1
        %or3A_424 = arith.ori %or3A_423, %ne3A_419 : i1
        %or3A_425 = arith.constant false
        %or3A_426 = arith.ori %or3A_424, %or3A_425 : i1
        %or3A_427 = arith.constant false
        %or3A_428 = arith.ori %or3A_426, %or3A_427 : i1
        %ge3A_429 = arith.constant 199 : i32
        %ge3A_430 = arith.cmpi sge, %scan3A_207, %ge3A_429 : i32
        %not3A_431 = arith.constant true
        %not3A_432 = arith.xori %ge3A_430, %not3A_431 : i1
        %and3A_433 = arith.andi %or3A_428, %not3A_432 : i1
        %jit3A_434 = arith.constant 32 : i32
        %div3A_435 = arith.divsi %add3A_217, %jit3A_434 : i32
        %sign3A_436 = arith.constant 0 : i32
        %sign3A_437 = arith.cmpi sgt, %add3A_217, %sign3A_436 : i32
        %sign3A_438 = arith.extui %sign3A_437 : i1 to i32
        %sign3A_439 = arith.constant 0 : i32
        %sign3A_440 = arith.cmpi slt, %add3A_217, %sign3A_439 : i32
        %sign3A_441 = arith.extui %sign3A_440 : i1 to i32
        %sign3A_442 = arith.subi %sign3A_438, %sign3A_441 : i32
        %sign3A_443 = arith.constant 0 : i32
        %sign3A_444 = arith.cmpi sgt, %jit3A_434, %sign3A_443 : i32
        %sign3A_445 = arith.extui %sign3A_444 : i1 to i32
        %sign3A_446 = arith.constant 0 : i32
        %sign3A_447 = arith.cmpi slt, %jit3A_434, %sign3A_446 : i32
        %sign3A_448 = arith.extui %sign3A_447 : i1 to i32
        %sign3A_449 = arith.subi %sign3A_445, %sign3A_448 : i32
        %ne3A_450 = arith.cmpi ne, %sign3A_442, %sign3A_449 : i32
        %rem3A_451 = arith.remsi %add3A_217, %jit3A_434 : i32
        %ne3A_452 = arith.constant 0 : i32
        %ne3A_453 = arith.cmpi ne, %rem3A_451, %ne3A_452 : i32
        %and3A_454 = arith.andi %ne3A_450, %ne3A_453 : i1
        %sub3A_455 = arith.constant 1 : i32
        %sub3A_456 = arith.subi %div3A_435, %sub3A_455 : i32
        %select_n3A_457 = arith.select %and3A_454, %sub3A_456, %div3A_435 : i32
        %jit3A_458 = arith.constant 32 : i32
        %eq3A_459 = arith.constant 0 : i32
        %eq3A_460 = arith.cmpi eq, %jit3A_458, %eq3A_459 : i32
        %jit3A_461 = arith.constant 1 : i32
        %select_n3A_462 = arith.select %eq3A_460, %jit3A_461, %jit3A_458 : i32
        %rem3A_463 = arith.remsi %add3A_217, %select_n3A_462 : i32
        %ne3A_464 = arith.constant 0 : i32
        %ne3A_465 = arith.cmpi ne, %rem3A_463, %ne3A_464 : i32
        %lt3A_466 = arith.constant 0 : i32
        %lt3A_467 = arith.cmpi slt, %rem3A_463, %lt3A_466 : i32
        %lt3A_468 = arith.constant 0 : i32
        %lt3A_469 = arith.cmpi slt, %select_n3A_462, %lt3A_468 : i32
        %ne3A_470 = arith.xori %lt3A_467, %lt3A_469 : i1
        %and3A_471 = arith.andi %ne3A_470, %ne3A_465 : i1
        %add3A_472 = arith.addi %rem3A_463, %select_n3A_462 : i32
        %select_n3A_473 = arith.select %and3A_471, %add3A_472, %rem3A_463 : i32
        %jit3A_474 = arith.constant 32 : i32
        %div3A_475 = arith.divsi %add3A_226, %jit3A_474 : i32
        %sign3A_476 = arith.constant 0 : i32
        %sign3A_477 = arith.cmpi sgt, %add3A_226, %sign3A_476 : i32
        %sign3A_478 = arith.extui %sign3A_477 : i1 to i32
        %sign3A_479 = arith.constant 0 : i32
        %sign3A_480 = arith.cmpi slt, %add3A_226, %sign3A_479 : i32
        %sign3A_481 = arith.extui %sign3A_480 : i1 to i32
        %sign3A_482 = arith.subi %sign3A_478, %sign3A_481 : i32
        %sign3A_483 = arith.constant 0 : i32
        %sign3A_484 = arith.cmpi sgt, %jit3A_474, %sign3A_483 : i32
        %sign3A_485 = arith.extui %sign3A_484 : i1 to i32
        %sign3A_486 = arith.constant 0 : i32
        %sign3A_487 = arith.cmpi slt, %jit3A_474, %sign3A_486 : i32
        %sign3A_488 = arith.extui %sign3A_487 : i1 to i32
        %sign3A_489 = arith.subi %sign3A_485, %sign3A_488 : i32
        %ne3A_490 = arith.cmpi ne, %sign3A_482, %sign3A_489 : i32
        %rem3A_491 = arith.remsi %add3A_226, %jit3A_474 : i32
        %ne3A_492 = arith.constant 0 : i32
        %ne3A_493 = arith.cmpi ne, %rem3A_491, %ne3A_492 : i32
        %and3A_494 = arith.andi %ne3A_490, %ne3A_493 : i1
        %sub3A_495 = arith.constant 1 : i32
        %sub3A_496 = arith.subi %div3A_475, %sub3A_495 : i32
        %select_n3A_497 = arith.select %and3A_494, %sub3A_496, %div3A_475 : i32
        %jit3A_498 = arith.constant 32 : i32
        %eq3A_499 = arith.constant 0 : i32
        %eq3A_500 = arith.cmpi eq, %jit3A_498, %eq3A_499 : i32
        %jit3A_501 = arith.constant 1 : i32
        %select_n3A_502 = arith.select %eq3A_500, %jit3A_501, %jit3A_498 : i32
        %rem3A_503 = arith.remsi %add3A_226, %select_n3A_502 : i32
        %ne3A_504 = arith.constant 0 : i32
        %ne3A_505 = arith.cmpi ne, %rem3A_503, %ne3A_504 : i32
        %lt3A_506 = arith.constant 0 : i32
        %lt3A_507 = arith.cmpi slt, %rem3A_503, %lt3A_506 : i32
        %lt3A_508 = arith.constant 0 : i32
        %lt3A_509 = arith.cmpi slt, %select_n3A_502, %lt3A_508 : i32
        %ne3A_510 = arith.xori %lt3A_507, %lt3A_509 : i1
        %and3A_511 = arith.andi %ne3A_510, %ne3A_505 : i1
        %add3A_512 = arith.addi %rem3A_503, %select_n3A_502 : i32
        %select_n3A_513 = arith.select %and3A_511, %add3A_512, %rem3A_503 : i32
        %ne3A_514 = arith.cmpi ne, %select_n3A_457, %select_n3A_497 : i32
        %ne3A_515 = arith.cmpi ne, %select_n3A_473, %select_n3A_513 : i32
        %or3A_516 = arith.constant false
        %or3A_517 = arith.ori %or3A_516, %ne3A_514 : i1
        %or3A_518 = arith.ori %or3A_517, %ne3A_515 : i1
        %or3A_519 = arith.ori %or3A_518, %eq3A_214 : i1
        %convert_element_type3A_520 = arith.extui %or3A_519 : i1 to i32
        %cond3A_521 = arith.constant 0 : i32
        %cond3A_522 = arith.cmpi ne, %convert_element_type3A_520, %cond3A_521 : i32
        scf.if %cond3A_522 {
          %jit3A_1283 = arith.constant 32 : i32
          "tpu.trace_start"() <{level = 10 : i32, message = "ep_wait_in"}> : () -> ()
          %div3A_1284 = arith.divsi %add3A_217, %jit3A_1283 : i32
          %sign3A_1285 = arith.constant 0 : i32
          %sign3A_1286 = arith.cmpi sgt, %add3A_217, %sign3A_1285 : i32
          %sign3A_1287 = arith.extui %sign3A_1286 : i1 to i32
          %sign3A_1288 = arith.constant 0 : i32
          %sign3A_1289 = arith.cmpi slt, %add3A_217, %sign3A_1288 : i32
          %sign3A_1290 = arith.extui %sign3A_1289 : i1 to i32
          %sign3A_1291 = arith.subi %sign3A_1287, %sign3A_1290 : i32
          %sign3A_1292 = arith.constant 0 : i32
          %sign3A_1293 = arith.cmpi sgt, %jit3A_1283, %sign3A_1292 : i32
          %sign3A_1294 = arith.extui %sign3A_1293 : i1 to i32
          %sign3A_1295 = arith.constant 0 : i32
          %sign3A_1296 = arith.cmpi slt, %jit3A_1283, %sign3A_1295 : i32
          %sign3A_1297 = arith.extui %sign3A_1296 : i1 to i32
          %sign3A_1298 = arith.subi %sign3A_1294, %sign3A_1297 : i32
          %ne3A_1299 = arith.cmpi ne, %sign3A_1291, %sign3A_1298 : i32
          %rem3A_1300 = arith.remsi %add3A_217, %jit3A_1283 : i32
          %ne3A_1301 = arith.constant 0 : i32
          %ne3A_1302 = arith.cmpi ne, %rem3A_1300, %ne3A_1301 : i32
          %and3A_1303 = arith.andi %ne3A_1299, %ne3A_1302 : i1
          %sub3A_1304 = arith.constant 1 : i32
          %sub3A_1305 = arith.subi %div3A_1284, %sub3A_1304 : i32
          %select_n3A_1306 = arith.select %and3A_1303, %sub3A_1305, %div3A_1284 : i32
          %jit3A_1307 = arith.constant 32 : i32
          %eq3A_1308 = arith.constant 0 : i32
          %eq3A_1309 = arith.cmpi eq, %jit3A_1307, %eq3A_1308 : i32
          %jit3A_1310 = arith.constant 1 : i32
          %select_n3A_1311 = arith.select %eq3A_1309, %jit3A_1310, %jit3A_1307 : i32
          %rem3A_1312 = arith.remsi %add3A_217, %select_n3A_1311 : i32
          %ne3A_1313 = arith.constant 0 : i32
          %ne3A_1314 = arith.cmpi ne, %rem3A_1312, %ne3A_1313 : i32
          %lt3A_1315 = arith.constant 0 : i32
          %lt3A_1316 = arith.cmpi slt, %rem3A_1312, %lt3A_1315 : i32
          %lt3A_1317 = arith.constant 0 : i32
          %lt3A_1318 = arith.cmpi slt, %select_n3A_1311, %lt3A_1317 : i32
          %ne3A_1319 = arith.xori %lt3A_1316, %lt3A_1318 : i1
          %and3A_1320 = arith.andi %ne3A_1319, %ne3A_1314 : i1
          %add3A_1321 = arith.addi %rem3A_1312, %select_n3A_1311 : i32
          %select_n3A_1322 = arith.select %and3A_1320, %add3A_1321, %rem3A_1312 : i32
          %mul3A_1323 = arith.constant 1 : i32
          %mul3A_1324 = arith.muli %mul3A_1323, %select_n3A_1306 : i32
          %mul3A_1325 = arith.constant 512 : i32
          %mul3A_1326 = arith.muli %mul3A_1325, %select_n3A_1322 : i32
          %rem3A_1327 = arith.constant 2 : i32
          %rem3A_1328 = arith.remui %scan3A_209, %rem3A_1327 : i32
          %dma_wait3A_1329 = arith.constant 0 : i32
          %dma_wait3A_1330 = arith.constant 0 : i32
          %dma_wait3A_1331 = tpu.memref_slice %run_scoped3A[%rem3A_1328, %dma_wait3A_1329, %dma_wait3A_1330] : memref<2x1x512xi32, #tpu.memory_space<vmem>> -> memref<1x1x512xi32, #tpu.memory_space<vmem>>
          %dma_wait3A_1332 = tpu.memref_squeeze %dma_wait3A_1331 : memref<1x1x512xi32, #tpu.memory_space<vmem>> -> memref<1x512xi32, #tpu.memory_space<vmem>>
          %dma_wait3A_1333 = tpu.memref_slice %arg3[%mul3A_1324, %mul3A_1326] : memref<200x16384xi32, #tpu.memory_space<hbm>> -> memref<1x512xi32, #tpu.memory_space<hbm>>
          %dma_wait3A_1334 = tpu.memref_slice %run_scoped3A_7[%rem3A_1328] : memref<2x!tpu.dma_semaphore, #tpu.memory_space<semaphore_mem>> -> memref<1x!tpu.dma_semaphore, #tpu.memory_space<semaphore_mem>>
          %dma_wait3A_1335 = tpu.memref_squeeze %dma_wait3A_1334 : memref<1x!tpu.dma_semaphore, #tpu.memory_space<semaphore_mem>> -> memref<!tpu.dma_semaphore, #tpu.memory_space<semaphore_mem>>
          %dma_wait3A_1336 = arith.constant 0 : i32
          %dma_wait3A_1337 = arith.constant 0 : i32
          %dma_wait3A_1338 = tpu.memref_slice %run_scoped3A[%rem3A_1328, %dma_wait3A_1336, %dma_wait3A_1337] : memref<2x1x512xi32, #tpu.memory_space<vmem>> -> memref<1x1x512xi32, #tpu.memory_space<vmem>>
          %dma_wait3A_1339 = tpu.memref_squeeze %dma_wait3A_1338 : memref<1x1x512xi32, #tpu.memory_space<vmem>> -> memref<1x512xi32, #tpu.memory_space<vmem>>
          %dma_wait3A_1340 = tpu.memref_slice %arg3[%mul3A_1324, %mul3A_1326] : memref<200x16384xi32, #tpu.memory_space<hbm>> -> memref<1x512xi32, #tpu.memory_space<hbm>>
          tpu.wait_dma2 semaphore(%dma_wait3A_1335 : memref<!tpu.dma_semaphore, #tpu.memory_space<semaphore_mem>>) src(%dma_wait3A_1340 : memref<1x512xi32, #tpu.memory_space<hbm>>) dst(%dma_wait3A_1339 : memref<1x512xi32, #tpu.memory_space<vmem>>)
          "tpu.trace_stop"() : () -> ()
        } else {
        }
        %jit3A_523 = arith.constant 32 : i32
        %div3A_524 = arith.divsi %add3A_217, %jit3A_523 : i32
        %sign3A_525 = arith.constant 0 : i32
        %sign3A_526 = arith.cmpi sgt, %add3A_217, %sign3A_525 : i32
        %sign3A_527 = arith.extui %sign3A_526 : i1 to i32
        %sign3A_528 = arith.constant 0 : i32
        %sign3A_529 = arith.cmpi slt, %add3A_217, %sign3A_528 : i32
        %sign3A_530 = arith.extui %sign3A_529 : i1 to i32
        %sign3A_531 = arith.subi %sign3A_527, %sign3A_530 : i32
        %sign3A_532 = arith.constant 0 : i32
        %sign3A_533 = arith.cmpi sgt, %jit3A_523, %sign3A_532 : i32
        %sign3A_534 = arith.extui %sign3A_533 : i1 to i32
        %sign3A_535 = arith.constant 0 : i32
        %sign3A_536 = arith.cmpi slt, %jit3A_523, %sign3A_535 : i32
        %sign3A_537 = arith.extui %sign3A_536 : i1 to i32
        %sign3A_538 = arith.subi %sign3A_534, %sign3A_537 : i32
        %ne3A_539 = arith.cmpi ne, %sign3A_531, %sign3A_538 : i32
        %rem3A_540 = arith.remsi %add3A_217, %jit3A_523 : i32
        %ne3A_541 = arith.constant 0 : i32
        %ne3A_542 = arith.cmpi ne, %rem3A_540, %ne3A_541 : i32
        %and3A_543 = arith.andi %ne3A_539, %ne3A_542 : i1
        %sub3A_544 = arith.constant 1 : i32
        %sub3A_545 = arith.subi %div3A_524, %sub3A_544 : i32
        %select_n3A_546 = arith.select %and3A_543, %sub3A_545, %div3A_524 : i32
        %jit3A_547 = arith.constant 32 : i32
        %eq3A_548 = arith.constant 0 : i32
        %eq3A_549 = arith.cmpi eq, %jit3A_547, %eq3A_548 : i32
        %jit3A_550 = arith.constant 1 : i32
        %select_n3A_551 = arith.select %eq3A_549, %jit3A_550, %jit3A_547 : i32
        %rem3A_552 = arith.remsi %add3A_217, %select_n3A_551 : i32
        %ne3A_553 = arith.constant 0 : i32
        %ne3A_554 = arith.cmpi ne, %rem3A_552, %ne3A_553 : i32
        %lt3A_555 = arith.constant 0 : i32
        %lt3A_556 = arith.cmpi slt, %rem3A_552, %lt3A_555 : i32
        %lt3A_557 = arith.constant 0 : i32
        %lt3A_558 = arith.cmpi slt, %select_n3A_551, %lt3A_557 : i32
        %ne3A_559 = arith.xori %lt3A_556, %lt3A_558 : i1
        %and3A_560 = arith.andi %ne3A_559, %ne3A_554 : i1
        %add3A_561 = arith.addi %rem3A_552, %select_n3A_551 : i32
        %select_n3A_562 = arith.select %and3A_560, %add3A_561, %rem3A_552 : i32
        %jit3A_563 = arith.constant 32 : i32
        %div3A_564 = arith.divsi %add3A_226, %jit3A_563 : i32
        %sign3A_565 = arith.constant 0 : i32
        %sign3A_566 = arith.cmpi sgt, %add3A_226, %sign3A_565 : i32
        %sign3A_567 = arith.extui %sign3A_566 : i1 to i32
        %sign3A_568 = arith.constant 0 : i32
        %sign3A_569 = arith.cmpi slt, %add3A_226, %sign3A_568 : i32
        %sign3A_570 = arith.extui %sign3A_569 : i1 to i32
        %sign3A_571 = arith.subi %sign3A_567, %sign3A_570 : i32
        %sign3A_572 = arith.constant 0 : i32
        %sign3A_573 = arith.cmpi sgt, %jit3A_563, %sign3A_572 : i32
        %sign3A_574 = arith.extui %sign3A_573 : i1 to i32
        %sign3A_575 = arith.constant 0 : i32
        %sign3A_576 = arith.cmpi slt, %jit3A_563, %sign3A_575 : i32
        %sign3A_577 = arith.extui %sign3A_576 : i1 to i32
        %sign3A_578 = arith.subi %sign3A_574, %sign3A_577 : i32
        %ne3A_579 = arith.cmpi ne, %sign3A_571, %sign3A_578 : i32
        %rem3A_580 = arith.remsi %add3A_226, %jit3A_563 : i32
        %ne3A_581 = arith.constant 0 : i32
        %ne3A_582 = arith.cmpi ne, %rem3A_580, %ne3A_581 : i32
        %and3A_583 = arith.andi %ne3A_579, %ne3A_582 : i1
        %sub3A_584 = arith.constant 1 : i32
        %sub3A_585 = arith.subi %div3A_564, %sub3A_584 : i32
        %select_n3A_586 = arith.select %and3A_583, %sub3A_585, %div3A_564 : i32
        %jit3A_587 = arith.constant 32 : i32
        %eq3A_588 = arith.constant 0 : i32
        %eq3A_589 = arith.cmpi eq, %jit3A_587, %eq3A_588 : i32
        %jit3A_590 = arith.constant 1 : i32
        %select_n3A_591 = arith.select %eq3A_589, %jit3A_590, %jit3A_587 : i32
        %rem3A_592 = arith.remsi %add3A_226, %select_n3A_591 : i32
        %ne3A_593 = arith.constant 0 : i32
        %ne3A_594 = arith.cmpi ne, %rem3A_592, %ne3A_593 : i32
        %lt3A_595 = arith.constant 0 : i32
        %lt3A_596 = arith.cmpi slt, %rem3A_592, %lt3A_595 : i32
        %lt3A_597 = arith.constant 0 : i32
        %lt3A_598 = arith.cmpi slt, %select_n3A_591, %lt3A_597 : i32
        %ne3A_599 = arith.xori %lt3A_596, %lt3A_598 : i1
        %and3A_600 = arith.andi %ne3A_599, %ne3A_594 : i1
        %add3A_601 = arith.addi %rem3A_592, %select_n3A_591 : i32
        %select_n3A_602 = arith.select %and3A_600, %add3A_601, %rem3A_592 : i32
        %ne3A_603 = arith.cmpi ne, %select_n3A_546, %select_n3A_586 : i32
        %ne3A_604 = arith.cmpi ne, %select_n3A_562, %select_n3A_602 : i32
        %or3A_605 = arith.constant false
        %or3A_606 = arith.ori %or3A_605, %ne3A_603 : i1
        %or3A_607 = arith.constant false
        %or3A_608 = arith.ori %or3A_606, %or3A_607 : i1
        %or3A_609 = arith.ori %or3A_608, %ne3A_604 : i1
        %or3A_610 = arith.constant false
        %or3A_611 = arith.ori %or3A_609, %or3A_610 : i1
        %or3A_612 = arith.constant false
        %or3A_613 = arith.ori %or3A_611, %or3A_612 : i1
        %or3A_614 = arith.ori %or3A_613, %eq3A_214 : i1
        %convert_element_type3A_615 = arith.extui %or3A_614 : i1 to i32
        %cond3A_616 = arith.constant 0 : i32
        %cond3A_617 = arith.cmpi ne, %convert_element_type3A_615, %cond3A_616 : i32
        scf.if %cond3A_617 {
        } else {
        }
        %rem3A_618 = arith.constant 2 : i32
        %rem3A_619 = arith.remui %scan3A_209, %rem3A_618 : i32
        %rem3A_620 = arith.constant 2 : i32
        %rem3A_621 = arith.remui %scan3A_210, %rem3A_620 : i32
        %dma_start3A_622 = arith.constant 0 : i32
        %dma_start3A_623 = arith.constant 0 : i32
        "tpu.trace_start"() <{level = 10 : i32, message = "ep_run_kernel"}> : () -> ()
        %dma_start3A_624 = arith.constant 0 : i32
        %dma_start3A_625 = arith.constant 0 : i32
        %dma_start3A_626 = tpu.memref_slice %arg5[%dma_start3A_623, %dma_start3A_624, %dma_start3A_625] : memref<4x128x32xf32, #tpu.memory_space<vmem>> -> memref<1x128x32xf32, #tpu.memory_space<vmem>>
        %dma_start3A_627 = tpu.memref_squeeze %dma_start3A_626 : memref<1x128x32xf32, #tpu.memory_space<vmem>> -> memref<128x32xf32, #tpu.memory_space<vmem>>
        %dma_start3A_628 = arith.constant 0 : i32
        %dma_start3A_629 = arith.constant 0 : i32
        %dma_start3A_630 = tpu.memref_slice %run_scoped3A[%rem3A_619, %dma_start3A_628, %dma_start3A_629] : memref<2x1x512xi32, #tpu.memory_space<vmem>> -> memref<1x1x512xi32, #tpu.memory_space<vmem>>
        %dma_start3A_631 = tpu.memref_squeeze %dma_start3A_630 : memref<1x1x512xi32, #tpu.memory_space<vmem>> -> memref<1x512xi32, #tpu.memory_space<vmem>>
        %dma_start3A_632 = arith.constant 0 : i32
        %dma_start3A_633 = tpu.memref_slice %dma_start3A_631[%dma_start3A_622, %dma_start3A_632] : memref<1x512xi32, #tpu.memory_space<vmem>> -> memref<1x128xi32, #tpu.memory_space<vmem>>
        %dma_start3A_634 = tpu.memref_squeeze %dma_start3A_633 : memref<1x128xi32, #tpu.memory_space<vmem>> -> memref<128xi32, #tpu.memory_space<vmem>>
        %dma_start3A_635 = arith.constant 0 : i32
        %dma_start3A_636 = arith.constant 0 : i32
        %dma_start3A_637 = tpu.memref_slice %arg2[%dma_start3A_635, %dma_start3A_636] : memref<100000x32xf32, #tpu.memory_space<hbm>> -> memref<100000x32xf32, #tpu.memory_space<hbm>>
        tpu.enqueue_indirect_dma source(%dma_start3A_637 : memref<100000x32xf32, #tpu.memory_space<hbm>>) target(%dma_start3A_627 : memref<128x32xf32, #tpu.memory_space<vmem>>) offsets(%dma_start3A_634 : memref<128xi32, #tpu.memory_space<vmem>>) semaphore(%arg6 : memref<!tpu.dma_semaphore, #tpu.memory_space<semaphore_mem>>)
        %dma_start3A_638 = arith.constant 0 : i32
        %dma_start3A_639 = arith.constant 1 : i32
        %dma_start3A_640 = arith.constant 0 : i32
        %dma_start3A_641 = arith.constant 0 : i32
        %dma_start3A_642 = tpu.memref_slice %arg5[%dma_start3A_639, %dma_start3A_640, %dma_start3A_641] : memref<4x128x32xf32, #tpu.memory_space<vmem>> -> memref<1x128x32xf32, #tpu.memory_space<vmem>>
        %dma_start3A_643 = tpu.memref_squeeze %dma_start3A_642 : memref<1x128x32xf32, #tpu.memory_space<vmem>> -> memref<128x32xf32, #tpu.memory_space<vmem>>
        %dma_start3A_644 = arith.constant 0 : i32
        %dma_start3A_645 = arith.constant 0 : i32
        %dma_start3A_646 = tpu.memref_slice %run_scoped3A[%rem3A_619, %dma_start3A_644, %dma_start3A_645] : memref<2x1x512xi32, #tpu.memory_space<vmem>> -> memref<1x1x512xi32, #tpu.memory_space<vmem>>
        %dma_start3A_647 = tpu.memref_squeeze %dma_start3A_646 : memref<1x1x512xi32, #tpu.memory_space<vmem>> -> memref<1x512xi32, #tpu.memory_space<vmem>>
        %dma_start3A_648 = arith.constant 128 : i32
        %dma_start3A_649 = tpu.memref_slice %dma_start3A_647[%dma_start3A_638, %dma_start3A_648] : memref<1x512xi32, #tpu.memory_space<vmem>> -> memref<1x128xi32, #tpu.memory_space<vmem>>
        %dma_start3A_650 = tpu.memref_squeeze %dma_start3A_649 : memref<1x128xi32, #tpu.memory_space<vmem>> -> memref<128xi32, #tpu.memory_space<vmem>>
        %dma_start3A_651 = arith.constant 0 : i32
        %dma_start3A_652 = arith.constant 0 : i32
        %dma_start3A_653 = tpu.memref_slice %arg2[%dma_start3A_651, %dma_start3A_652] : memref<100000x32xf32, #tpu.memory_space<hbm>> -> memref<100000x32xf32, #tpu.memory_space<hbm>>
        tpu.enqueue_indirect_dma source(%dma_start3A_653 : memref<100000x32xf32, #tpu.memory_space<hbm>>) target(%dma_start3A_643 : memref<128x32xf32, #tpu.memory_space<vmem>>) offsets(%dma_start3A_650 : memref<128xi32, #tpu.memory_space<vmem>>) semaphore(%arg6 : memref<!tpu.dma_semaphore, #tpu.memory_space<semaphore_mem>>)
        %dma_start3A_654 = arith.constant 0 : i32
        %dma_start3A_655 = arith.constant 2 : i32
        %dma_start3A_656 = arith.constant 0 : i32
        %dma_start3A_657 = arith.constant 0 : i32
        %dma_start3A_658 = tpu.memref_slice %arg5[%dma_start3A_655, %dma_start3A_656, %dma_start3A_657] : memref<4x128x32xf32, #tpu.memory_space<vmem>> -> memref<1x128x32xf32, #tpu.memory_space<vmem>>
        %dma_start3A_659 = tpu.memref_squeeze %dma_start3A_658 : memref<1x128x32xf32, #tpu.memory_space<vmem>> -> memref<128x32xf32, #tpu.memory_space<vmem>>
        %dma_start3A_660 = arith.constant 0 : i32
        %dma_start3A_661 = arith.constant 0 : i32
        %dma_start3A_662 = tpu.memref_slice %run_scoped3A[%rem3A_619, %dma_start3A_660, %dma_start3A_661] : memref<2x1x512xi32, #tpu.memory_space<vmem>> -> memref<1x1x512xi32, #tpu.memory_space<vmem>>
        %dma_start3A_663 = tpu.memref_squeeze %dma_start3A_662 : memref<1x1x512xi32, #tpu.memory_space<vmem>> -> memref<1x512xi32, #tpu.memory_space<vmem>>
        %dma_start3A_664 = arith.constant 256 : i32
        %dma_start3A_665 = tpu.memref_slice %dma_start3A_663[%dma_start3A_654, %dma_start3A_664] : memref<1x512xi32, #tpu.memory_space<vmem>> -> memref<1x128xi32, #tpu.memory_space<vmem>>
        %dma_start3A_666 = tpu.memref_squeeze %dma_start3A_665 : memref<1x128xi32, #tpu.memory_space<vmem>> -> memref<128xi32, #tpu.memory_space<vmem>>
        %dma_start3A_667 = arith.constant 0 : i32
        %dma_start3A_668 = arith.constant 0 : i32
        %dma_start3A_669 = tpu.memref_slice %arg2[%dma_start3A_667, %dma_start3A_668] : memref<100000x32xf32, #tpu.memory_space<hbm>> -> memref<100000x32xf32, #tpu.memory_space<hbm>>
        tpu.enqueue_indirect_dma source(%dma_start3A_669 : memref<100000x32xf32, #tpu.memory_space<hbm>>) target(%dma_start3A_659 : memref<128x32xf32, #tpu.memory_space<vmem>>) offsets(%dma_start3A_666 : memref<128xi32, #tpu.memory_space<vmem>>) semaphore(%arg6 : memref<!tpu.dma_semaphore, #tpu.memory_space<semaphore_mem>>)
        %dma_start3A_670 = arith.constant 0 : i32
        %dma_start3A_671 = arith.constant 3 : i32
        %dma_start3A_672 = arith.constant 0 : i32
        %dma_start3A_673 = arith.constant 0 : i32
        %dma_start3A_674 = tpu.memref_slice %arg5[%dma_start3A_671, %dma_start3A_672, %dma_start3A_673] : memref<4x128x32xf32, #tpu.memory_space<vmem>> -> memref<1x128x32xf32, #tpu.memory_space<vmem>>
        %dma_start3A_675 = tpu.memref_squeeze %dma_start3A_674 : memref<1x128x32xf32, #tpu.memory_space<vmem>> -> memref<128x32xf32, #tpu.memory_space<vmem>>
        %dma_start3A_676 = arith.constant 0 : i32
        %dma_start3A_677 = arith.constant 0 : i32
        %dma_start3A_678 = tpu.memref_slice %run_scoped3A[%rem3A_619, %dma_start3A_676, %dma_start3A_677] : memref<2x1x512xi32, #tpu.memory_space<vmem>> -> memref<1x1x512xi32, #tpu.memory_space<vmem>>
        %dma_start3A_679 = tpu.memref_squeeze %dma_start3A_678 : memref<1x1x512xi32, #tpu.memory_space<vmem>> -> memref<1x512xi32, #tpu.memory_space<vmem>>
        %dma_start3A_680 = arith.constant 384 : i32
        %dma_start3A_681 = tpu.memref_slice %dma_start3A_679[%dma_start3A_670, %dma_start3A_680] : memref<1x512xi32, #tpu.memory_space<vmem>> -> memref<1x128xi32, #tpu.memory_space<vmem>>
        %dma_start3A_682 = tpu.memref_squeeze %dma_start3A_681 : memref<1x128xi32, #tpu.memory_space<vmem>> -> memref<128xi32, #tpu.memory_space<vmem>>
        %dma_start3A_683 = arith.constant 0 : i32
        %dma_start3A_684 = arith.constant 0 : i32
        %dma_start3A_685 = tpu.memref_slice %arg2[%dma_start3A_683, %dma_start3A_684] : memref<100000x32xf32, #tpu.memory_space<hbm>> -> memref<100000x32xf32, #tpu.memory_space<hbm>>
        tpu.enqueue_indirect_dma source(%dma_start3A_685 : memref<100000x32xf32, #tpu.memory_space<hbm>>) target(%dma_start3A_675 : memref<128x32xf32, #tpu.memory_space<vmem>>) offsets(%dma_start3A_682 : memref<128xi32, #tpu.memory_space<vmem>>) semaphore(%arg6 : memref<!tpu.dma_semaphore, #tpu.memory_space<semaphore_mem>>)
        %iota3A = tpu.iota {dimensions = array<i32: 0>} : vector<16xi32>
        %add3A_686 = arith.constant 0 : i32
        %add3A_687 = vector.broadcast %add3A_686 : i32 to vector<16xi32>
        %add3A_688 = arith.addi %iota3A, %add3A_687 : vector<16xi32>
        %add3A_689 = arith.constant 16 : i32
        %add3A_690 = vector.broadcast %add3A_689 : i32 to vector<16xi32>
        %add3A_691 = arith.addi %iota3A, %add3A_690 : vector<16xi32>
        %add3A_692 = arith.constant 32 : i32
        %add3A_693 = vector.broadcast %add3A_692 : i32 to vector<16xi32>
        %add3A_694 = arith.addi %iota3A, %add3A_693 : vector<16xi32>
        %add3A_695 = arith.constant 48 : i32
        %add3A_696 = vector.broadcast %add3A_695 : i32 to vector<16xi32>
        %add3A_697 = arith.addi %iota3A, %add3A_696 : vector<16xi32>
        %add3A_698 = arith.constant 64 : i32
        %add3A_699 = vector.broadcast %add3A_698 : i32 to vector<16xi32>
        %add3A_700 = arith.addi %iota3A, %add3A_699 : vector<16xi32>
        %add3A_701 = arith.constant 80 : i32
        %add3A_702 = vector.broadcast %add3A_701 : i32 to vector<16xi32>
        %add3A_703 = arith.addi %iota3A, %add3A_702 : vector<16xi32>
        %add3A_704 = arith.constant 96 : i32
        %add3A_705 = vector.broadcast %add3A_704 : i32 to vector<16xi32>
        %add3A_706 = arith.addi %iota3A, %add3A_705 : vector<16xi32>
        %add3A_707 = arith.constant 112 : i32
        %add3A_708 = vector.broadcast %add3A_707 : i32 to vector<16xi32>
        %add3A_709 = arith.addi %iota3A, %add3A_708 : vector<16xi32>
        %broadcast_in_dim3A = arith.constant 0 : i32
        %broadcast_in_dim3A_710 = vector.broadcast %broadcast_in_dim3A : i32 to vector<16xi32>
        %broadcast_in_dim3A_711 = arith.constant 1 : i32
        %broadcast_in_dim3A_712 = vector.broadcast %broadcast_in_dim3A_711 : i32 to vector<16xi32>
        %dma_wait3A_713 = arith.constant 0 : i32
        %dma_wait3A_714 = arith.constant 0 : i32
        %dma_wait3A_715 = arith.constant 0 : i32
        %dma_wait3A_716 = arith.constant 0 : i32
        %dma_wait3A_717 = tpu.memref_slice %arg5[%dma_wait3A_714, %dma_wait3A_715, %dma_wait3A_716] : memref<4x128x32xf32, #tpu.memory_space<vmem>> -> memref<1x128x32xf32, #tpu.memory_space<vmem>>
        %dma_wait3A_718 = tpu.memref_squeeze %dma_wait3A_717 : memref<1x128x32xf32, #tpu.memory_space<vmem>> -> memref<128x32xf32, #tpu.memory_space<vmem>>
        %dma_wait3A_719 = arith.constant 0 : i32
        %dma_wait3A_720 = arith.constant 0 : i32
        %dma_wait3A_721 = tpu.memref_slice %run_scoped3A[%rem3A_619, %dma_wait3A_719, %dma_wait3A_720] : memref<2x1x512xi32, #tpu.memory_space<vmem>> -> memref<1x1x512xi32, #tpu.memory_space<vmem>>
        %dma_wait3A_722 = tpu.memref_squeeze %dma_wait3A_721 : memref<1x1x512xi32, #tpu.memory_space<vmem>> -> memref<1x512xi32, #tpu.memory_space<vmem>>
        %dma_wait3A_723 = arith.constant 0 : i32
        %dma_wait3A_724 = tpu.memref_slice %dma_wait3A_722[%dma_wait3A_713, %dma_wait3A_723] : memref<1x512xi32, #tpu.memory_space<vmem>> -> memref<1x128xi32, #tpu.memory_space<vmem>>
        %dma_wait3A_725 = tpu.memref_squeeze %dma_wait3A_724 : memref<1x128xi32, #tpu.memory_space<vmem>> -> memref<128xi32, #tpu.memory_space<vmem>>
        %dma_wait3A_726 = arith.constant 0 : i32
        %dma_wait3A_727 = arith.constant 0 : i32
        %dma_wait3A_728 = tpu.memref_slice %arg2[%dma_wait3A_726, %dma_wait3A_727] : memref<100000x32xf32, #tpu.memory_space<hbm>> -> memref<100000x32xf32, #tpu.memory_space<hbm>>
        tpu.wait_indirect_dma semaphore(%arg6 : memref<!tpu.dma_semaphore, #tpu.memory_space<semaphore_mem>>) src(%dma_wait3A_728 : memref<100000x32xf32, #tpu.memory_space<hbm>>) dst(%dma_wait3A_718 : memref<128x32xf32, #tpu.memory_space<vmem>>)
        %mul3A_729 = arith.constant 0 : i32
        %mul3A_730 = vector.broadcast %mul3A_729 : i32 to vector<16xi32>
        %mul3A_731 = arith.muli %broadcast_in_dim3A_712, %mul3A_730 : vector<16xi32>
        %parallel_loop3A = arith.constant 0 : i32
        %parallel_loop3A_732 = arith.constant 32 : i32
        %parallel_loop3A_733 = arith.constant 1 : i32
        scf.for %parallel_loop3A_1283 = %parallel_loop3A to %parallel_loop3A_732 step %parallel_loop3A_733  : i32 {
          %parallel_loop3A_1284 = vector.broadcast %parallel_loop3A_1283 : i32 to vector<16xi32>
          %parallel_loop3A_1285 = arith.addi %parallel_loop3A_1284, %iota3A : vector<16xi32>
          %parallel_loop3A_1286 = arith.constant 31 : i32
          %parallel_loop3A_1287 = vector.broadcast %parallel_loop3A_1286 : i32 to vector<16xi32>
          %parallel_loop3A_1288 = arith.andi %parallel_loop3A_1285, %parallel_loop3A_1287 : vector<16xi32>
          %parallel_loop3A_1289 = arith.constant 3 : i32
          %parallel_loop3A_1290 = vector.broadcast %parallel_loop3A_1289 : i32 to vector<16xi32>
          %parallel_loop3A_1291 = arith.shrui %parallel_loop3A_1288, %parallel_loop3A_1290 : vector<16xi32>
          %parallel_loop3A_1292 = arith.constant 7 : i32
          %parallel_loop3A_1293 = vector.broadcast %parallel_loop3A_1292 : i32 to vector<16xi32>
          %parallel_loop3A_1294 = arith.andi %parallel_loop3A_1288, %parallel_loop3A_1293 : vector<16xi32>
          %parallel_loop3A_1295 = arith.constant 0 : i32
          %parallel_loop3A_1296 = arith.constant 0 : i32
          %parallel_loop3A_1297 = arith.constant 0 : i32
          %parallel_loop3A_1298 = tpu.memref_slice %arg5[%parallel_loop3A_1295, %parallel_loop3A_1296, %parallel_loop3A_1297] : memref<4x128x32xf32, #tpu.memory_space<vmem>> -> memref<1x128x32xf32, #tpu.memory_space<vmem>>
          %parallel_loop3A_1299 = tpu.memref_squeeze %parallel_loop3A_1298 : memref<1x128x32xf32, #tpu.memory_space<vmem>> -> memref<128x32xf32, #tpu.memory_space<vmem>>
          %parallel_loop3A_1300 = tpu.vector_load_idx %parallel_loop3A_1299[%add3A_688, %parallel_loop3A_1288] : memref<128x32xf32, #tpu.memory_space<vmem>>[vector<16xi32>, vector<16xi32>], vector<16xf32>,
          %parallel_loop3A_1301 = arith.constant 0 : i32
          %parallel_loop3A_1302 = arith.constant 0 : i32
          %parallel_loop3A_1303 = arith.constant 0 : i32
          %parallel_loop3A_1304 = arith.constant 0 : i32
          %parallel_loop3A_1305 = arith.constant 0 : i32
          %parallel_loop3A_1306 = tpu.memref_slice %run_scoped3A_8[%rem3A_621, %parallel_loop3A_1301, %parallel_loop3A_1302, %parallel_loop3A_1303, %parallel_loop3A_1304, %parallel_loop3A_1305] : memref<2x1x4x4x8x128xf32, #tpu.memory_space<vmem>> -> memref<1x1x4x4x8x128xf32, #tpu.memory_space<vmem>>
          %parallel_loop3A_1307 = tpu.memref_squeeze %parallel_loop3A_1306 : memref<1x1x4x4x8x128xf32, #tpu.memory_space<vmem>> -> memref<1x4x4x8x128xf32, #tpu.memory_space<vmem>>
          tpu.vector_store_idx %parallel_loop3A_1307[%broadcast_in_dim3A_710, %parallel_loop3A_1291, %mul3A_731, %parallel_loop3A_1294, %add3A_688], %parallel_loop3A_1300 : memref<1x4x4x8x128xf32, #tpu.memory_space<vmem>>[vector<16xi32>, vector<16xi32>, vector<16xi32>, vector<16xi32>, vector<16xi32>], vector<16xf32>,
          %parallel_loop3A_1308 = arith.constant 0 : i32
          %parallel_loop3A_1309 = arith.constant 0 : i32
          %parallel_loop3A_1310 = arith.constant 0 : i32
          %parallel_loop3A_1311 = tpu.memref_slice %arg5[%parallel_loop3A_1308, %parallel_loop3A_1309, %parallel_loop3A_1310] : memref<4x128x32xf32, #tpu.memory_space<vmem>> -> memref<1x128x32xf32, #tpu.memory_space<vmem>>
          %parallel_loop3A_1312 = tpu.memref_squeeze %parallel_loop3A_1311 : memref<1x128x32xf32, #tpu.memory_space<vmem>> -> memref<128x32xf32, #tpu.memory_space<vmem>>
          %parallel_loop3A_1313 = tpu.vector_load_idx %parallel_loop3A_1312[%add3A_691, %parallel_loop3A_1288] : memref<128x32xf32, #tpu.memory_space<vmem>>[vector<16xi32>, vector<16xi32>], vector<16xf32>,
          %parallel_loop3A_1314 = arith.constant 0 : i32
          %parallel_loop3A_1315 = arith.constant 0 : i32
          %parallel_loop3A_1316 = arith.constant 0 : i32
          %parallel_loop3A_1317 = arith.constant 0 : i32
          %parallel_loop3A_1318 = arith.constant 0 : i32
          %parallel_loop3A_1319 = tpu.memref_slice %run_scoped3A_8[%rem3A_621, %parallel_loop3A_1314, %parallel_loop3A_1315, %parallel_loop3A_1316, %parallel_loop3A_1317, %parallel_loop3A_1318] : memref<2x1x4x4x8x128xf32, #tpu.memory_space<vmem>> -> memref<1x1x4x4x8x128xf32, #tpu.memory_space<vmem>>
          %parallel_loop3A_1320 = tpu.memref_squeeze %parallel_loop3A_1319 : memref<1x1x4x4x8x128xf32, #tpu.memory_space<vmem>> -> memref<1x4x4x8x128xf32, #tpu.memory_space<vmem>>
          tpu.vector_store_idx %parallel_loop3A_1320[%broadcast_in_dim3A_710, %parallel_loop3A_1291, %mul3A_731, %parallel_loop3A_1294, %add3A_691], %parallel_loop3A_1313 : memref<1x4x4x8x128xf32, #tpu.memory_space<vmem>>[vector<16xi32>, vector<16xi32>, vector<16xi32>, vector<16xi32>, vector<16xi32>], vector<16xf32>,
          %parallel_loop3A_1321 = arith.constant 0 : i32
          %parallel_loop3A_1322 = arith.constant 0 : i32
          %parallel_loop3A_1323 = arith.constant 0 : i32
          %parallel_loop3A_1324 = tpu.memref_slice %arg5[%parallel_loop3A_1321, %parallel_loop3A_1322, %parallel_loop3A_1323] : memref<4x128x32xf32, #tpu.memory_space<vmem>> -> memref<1x128x32xf32, #tpu.memory_space<vmem>>
          %parallel_loop3A_1325 = tpu.memref_squeeze %parallel_loop3A_1324 : memref<1x128x32xf32, #tpu.memory_space<vmem>> -> memref<128x32xf32, #tpu.memory_space<vmem>>
          %parallel_loop3A_1326 = tpu.vector_load_idx %parallel_loop3A_1325[%add3A_694, %parallel_loop3A_1288] : memref<128x32xf32, #tpu.memory_space<vmem>>[vector<16xi32>, vector<16xi32>], vector<16xf32>,
          %parallel_loop3A_1327 = arith.constant 0 : i32
          %parallel_loop3A_1328 = arith.constant 0 : i32
          %parallel_loop3A_1329 = arith.constant 0 : i32
          %parallel_loop3A_1330 = arith.constant 0 : i32
          %parallel_loop3A_1331 = arith.constant 0 : i32
          %parallel_loop3A_1332 = tpu.memref_slice %run_scoped3A_8[%rem3A_621, %parallel_loop3A_1327, %parallel_loop3A_1328, %parallel_loop3A_1329, %parallel_loop3A_1330, %parallel_loop3A_1331] : memref<2x1x4x4x8x128xf32, #tpu.memory_space<vmem>> -> memref<1x1x4x4x8x128xf32, #tpu.memory_space<vmem>>
          %parallel_loop3A_1333 = tpu.memref_squeeze %parallel_loop3A_1332 : memref<1x1x4x4x8x128xf32, #tpu.memory_space<vmem>> -> memref<1x4x4x8x128xf32, #tpu.memory_space<vmem>>
          tpu.vector_store_idx %parallel_loop3A_1333[%broadcast_in_dim3A_710, %parallel_loop3A_1291, %mul3A_731, %parallel_loop3A_1294, %add3A_694], %parallel_loop3A_1326 : memref<1x4x4x8x128xf32, #tpu.memory_space<vmem>>[vector<16xi32>, vector<16xi32>, vector<16xi32>, vector<16xi32>, vector<16xi32>], vector<16xf32>,
          %parallel_loop3A_1334 = arith.constant 0 : i32
          %parallel_loop3A_1335 = arith.constant 0 : i32
          %parallel_loop3A_1336 = arith.constant 0 : i32
          %parallel_loop3A_1337 = tpu.memref_slice %arg5[%parallel_loop3A_1334, %parallel_loop3A_1335, %parallel_loop3A_1336] : memref<4x128x32xf32, #tpu.memory_space<vmem>> -> memref<1x128x32xf32, #tpu.memory_space<vmem>>
          %parallel_loop3A_1338 = tpu.memref_squeeze %parallel_loop3A_1337 : memref<1x128x32xf32, #tpu.memory_space<vmem>> -> memref<128x32xf32, #tpu.memory_space<vmem>>
          %parallel_loop3A_1339 = tpu.vector_load_idx %parallel_loop3A_1338[%add3A_697, %parallel_loop3A_1288] : memref<128x32xf32, #tpu.memory_space<vmem>>[vector<16xi32>, vector<16xi32>], vector<16xf32>,
          %parallel_loop3A_1340 = arith.constant 0 : i32
          %parallel_loop3A_1341 = arith.constant 0 : i32
          %parallel_loop3A_1342 = arith.constant 0 : i32
          %parallel_loop3A_1343 = arith.constant 0 : i32
          %parallel_loop3A_1344 = arith.constant 0 : i32
          %parallel_loop3A_1345 = tpu.memref_slice %run_scoped3A_8[%rem3A_621, %parallel_loop3A_1340, %parallel_loop3A_1341, %parallel_loop3A_1342, %parallel_loop3A_1343, %parallel_loop3A_1344] : memref<2x1x4x4x8x128xf32, #tpu.memory_space<vmem>> -> memref<1x1x4x4x8x128xf32, #tpu.memory_space<vmem>>
          %parallel_loop3A_1346 = tpu.memref_squeeze %parallel_loop3A_1345 : memref<1x1x4x4x8x128xf32, #tpu.memory_space<vmem>> -> memref<1x4x4x8x128xf32, #tpu.memory_space<vmem>>
          tpu.vector_store_idx %parallel_loop3A_1346[%broadcast_in_dim3A_710, %parallel_loop3A_1291, %mul3A_731, %parallel_loop3A_1294, %add3A_697], %parallel_loop3A_1339 : memref<1x4x4x8x128xf32, #tpu.memory_space<vmem>>[vector<16xi32>, vector<16xi32>, vector<16xi32>, vector<16xi32>, vector<16xi32>], vector<16xf32>,
          %parallel_loop3A_1347 = arith.constant 0 : i32
          %parallel_loop3A_1348 = arith.constant 0 : i32
          %parallel_loop3A_1349 = arith.constant 0 : i32
          %parallel_loop3A_1350 = tpu.memref_slice %arg5[%parallel_loop3A_1347, %parallel_loop3A_1348, %parallel_loop3A_1349] : memref<4x128x32xf32, #tpu.memory_space<vmem>> -> memref<1x128x32xf32, #tpu.memory_space<vmem>>
          %parallel_loop3A_1351 = tpu.memref_squeeze %parallel_loop3A_1350 : memref<1x128x32xf32, #tpu.memory_space<vmem>> -> memref<128x32xf32, #tpu.memory_space<vmem>>
          %parallel_loop3A_1352 = tpu.vector_load_idx %parallel_loop3A_1351[%add3A_700, %parallel_loop3A_1288] : memref<128x32xf32, #tpu.memory_space<vmem>>[vector<16xi32>, vector<16xi32>], vector<16xf32>,
          %parallel_loop3A_1353 = arith.constant 0 : i32
          %parallel_loop3A_1354 = arith.constant 0 : i32
          %parallel_loop3A_1355 = arith.constant 0 : i32
          %parallel_loop3A_1356 = arith.constant 0 : i32
          %parallel_loop3A_1357 = arith.constant 0 : i32
          %parallel_loop3A_1358 = tpu.memref_slice %run_scoped3A_8[%rem3A_621, %parallel_loop3A_1353, %parallel_loop3A_1354, %parallel_loop3A_1355, %parallel_loop3A_1356, %parallel_loop3A_1357] : memref<2x1x4x4x8x128xf32, #tpu.memory_space<vmem>> -> memref<1x1x4x4x8x128xf32, #tpu.memory_space<vmem>>
          %parallel_loop3A_1359 = tpu.memref_squeeze %parallel_loop3A_1358 : memref<1x1x4x4x8x128xf32, #tpu.memory_space<vmem>> -> memref<1x4x4x8x128xf32, #tpu.memory_space<vmem>>
          tpu.vector_store_idx %parallel_loop3A_1359[%broadcast_in_dim3A_710, %parallel_loop3A_1291, %mul3A_731, %parallel_loop3A_1294, %add3A_700], %parallel_loop3A_1352 : memref<1x4x4x8x128xf32, #tpu.memory_space<vmem>>[vector<16xi32>, vector<16xi32>, vector<16xi32>, vector<16xi32>, vector<16xi32>], vector<16xf32>,
          %parallel_loop3A_1360 = arith.constant 0 : i32
          %parallel_loop3A_1361 = arith.constant 0 : i32
          %parallel_loop3A_1362 = arith.constant 0 : i32
          %parallel_loop3A_1363 = tpu.memref_slice %arg5[%parallel_loop3A_1360, %parallel_loop3A_1361, %parallel_loop3A_1362] : memref<4x128x32xf32, #tpu.memory_space<vmem>> -> memref<1x128x32xf32, #tpu.memory_space<vmem>>
          %parallel_loop3A_1364 = tpu.memref_squeeze %parallel_loop3A_1363 : memref<1x128x32xf32, #tpu.memory_space<vmem>> -> memref<128x32xf32, #tpu.memory_space<vmem>>
          %parallel_loop3A_1365 = tpu.vector_load_idx %parallel_loop3A_1364[%add3A_703, %parallel_loop3A_1288] : memref<128x32xf32, #tpu.memory_space<vmem>>[vector<16xi32>, vector<16xi32>], vector<16xf32>,
          %parallel_loop3A_1366 = arith.constant 0 : i32
          %parallel_loop3A_1367 = arith.constant 0 : i32
          %parallel_loop3A_1368 = arith.constant 0 : i32
          %parallel_loop3A_1369 = arith.constant 0 : i32
          %parallel_loop3A_1370 = arith.constant 0 : i32
          %parallel_loop3A_1371 = tpu.memref_slice %run_scoped3A_8[%rem3A_621, %parallel_loop3A_1366, %parallel_loop3A_1367, %parallel_loop3A_1368, %parallel_loop3A_1369, %parallel_loop3A_1370] : memref<2x1x4x4x8x128xf32, #tpu.memory_space<vmem>> -> memref<1x1x4x4x8x128xf32, #tpu.memory_space<vmem>>
          %parallel_loop3A_1372 = tpu.memref_squeeze %parallel_loop3A_1371 : memref<1x1x4x4x8x128xf32, #tpu.memory_space<vmem>> -> memref<1x4x4x8x128xf32, #tpu.memory_space<vmem>>
          tpu.vector_store_idx %parallel_loop3A_1372[%broadcast_in_dim3A_710, %parallel_loop3A_1291, %mul3A_731, %parallel_loop3A_1294, %add3A_703], %parallel_loop3A_1365 : memref<1x4x4x8x128xf32, #tpu.memory_space<vmem>>[vector<16xi32>, vector<16xi32>, vector<16xi32>, vector<16xi32>, vector<16xi32>], vector<16xf32>,
          %parallel_loop3A_1373 = arith.constant 0 : i32
          %parallel_loop3A_1374 = arith.constant 0 : i32
          %parallel_loop3A_1375 = arith.constant 0 : i32
          %parallel_loop3A_1376 = tpu.memref_slice %arg5[%parallel_loop3A_1373, %parallel_loop3A_1374, %parallel_loop3A_1375] : memref<4x128x32xf32, #tpu.memory_space<vmem>> -> memref<1x128x32xf32, #tpu.memory_space<vmem>>
          %parallel_loop3A_1377 = tpu.memref_squeeze %parallel_loop3A_1376 : memref<1x128x32xf32, #tpu.memory_space<vmem>> -> memref<128x32xf32, #tpu.memory_space<vmem>>
          %parallel_loop3A_1378 = tpu.vector_load_idx %parallel_loop3A_1377[%add3A_706, %parallel_loop3A_1288] : memref<128x32xf32, #tpu.memory_space<vmem>>[vector<16xi32>, vector<16xi32>], vector<16xf32>,
          %parallel_loop3A_1379 = arith.constant 0 : i32
          %parallel_loop3A_1380 = arith.constant 0 : i32
          %parallel_loop3A_1381 = arith.constant 0 : i32
          %parallel_loop3A_1382 = arith.constant 0 : i32
          %parallel_loop3A_1383 = arith.constant 0 : i32
          %parallel_loop3A_1384 = tpu.memref_slice %run_scoped3A_8[%rem3A_621, %parallel_loop3A_1379, %parallel_loop3A_1380, %parallel_loop3A_1381, %parallel_loop3A_1382, %parallel_loop3A_1383] : memref<2x1x4x4x8x128xf32, #tpu.memory_space<vmem>> -> memref<1x1x4x4x8x128xf32, #tpu.memory_space<vmem>>
          %parallel_loop3A_1385 = tpu.memref_squeeze %parallel_loop3A_1384 : memref<1x1x4x4x8x128xf32, #tpu.memory_space<vmem>> -> memref<1x4x4x8x128xf32, #tpu.memory_space<vmem>>
          tpu.vector_store_idx %parallel_loop3A_1385[%broadcast_in_dim3A_710, %parallel_loop3A_1291, %mul3A_731, %parallel_loop3A_1294, %add3A_706], %parallel_loop3A_1378 : memref<1x4x4x8x128xf32, #tpu.memory_space<vmem>>[vector<16xi32>, vector<16xi32>, vector<16xi32>, vector<16xi32>, vector<16xi32>], vector<16xf32>,
          %parallel_loop3A_1386 = arith.constant 0 : i32
          %parallel_loop3A_1387 = arith.constant 0 : i32
          %parallel_loop3A_1388 = arith.constant 0 : i32
          %parallel_loop3A_1389 = tpu.memref_slice %arg5[%parallel_loop3A_1386, %parallel_loop3A_1387, %parallel_loop3A_1388] : memref<4x128x32xf32, #tpu.memory_space<vmem>> -> memref<1x128x32xf32, #tpu.memory_space<vmem>>
          %parallel_loop3A_1390 = tpu.memref_squeeze %parallel_loop3A_1389 : memref<1x128x32xf32, #tpu.memory_space<vmem>> -> memref<128x32xf32, #tpu.memory_space<vmem>>
          %parallel_loop3A_1391 = tpu.vector_load_idx %parallel_loop3A_1390[%add3A_709, %parallel_loop3A_1288] : memref<128x32xf32, #tpu.memory_space<vmem>>[vector<16xi32>, vector<16xi32>], vector<16xf32>,
          %parallel_loop3A_1392 = arith.constant 0 : i32
          %parallel_loop3A_1393 = arith.constant 0 : i32
          %parallel_loop3A_1394 = arith.constant 0 : i32
          %parallel_loop3A_1395 = arith.constant 0 : i32
          %parallel_loop3A_1396 = arith.constant 0 : i32
          %parallel_loop3A_1397 = tpu.memref_slice %run_scoped3A_8[%rem3A_621, %parallel_loop3A_1392, %parallel_loop3A_1393, %parallel_loop3A_1394, %parallel_loop3A_1395, %parallel_loop3A_1396] : memref<2x1x4x4x8x128xf32, #tpu.memory_space<vmem>> -> memref<1x1x4x4x8x128xf32, #tpu.memory_space<vmem>>
          %parallel_loop3A_1398 = tpu.memref_squeeze %parallel_loop3A_1397 : memref<1x1x4x4x8x128xf32, #tpu.memory_space<vmem>> -> memref<1x4x4x8x128xf32, #tpu.memory_space<vmem>>
          tpu.vector_store_idx %parallel_loop3A_1398[%broadcast_in_dim3A_710, %parallel_loop3A_1291, %mul3A_731, %parallel_loop3A_1294, %add3A_709], %parallel_loop3A_1391 : memref<1x4x4x8x128xf32, #tpu.memory_space<vmem>>[vector<16xi32>, vector<16xi32>, vector<16xi32>, vector<16xi32>, vector<16xi32>], vector<16xf32>,
        } {sc.loop_unroll_factor = 4 : i64, sc.parallel_access}
        %dma_wait3A_734 = arith.constant 0 : i32
        %dma_wait3A_735 = arith.constant 1 : i32
        %dma_wait3A_736 = arith.constant 0 : i32
        %dma_wait3A_737 = arith.constant 0 : i32
        %dma_wait3A_738 = tpu.memref_slice %arg5[%dma_wait3A_735, %dma_wait3A_736, %dma_wait3A_737] : memref<4x128x32xf32, #tpu.memory_space<vmem>> -> memref<1x128x32xf32, #tpu.memory_space<vmem>>
        %dma_wait3A_739 = tpu.memref_squeeze %dma_wait3A_738 : memref<1x128x32xf32, #tpu.memory_space<vmem>> -> memref<128x32xf32, #tpu.memory_space<vmem>>
        %dma_wait3A_740 = arith.constant 0 : i32
        %dma_wait3A_741 = arith.constant 0 : i32
        %dma_wait3A_742 = tpu.memref_slice %run_scoped3A[%rem3A_619, %dma_wait3A_740, %dma_wait3A_741] : memref<2x1x512xi32, #tpu.memory_space<vmem>> -> memref<1x1x512xi32, #tpu.memory_space<vmem>>
        %dma_wait3A_743 = tpu.memref_squeeze %dma_wait3A_742 : memref<1x1x512xi32, #tpu.memory_space<vmem>> -> memref<1x512xi32, #tpu.memory_space<vmem>>
        %dma_wait3A_744 = arith.constant 128 : i32
        %dma_wait3A_745 = tpu.memref_slice %dma_wait3A_743[%dma_wait3A_734, %dma_wait3A_744] : memref<1x512xi32, #tpu.memory_space<vmem>> -> memref<1x128xi32, #tpu.memory_space<vmem>>
        %dma_wait3A_746 = tpu.memref_squeeze %dma_wait3A_745 : memref<1x128xi32, #tpu.memory_space<vmem>> -> memref<128xi32, #tpu.memory_space<vmem>>
        %dma_wait3A_747 = arith.constant 0 : i32
        %dma_wait3A_748 = arith.constant 0 : i32
        %dma_wait3A_749 = tpu.memref_slice %arg2[%dma_wait3A_747, %dma_wait3A_748] : memref<100000x32xf32, #tpu.memory_space<hbm>> -> memref<100000x32xf32, #tpu.memory_space<hbm>>
        tpu.wait_indirect_dma semaphore(%arg6 : memref<!tpu.dma_semaphore, #tpu.memory_space<semaphore_mem>>) src(%dma_wait3A_749 : memref<100000x32xf32, #tpu.memory_space<hbm>>) dst(%dma_wait3A_739 : memref<128x32xf32, #tpu.memory_space<vmem>>)
        %mul3A_750 = arith.constant 1 : i32
        %mul3A_751 = vector.broadcast %mul3A_750 : i32 to vector<16xi32>
        %mul3A_752 = arith.muli %broadcast_in_dim3A_712, %mul3A_751 : vector<16xi32>
        %parallel_loop3A_753 = arith.constant 0 : i32
        %parallel_loop3A_754 = arith.constant 32 : i32
        %parallel_loop3A_755 = arith.constant 1 : i32
        scf.for %parallel_loop3A_1283 = %parallel_loop3A_753 to %parallel_loop3A_754 step %parallel_loop3A_755  : i32 {
          %parallel_loop3A_1284 = vector.broadcast %parallel_loop3A_1283 : i32 to vector<16xi32>
          %parallel_loop3A_1285 = arith.addi %parallel_loop3A_1284, %iota3A : vector<16xi32>
          %parallel_loop3A_1286 = arith.constant 31 : i32
          %parallel_loop3A_1287 = vector.broadcast %parallel_loop3A_1286 : i32 to vector<16xi32>
          %parallel_loop3A_1288 = arith.andi %parallel_loop3A_1285, %parallel_loop3A_1287 : vector<16xi32>
          %parallel_loop3A_1289 = arith.constant 3 : i32
          %parallel_loop3A_1290 = vector.broadcast %parallel_loop3A_1289 : i32 to vector<16xi32>
          %parallel_loop3A_1291 = arith.shrui %parallel_loop3A_1288, %parallel_loop3A_1290 : vector<16xi32>
          %parallel_loop3A_1292 = arith.constant 7 : i32
          %parallel_loop3A_1293 = vector.broadcast %parallel_loop3A_1292 : i32 to vector<16xi32>
          %parallel_loop3A_1294 = arith.andi %parallel_loop3A_1288, %parallel_loop3A_1293 : vector<16xi32>
          %parallel_loop3A_1295 = arith.constant 1 : i32
          %parallel_loop3A_1296 = arith.constant 0 : i32
          %parallel_loop3A_1297 = arith.constant 0 : i32
          %parallel_loop3A_1298 = tpu.memref_slice %arg5[%parallel_loop3A_1295, %parallel_loop3A_1296, %parallel_loop3A_1297] : memref<4x128x32xf32, #tpu.memory_space<vmem>> -> memref<1x128x32xf32, #tpu.memory_space<vmem>>
          %parallel_loop3A_1299 = tpu.memref_squeeze %parallel_loop3A_1298 : memref<1x128x32xf32, #tpu.memory_space<vmem>> -> memref<128x32xf32, #tpu.memory_space<vmem>>
          %parallel_loop3A_1300 = tpu.vector_load_idx %parallel_loop3A_1299[%add3A_688, %parallel_loop3A_1288] : memref<128x32xf32, #tpu.memory_space<vmem>>[vector<16xi32>, vector<16xi32>], vector<16xf32>,
          %parallel_loop3A_1301 = arith.constant 0 : i32
          %parallel_loop3A_1302 = arith.constant 0 : i32
          %parallel_loop3A_1303 = arith.constant 0 : i32
          %parallel_loop3A_1304 = arith.constant 0 : i32
          %parallel_loop3A_1305 = arith.constant 0 : i32
          %parallel_loop3A_1306 = tpu.memref_slice %run_scoped3A_8[%rem3A_621, %parallel_loop3A_1301, %parallel_loop3A_1302, %parallel_loop3A_1303, %parallel_loop3A_1304, %parallel_loop3A_1305] : memref<2x1x4x4x8x128xf32, #tpu.memory_space<vmem>> -> memref<1x1x4x4x8x128xf32, #tpu.memory_space<vmem>>
          %parallel_loop3A_1307 = tpu.memref_squeeze %parallel_loop3A_1306 : memref<1x1x4x4x8x128xf32, #tpu.memory_space<vmem>> -> memref<1x4x4x8x128xf32, #tpu.memory_space<vmem>>
          tpu.vector_store_idx %parallel_loop3A_1307[%broadcast_in_dim3A_710, %parallel_loop3A_1291, %mul3A_752, %parallel_loop3A_1294, %add3A_688], %parallel_loop3A_1300 : memref<1x4x4x8x128xf32, #tpu.memory_space<vmem>>[vector<16xi32>, vector<16xi32>, vector<16xi32>, vector<16xi32>, vector<16xi32>], vector<16xf32>,
          %parallel_loop3A_1308 = arith.constant 1 : i32
          %parallel_loop3A_1309 = arith.constant 0 : i32
          %parallel_loop3A_1310 = arith.constant 0 : i32
          %parallel_loop3A_1311 = tpu.memref_slice %arg5[%parallel_loop3A_1308, %parallel_loop3A_1309, %parallel_loop3A_1310] : memref<4x128x32xf32, #tpu.memory_space<vmem>> -> memref<1x128x32xf32, #tpu.memory_space<vmem>>
          %parallel_loop3A_1312 = tpu.memref_squeeze %parallel_loop3A_1311 : memref<1x128x32xf32, #tpu.memory_space<vmem>> -> memref<128x32xf32, #tpu.memory_space<vmem>>
          %parallel_loop3A_1313 = tpu.vector_load_idx %parallel_loop3A_1312[%add3A_691, %parallel_loop3A_1288] : memref<128x32xf32, #tpu.memory_space<vmem>>[vector<16xi32>, vector<16xi32>], vector<16xf32>,
          %parallel_loop3A_1314 = arith.constant 0 : i32
          %parallel_loop3A_1315 = arith.constant 0 : i32
          %parallel_loop3A_1316 = arith.constant 0 : i32
          %parallel_loop3A_1317 = arith.constant 0 : i32
          %parallel_loop3A_1318 = arith.constant 0 : i32
          %parallel_loop3A_1319 = tpu.memref_slice %run_scoped3A_8[%rem3A_621, %parallel_loop3A_1314, %parallel_loop3A_1315, %parallel_loop3A_1316, %parallel_loop3A_1317, %parallel_loop3A_1318] : memref<2x1x4x4x8x128xf32, #tpu.memory_space<vmem>> -> memref<1x1x4x4x8x128xf32, #tpu.memory_space<vmem>>
          %parallel_loop3A_1320 = tpu.memref_squeeze %parallel_loop3A_1319 : memref<1x1x4x4x8x128xf32, #tpu.memory_space<vmem>> -> memref<1x4x4x8x128xf32, #tpu.memory_space<vmem>>
          tpu.vector_store_idx %parallel_loop3A_1320[%broadcast_in_dim3A_710, %parallel_loop3A_1291, %mul3A_752, %parallel_loop3A_1294, %add3A_691], %parallel_loop3A_1313 : memref<1x4x4x8x128xf32, #tpu.memory_space<vmem>>[vector<16xi32>, vector<16xi32>, vector<16xi32>, vector<16xi32>, vector<16xi32>], vector<16xf32>,
          %parallel_loop3A_1321 = arith.constant 1 : i32
          %parallel_loop3A_1322 = arith.constant 0 : i32
          %parallel_loop3A_1323 = arith.constant 0 : i32
          %parallel_loop3A_1324 = tpu.memref_slice %arg5[%parallel_loop3A_1321, %parallel_loop3A_1322, %parallel_loop3A_1323] : memref<4x128x32xf32, #tpu.memory_space<vmem>> -> memref<1x128x32xf32, #tpu.memory_space<vmem>>
          %parallel_loop3A_1325 = tpu.memref_squeeze %parallel_loop3A_1324 : memref<1x128x32xf32, #tpu.memory_space<vmem>> -> memref<128x32xf32, #tpu.memory_space<vmem>>
          %parallel_loop3A_1326 = tpu.vector_load_idx %parallel_loop3A_1325[%add3A_694, %parallel_loop3A_1288] : memref<128x32xf32, #tpu.memory_space<vmem>>[vector<16xi32>, vector<16xi32>], vector<16xf32>,
          %parallel_loop3A_1327 = arith.constant 0 : i32
          %parallel_loop3A_1328 = arith.constant 0 : i32
          %parallel_loop3A_1329 = arith.constant 0 : i32
          %parallel_loop3A_1330 = arith.constant 0 : i32
          %parallel_loop3A_1331 = arith.constant 0 : i32
          %parallel_loop3A_1332 = tpu.memref_slice %run_scoped3A_8[%rem3A_621, %parallel_loop3A_1327, %parallel_loop3A_1328, %parallel_loop3A_1329, %parallel_loop3A_1330, %parallel_loop3A_1331] : memref<2x1x4x4x8x128xf32, #tpu.memory_space<vmem>> -> memref<1x1x4x4x8x128xf32, #tpu.memory_space<vmem>>
          %parallel_loop3A_1333 = tpu.memref_squeeze %parallel_loop3A_1332 : memref<1x1x4x4x8x128xf32, #tpu.memory_space<vmem>> -> memref<1x4x4x8x128xf32, #tpu.memory_space<vmem>>
          tpu.vector_store_idx %parallel_loop3A_1333[%broadcast_in_dim3A_710, %parallel_loop3A_1291, %mul3A_752, %parallel_loop3A_1294, %add3A_694], %parallel_loop3A_1326 : memref<1x4x4x8x128xf32, #tpu.memory_space<vmem>>[vector<16xi32>, vector<16xi32>, vector<16xi32>, vector<16xi32>, vector<16xi32>], vector<16xf32>,
          %parallel_loop3A_1334 = arith.constant 1 : i32
          %parallel_loop3A_1335 = arith.constant 0 : i32
          %parallel_loop3A_1336 = arith.constant 0 : i32
          %parallel_loop3A_1337 = tpu.memref_slice %arg5[%parallel_loop3A_1334, %parallel_loop3A_1335, %parallel_loop3A_1336] : memref<4x128x32xf32, #tpu.memory_space<vmem>> -> memref<1x128x32xf32, #tpu.memory_space<vmem>>
          %parallel_loop3A_1338 = tpu.memref_squeeze %parallel_loop3A_1337 : memref<1x128x32xf32, #tpu.memory_space<vmem>> -> memref<128x32xf32, #tpu.memory_space<vmem>>
          %parallel_loop3A_1339 = tpu.vector_load_idx %parallel_loop3A_1338[%add3A_697, %parallel_loop3A_1288] : memref<128x32xf32, #tpu.memory_space<vmem>>[vector<16xi32>, vector<16xi32>], vector<16xf32>,
          %parallel_loop3A_1340 = arith.constant 0 : i32
          %parallel_loop3A_1341 = arith.constant 0 : i32
          %parallel_loop3A_1342 = arith.constant 0 : i32
          %parallel_loop3A_1343 = arith.constant 0 : i32
          %parallel_loop3A_1344 = arith.constant 0 : i32
          %parallel_loop3A_1345 = tpu.memref_slice %run_scoped3A_8[%rem3A_621, %parallel_loop3A_1340, %parallel_loop3A_1341, %parallel_loop3A_1342, %parallel_loop3A_1343, %parallel_loop3A_1344] : memref<2x1x4x4x8x128xf32, #tpu.memory_space<vmem>> -> memref<1x1x4x4x8x128xf32, #tpu.memory_space<vmem>>
          %parallel_loop3A_1346 = tpu.memref_squeeze %parallel_loop3A_1345 : memref<1x1x4x4x8x128xf32, #tpu.memory_space<vmem>> -> memref<1x4x4x8x128xf32, #tpu.memory_space<vmem>>
          tpu.vector_store_idx %parallel_loop3A_1346[%broadcast_in_dim3A_710, %parallel_loop3A_1291, %mul3A_752, %parallel_loop3A_1294, %add3A_697], %parallel_loop3A_1339 : memref<1x4x4x8x128xf32, #tpu.memory_space<vmem>>[vector<16xi32>, vector<16xi32>, vector<16xi32>, vector<16xi32>, vector<16xi32>], vector<16xf32>,
          %parallel_loop3A_1347 = arith.constant 1 : i32
          %parallel_loop3A_1348 = arith.constant 0 : i32
          %parallel_loop3A_1349 = arith.constant 0 : i32
          %parallel_loop3A_1350 = tpu.memref_slice %arg5[%parallel_loop3A_1347, %parallel_loop3A_1348, %parallel_loop3A_1349] : memref<4x128x32xf32, #tpu.memory_space<vmem>> -> memref<1x128x32xf32, #tpu.memory_space<vmem>>
          %parallel_loop3A_1351 = tpu.memref_squeeze %parallel_loop3A_1350 : memref<1x128x32xf32, #tpu.memory_space<vmem>> -> memref<128x32xf32, #tpu.memory_space<vmem>>
          %parallel_loop3A_1352 = tpu.vector_load_idx %parallel_loop3A_1351[%add3A_700, %parallel_loop3A_1288] : memref<128x32xf32, #tpu.memory_space<vmem>>[vector<16xi32>, vector<16xi32>], vector<16xf32>,
          %parallel_loop3A_1353 = arith.constant 0 : i32
          %parallel_loop3A_1354 = arith.constant 0 : i32
          %parallel_loop3A_1355 = arith.constant 0 : i32
          %parallel_loop3A_1356 = arith.constant 0 : i32
          %parallel_loop3A_1357 = arith.constant 0 : i32
          %parallel_loop3A_1358 = tpu.memref_slice %run_scoped3A_8[%rem3A_621, %parallel_loop3A_1353, %parallel_loop3A_1354, %parallel_loop3A_1355, %parallel_loop3A_1356, %parallel_loop3A_1357] : memref<2x1x4x4x8x128xf32, #tpu.memory_space<vmem>> -> memref<1x1x4x4x8x128xf32, #tpu.memory_space<vmem>>
          %parallel_loop3A_1359 = tpu.memref_squeeze %parallel_loop3A_1358 : memref<1x1x4x4x8x128xf32, #tpu.memory_space<vmem>> -> memref<1x4x4x8x128xf32, #tpu.memory_space<vmem>>
          tpu.vector_store_idx %parallel_loop3A_1359[%broadcast_in_dim3A_710, %parallel_loop3A_1291, %mul3A_752, %parallel_loop3A_1294, %add3A_700], %parallel_loop3A_1352 : memref<1x4x4x8x128xf32, #tpu.memory_space<vmem>>[vector<16xi32>, vector<16xi32>, vector<16xi32>, vector<16xi32>, vector<16xi32>], vector<16xf32>,
          %parallel_loop3A_1360 = arith.constant 1 : i32
          %parallel_loop3A_1361 = arith.constant 0 : i32
          %parallel_loop3A_1362 = arith.constant 0 : i32
          %parallel_loop3A_1363 = tpu.memref_slice %arg5[%parallel_loop3A_1360, %parallel_loop3A_1361, %parallel_loop3A_1362] : memref<4x128x32xf32, #tpu.memory_space<vmem>> -> memref<1x128x32xf32, #tpu.memory_space<vmem>>
          %parallel_loop3A_1364 = tpu.memref_squeeze %parallel_loop3A_1363 : memref<1x128x32xf32, #tpu.memory_space<vmem>> -> memref<128x32xf32, #tpu.memory_space<vmem>>
          %parallel_loop3A_1365 = tpu.vector_load_idx %parallel_loop3A_1364[%add3A_703, %parallel_loop3A_1288] : memref<128x32xf32, #tpu.memory_space<vmem>>[vector<16xi32>, vector<16xi32>], vector<16xf32>,
          %parallel_loop3A_1366 = arith.constant 0 : i32
          %parallel_loop3A_1367 = arith.constant 0 : i32
          %parallel_loop3A_1368 = arith.constant 0 : i32
          %parallel_loop3A_1369 = arith.constant 0 : i32
          %parallel_loop3A_1370 = arith.constant 0 : i32
          %parallel_loop3A_1371 = tpu.memref_slice %run_scoped3A_8[%rem3A_621, %parallel_loop3A_1366, %parallel_loop3A_1367, %parallel_loop3A_1368, %parallel_loop3A_1369, %parallel_loop3A_1370] : memref<2x1x4x4x8x128xf32, #tpu.memory_space<vmem>> -> memref<1x1x4x4x8x128xf32, #tpu.memory_space<vmem>>
          %parallel_loop3A_1372 = tpu.memref_squeeze %parallel_loop3A_1371 : memref<1x1x4x4x8x128xf32, #tpu.memory_space<vmem>> -> memref<1x4x4x8x128xf32, #tpu.memory_space<vmem>>
          tpu.vector_store_idx %parallel_loop3A_1372[%broadcast_in_dim3A_710, %parallel_loop3A_1291, %mul3A_752, %parallel_loop3A_1294, %add3A_703], %parallel_loop3A_1365 : memref<1x4x4x8x128xf32, #tpu.memory_space<vmem>>[vector<16xi32>, vector<16xi32>, vector<16xi32>, vector<16xi32>, vector<16xi32>], vector<16xf32>,
          %parallel_loop3A_1373 = arith.constant 1 : i32
          %parallel_loop3A_1374 = arith.constant 0 : i32
          %parallel_loop3A_1375 = arith.constant 0 : i32
          %parallel_loop3A_1376 = tpu.memref_slice %arg5[%parallel_loop3A_1373, %parallel_loop3A_1374, %parallel_loop3A_1375] : memref<4x128x32xf32, #tpu.memory_space<vmem>> -> memref<1x128x32xf32, #tpu.memory_space<vmem>>
          %parallel_loop3A_1377 = tpu.memref_squeeze %parallel_loop3A_1376 : memref<1x128x32xf32, #tpu.memory_space<vmem>> -> memref<128x32xf32, #tpu.memory_space<vmem>>
          %parallel_loop3A_1378 = tpu.vector_load_idx %parallel_loop3A_1377[%add3A_706, %parallel_loop3A_1288] : memref<128x32xf32, #tpu.memory_space<vmem>>[vector<16xi32>, vector<16xi32>], vector<16xf32>,
          %parallel_loop3A_1379 = arith.constant 0 : i32
          %parallel_loop3A_1380 = arith.constant 0 : i32
          %parallel_loop3A_1381 = arith.constant 0 : i32
          %parallel_loop3A_1382 = arith.constant 0 : i32
          %parallel_loop3A_1383 = arith.constant 0 : i32
          %parallel_loop3A_1384 = tpu.memref_slice %run_scoped3A_8[%rem3A_621, %parallel_loop3A_1379, %parallel_loop3A_1380, %parallel_loop3A_1381, %parallel_loop3A_1382, %parallel_loop3A_1383] : memref<2x1x4x4x8x128xf32, #tpu.memory_space<vmem>> -> memref<1x1x4x4x8x128xf32, #tpu.memory_space<vmem>>
          %parallel_loop3A_1385 = tpu.memref_squeeze %parallel_loop3A_1384 : memref<1x1x4x4x8x128xf32, #tpu.memory_space<vmem>> -> memref<1x4x4x8x128xf32, #tpu.memory_space<vmem>>
          tpu.vector_store_idx %parallel_loop3A_1385[%broadcast_in_dim3A_710, %parallel_loop3A_1291, %mul3A_752, %parallel_loop3A_1294, %add3A_706], %parallel_loop3A_1378 : memref<1x4x4x8x128xf32, #tpu.memory_space<vmem>>[vector<16xi32>, vector<16xi32>, vector<16xi32>, vector<16xi32>, vector<16xi32>], vector<16xf32>,
          %parallel_loop3A_1386 = arith.constant 1 : i32
          %parallel_loop3A_1387 = arith.constant 0 : i32
          %parallel_loop3A_1388 = arith.constant 0 : i32
          %parallel_loop3A_1389 = tpu.memref_slice %arg5[%parallel_loop3A_1386, %parallel_loop3A_1387, %parallel_loop3A_1388] : memref<4x128x32xf32, #tpu.memory_space<vmem>> -> memref<1x128x32xf32, #tpu.memory_space<vmem>>
          %parallel_loop3A_1390 = tpu.memref_squeeze %parallel_loop3A_1389 : memref<1x128x32xf32, #tpu.memory_space<vmem>> -> memref<128x32xf32, #tpu.memory_space<vmem>>
          %parallel_loop3A_1391 = tpu.vector_load_idx %parallel_loop3A_1390[%add3A_709, %parallel_loop3A_1288] : memref<128x32xf32, #tpu.memory_space<vmem>>[vector<16xi32>, vector<16xi32>], vector<16xf32>,
          %parallel_loop3A_1392 = arith.constant 0 : i32
          %parallel_loop3A_1393 = arith.constant 0 : i32
          %parallel_loop3A_1394 = arith.constant 0 : i32
          %parallel_loop3A_1395 = arith.constant 0 : i32
          %parallel_loop3A_1396 = arith.constant 0 : i32
          %parallel_loop3A_1397 = tpu.memref_slice %run_scoped3A_8[%rem3A_621, %parallel_loop3A_1392, %parallel_loop3A_1393, %parallel_loop3A_1394, %parallel_loop3A_1395, %parallel_loop3A_1396] : memref<2x1x4x4x8x128xf32, #tpu.memory_space<vmem>> -> memref<1x1x4x4x8x128xf32, #tpu.memory_space<vmem>>
          %parallel_loop3A_1398 = tpu.memref_squeeze %parallel_loop3A_1397 : memref<1x1x4x4x8x128xf32, #tpu.memory_space<vmem>> -> memref<1x4x4x8x128xf32, #tpu.memory_space<vmem>>
          tpu.vector_store_idx %parallel_loop3A_1398[%broadcast_in_dim3A_710, %parallel_loop3A_1291, %mul3A_752, %parallel_loop3A_1294, %add3A_709], %parallel_loop3A_1391 : memref<1x4x4x8x128xf32, #tpu.memory_space<vmem>>[vector<16xi32>, vector<16xi32>, vector<16xi32>, vector<16xi32>, vector<16xi32>], vector<16xf32>,
        } {sc.loop_unroll_factor = 4 : i64, sc.parallel_access}
        %dma_wait3A_756 = arith.constant 0 : i32
        %dma_wait3A_757 = arith.constant 2 : i32
        %dma_wait3A_758 = arith.constant 0 : i32
        %dma_wait3A_759 = arith.constant 0 : i32
        %dma_wait3A_760 = tpu.memref_slice %arg5[%dma_wait3A_757, %dma_wait3A_758, %dma_wait3A_759] : memref<4x128x32xf32, #tpu.memory_space<vmem>> -> memref<1x128x32xf32, #tpu.memory_space<vmem>>
        %dma_wait3A_761 = tpu.memref_squeeze %dma_wait3A_760 : memref<1x128x32xf32, #tpu.memory_space<vmem>> -> memref<128x32xf32, #tpu.memory_space<vmem>>
        %dma_wait3A_762 = arith.constant 0 : i32
        %dma_wait3A_763 = arith.constant 0 : i32
        %dma_wait3A_764 = tpu.memref_slice %run_scoped3A[%rem3A_619, %dma_wait3A_762, %dma_wait3A_763] : memref<2x1x512xi32, #tpu.memory_space<vmem>> -> memref<1x1x512xi32, #tpu.memory_space<vmem>>
        %dma_wait3A_765 = tpu.memref_squeeze %dma_wait3A_764 : memref<1x1x512xi32, #tpu.memory_space<vmem>> -> memref<1x512xi32, #tpu.memory_space<vmem>>
        %dma_wait3A_766 = arith.constant 256 : i32
        %dma_wait3A_767 = tpu.memref_slice %dma_wait3A_765[%dma_wait3A_756, %dma_wait3A_766] : memref<1x512xi32, #tpu.memory_space<vmem>> -> memref<1x128xi32, #tpu.memory_space<vmem>>
        %dma_wait3A_768 = tpu.memref_squeeze %dma_wait3A_767 : memref<1x128xi32, #tpu.memory_space<vmem>> -> memref<128xi32, #tpu.memory_space<vmem>>
        %dma_wait3A_769 = arith.constant 0 : i32
        %dma_wait3A_770 = arith.constant 0 : i32
        %dma_wait3A_771 = tpu.memref_slice %arg2[%dma_wait3A_769, %dma_wait3A_770] : memref<100000x32xf32, #tpu.memory_space<hbm>> -> memref<100000x32xf32, #tpu.memory_space<hbm>>
        tpu.wait_indirect_dma semaphore(%arg6 : memref<!tpu.dma_semaphore, #tpu.memory_space<semaphore_mem>>) src(%dma_wait3A_771 : memref<100000x32xf32, #tpu.memory_space<hbm>>) dst(%dma_wait3A_761 : memref<128x32xf32, #tpu.memory_space<vmem>>)
        %mul3A_772 = arith.constant 2 : i32
        %mul3A_773 = vector.broadcast %mul3A_772 : i32 to vector<16xi32>
        %mul3A_774 = arith.muli %broadcast_in_dim3A_712, %mul3A_773 : vector<16xi32>
        %parallel_loop3A_775 = arith.constant 0 : i32
        %parallel_loop3A_776 = arith.constant 32 : i32
        %parallel_loop3A_777 = arith.constant 1 : i32
        scf.for %parallel_loop3A_1283 = %parallel_loop3A_775 to %parallel_loop3A_776 step %parallel_loop3A_777  : i32 {
          %parallel_loop3A_1284 = vector.broadcast %parallel_loop3A_1283 : i32 to vector<16xi32>
          %parallel_loop3A_1285 = arith.addi %parallel_loop3A_1284, %iota3A : vector<16xi32>
          %parallel_loop3A_1286 = arith.constant 31 : i32
          %parallel_loop3A_1287 = vector.broadcast %parallel_loop3A_1286 : i32 to vector<16xi32>
          %parallel_loop3A_1288 = arith.andi %parallel_loop3A_1285, %parallel_loop3A_1287 : vector<16xi32>
          %parallel_loop3A_1289 = arith.constant 3 : i32
          %parallel_loop3A_1290 = vector.broadcast %parallel_loop3A_1289 : i32 to vector<16xi32>
          %parallel_loop3A_1291 = arith.shrui %parallel_loop3A_1288, %parallel_loop3A_1290 : vector<16xi32>
          %parallel_loop3A_1292 = arith.constant 7 : i32
          %parallel_loop3A_1293 = vector.broadcast %parallel_loop3A_1292 : i32 to vector<16xi32>
          %parallel_loop3A_1294 = arith.andi %parallel_loop3A_1288, %parallel_loop3A_1293 : vector<16xi32>
          %parallel_loop3A_1295 = arith.constant 2 : i32
          %parallel_loop3A_1296 = arith.constant 0 : i32
          %parallel_loop3A_1297 = arith.constant 0 : i32
          %parallel_loop3A_1298 = tpu.memref_slice %arg5[%parallel_loop3A_1295, %parallel_loop3A_1296, %parallel_loop3A_1297] : memref<4x128x32xf32, #tpu.memory_space<vmem>> -> memref<1x128x32xf32, #tpu.memory_space<vmem>>
          %parallel_loop3A_1299 = tpu.memref_squeeze %parallel_loop3A_1298 : memref<1x128x32xf32, #tpu.memory_space<vmem>> -> memref<128x32xf32, #tpu.memory_space<vmem>>
          %parallel_loop3A_1300 = tpu.vector_load_idx %parallel_loop3A_1299[%add3A_688, %parallel_loop3A_1288] : memref<128x32xf32, #tpu.memory_space<vmem>>[vector<16xi32>, vector<16xi32>], vector<16xf32>,
          %parallel_loop3A_1301 = arith.constant 0 : i32
          %parallel_loop3A_1302 = arith.constant 0 : i32
          %parallel_loop3A_1303 = arith.constant 0 : i32
          %parallel_loop3A_1304 = arith.constant 0 : i32
          %parallel_loop3A_1305 = arith.constant 0 : i32
          %parallel_loop3A_1306 = tpu.memref_slice %run_scoped3A_8[%rem3A_621, %parallel_loop3A_1301, %parallel_loop3A_1302, %parallel_loop3A_1303, %parallel_loop3A_1304, %parallel_loop3A_1305] : memref<2x1x4x4x8x128xf32, #tpu.memory_space<vmem>> -> memref<1x1x4x4x8x128xf32, #tpu.memory_space<vmem>>
          %parallel_loop3A_1307 = tpu.memref_squeeze %parallel_loop3A_1306 : memref<1x1x4x4x8x128xf32, #tpu.memory_space<vmem>> -> memref<1x4x4x8x128xf32, #tpu.memory_space<vmem>>
          tpu.vector_store_idx %parallel_loop3A_1307[%broadcast_in_dim3A_710, %parallel_loop3A_1291, %mul3A_774, %parallel_loop3A_1294, %add3A_688], %parallel_loop3A_1300 : memref<1x4x4x8x128xf32, #tpu.memory_space<vmem>>[vector<16xi32>, vector<16xi32>, vector<16xi32>, vector<16xi32>, vector<16xi32>], vector<16xf32>,
          %parallel_loop3A_1308 = arith.constant 2 : i32
          %parallel_loop3A_1309 = arith.constant 0 : i32
          %parallel_loop3A_1310 = arith.constant 0 : i32
          %parallel_loop3A_1311 = tpu.memref_slice %arg5[%parallel_loop3A_1308, %parallel_loop3A_1309, %parallel_loop3A_1310] : memref<4x128x32xf32, #tpu.memory_space<vmem>> -> memref<1x128x32xf32, #tpu.memory_space<vmem>>
          %parallel_loop3A_1312 = tpu.memref_squeeze %parallel_loop3A_1311 : memref<1x128x32xf32, #tpu.memory_space<vmem>> -> memref<128x32xf32, #tpu.memory_space<vmem>>
          %parallel_loop3A_1313 = tpu.vector_load_idx %parallel_loop3A_1312[%add3A_691, %parallel_loop3A_1288] : memref<128x32xf32, #tpu.memory_space<vmem>>[vector<16xi32>, vector<16xi32>], vector<16xf32>,
          %parallel_loop3A_1314 = arith.constant 0 : i32
          %parallel_loop3A_1315 = arith.constant 0 : i32
          %parallel_loop3A_1316 = arith.constant 0 : i32
          %parallel_loop3A_1317 = arith.constant 0 : i32
          %parallel_loop3A_1318 = arith.constant 0 : i32
          %parallel_loop3A_1319 = tpu.memref_slice %run_scoped3A_8[%rem3A_621, %parallel_loop3A_1314, %parallel_loop3A_1315, %parallel_loop3A_1316, %parallel_loop3A_1317, %parallel_loop3A_1318] : memref<2x1x4x4x8x128xf32, #tpu.memory_space<vmem>> -> memref<1x1x4x4x8x128xf32, #tpu.memory_space<vmem>>
          %parallel_loop3A_1320 = tpu.memref_squeeze %parallel_loop3A_1319 : memref<1x1x4x4x8x128xf32, #tpu.memory_space<vmem>> -> memref<1x4x4x8x128xf32, #tpu.memory_space<vmem>>
          tpu.vector_store_idx %parallel_loop3A_1320[%broadcast_in_dim3A_710, %parallel_loop3A_1291, %mul3A_774, %parallel_loop3A_1294, %add3A_691], %parallel_loop3A_1313 : memref<1x4x4x8x128xf32, #tpu.memory_space<vmem>>[vector<16xi32>, vector<16xi32>, vector<16xi32>, vector<16xi32>, vector<16xi32>], vector<16xf32>,
          %parallel_loop3A_1321 = arith.constant 2 : i32
          %parallel_loop3A_1322 = arith.constant 0 : i32
          %parallel_loop3A_1323 = arith.constant 0 : i32
          %parallel_loop3A_1324 = tpu.memref_slice %arg5[%parallel_loop3A_1321, %parallel_loop3A_1322, %parallel_loop3A_1323] : memref<4x128x32xf32, #tpu.memory_space<vmem>> -> memref<1x128x32xf32, #tpu.memory_space<vmem>>
          %parallel_loop3A_1325 = tpu.memref_squeeze %parallel_loop3A_1324 : memref<1x128x32xf32, #tpu.memory_space<vmem>> -> memref<128x32xf32, #tpu.memory_space<vmem>>
          %parallel_loop3A_1326 = tpu.vector_load_idx %parallel_loop3A_1325[%add3A_694, %parallel_loop3A_1288] : memref<128x32xf32, #tpu.memory_space<vmem>>[vector<16xi32>, vector<16xi32>], vector<16xf32>,
          %parallel_loop3A_1327 = arith.constant 0 : i32
          %parallel_loop3A_1328 = arith.constant 0 : i32
          %parallel_loop3A_1329 = arith.constant 0 : i32
          %parallel_loop3A_1330 = arith.constant 0 : i32
          %parallel_loop3A_1331 = arith.constant 0 : i32
          %parallel_loop3A_1332 = tpu.memref_slice %run_scoped3A_8[%rem3A_621, %parallel_loop3A_1327, %parallel_loop3A_1328, %parallel_loop3A_1329, %parallel_loop3A_1330, %parallel_loop3A_1331] : memref<2x1x4x4x8x128xf32, #tpu.memory_space<vmem>> -> memref<1x1x4x4x8x128xf32, #tpu.memory_space<vmem>>
          %parallel_loop3A_1333 = tpu.memref_squeeze %parallel_loop3A_1332 : memref<1x1x4x4x8x128xf32, #tpu.memory_space<vmem>> -> memref<1x4x4x8x128xf32, #tpu.memory_space<vmem>>
          tpu.vector_store_idx %parallel_loop3A_1333[%broadcast_in_dim3A_710, %parallel_loop3A_1291, %mul3A_774, %parallel_loop3A_1294, %add3A_694], %parallel_loop3A_1326 : memref<1x4x4x8x128xf32, #tpu.memory_space<vmem>>[vector<16xi32>, vector<16xi32>, vector<16xi32>, vector<16xi32>, vector<16xi32>], vector<16xf32>,
          %parallel_loop3A_1334 = arith.constant 2 : i32
          %parallel_loop3A_1335 = arith.constant 0 : i32
          %parallel_loop3A_1336 = arith.constant 0 : i32
          %parallel_loop3A_1337 = tpu.memref_slice %arg5[%parallel_loop3A_1334, %parallel_loop3A_1335, %parallel_loop3A_1336] : memref<4x128x32xf32, #tpu.memory_space<vmem>> -> memref<1x128x32xf32, #tpu.memory_space<vmem>>
          %parallel_loop3A_1338 = tpu.memref_squeeze %parallel_loop3A_1337 : memref<1x128x32xf32, #tpu.memory_space<vmem>> -> memref<128x32xf32, #tpu.memory_space<vmem>>
          %parallel_loop3A_1339 = tpu.vector_load_idx %parallel_loop3A_1338[%add3A_697, %parallel_loop3A_1288] : memref<128x32xf32, #tpu.memory_space<vmem>>[vector<16xi32>, vector<16xi32>], vector<16xf32>,
          %parallel_loop3A_1340 = arith.constant 0 : i32
          %parallel_loop3A_1341 = arith.constant 0 : i32
          %parallel_loop3A_1342 = arith.constant 0 : i32
          %parallel_loop3A_1343 = arith.constant 0 : i32
          %parallel_loop3A_1344 = arith.constant 0 : i32
          %parallel_loop3A_1345 = tpu.memref_slice %run_scoped3A_8[%rem3A_621, %parallel_loop3A_1340, %parallel_loop3A_1341, %parallel_loop3A_1342, %parallel_loop3A_1343, %parallel_loop3A_1344] : memref<2x1x4x4x8x128xf32, #tpu.memory_space<vmem>> -> memref<1x1x4x4x8x128xf32, #tpu.memory_space<vmem>>
          %parallel_loop3A_1346 = tpu.memref_squeeze %parallel_loop3A_1345 : memref<1x1x4x4x8x128xf32, #tpu.memory_space<vmem>> -> memref<1x4x4x8x128xf32, #tpu.memory_space<vmem>>
          tpu.vector_store_idx %parallel_loop3A_1346[%broadcast_in_dim3A_710, %parallel_loop3A_1291, %mul3A_774, %parallel_loop3A_1294, %add3A_697], %parallel_loop3A_1339 : memref<1x4x4x8x128xf32, #tpu.memory_space<vmem>>[vector<16xi32>, vector<16xi32>, vector<16xi32>, vector<16xi32>, vector<16xi32>], vector<16xf32>,
          %parallel_loop3A_1347 = arith.constant 2 : i32
          %parallel_loop3A_1348 = arith.constant 0 : i32
          %parallel_loop3A_1349 = arith.constant 0 : i32
          %parallel_loop3A_1350 = tpu.memref_slice %arg5[%parallel_loop3A_1347, %parallel_loop3A_1348, %parallel_loop3A_1349] : memref<4x128x32xf32, #tpu.memory_space<vmem>> -> memref<1x128x32xf32, #tpu.memory_space<vmem>>
          %parallel_loop3A_1351 = tpu.memref_squeeze %parallel_loop3A_1350 : memref<1x128x32xf32, #tpu.memory_space<vmem>> -> memref<128x32xf32, #tpu.memory_space<vmem>>
          %parallel_loop3A_1352 = tpu.vector_load_idx %parallel_loop3A_1351[%add3A_700, %parallel_loop3A_1288] : memref<128x32xf32, #tpu.memory_space<vmem>>[vector<16xi32>, vector<16xi32>], vector<16xf32>,
          %parallel_loop3A_1353 = arith.constant 0 : i32
          %parallel_loop3A_1354 = arith.constant 0 : i32
          %parallel_loop3A_1355 = arith.constant 0 : i32
          %parallel_loop3A_1356 = arith.constant 0 : i32
          %parallel_loop3A_1357 = arith.constant 0 : i32
          %parallel_loop3A_1358 = tpu.memref_slice %run_scoped3A_8[%rem3A_621, %parallel_loop3A_1353, %parallel_loop3A_1354, %parallel_loop3A_1355, %parallel_loop3A_1356, %parallel_loop3A_1357] : memref<2x1x4x4x8x128xf32, #tpu.memory_space<vmem>> -> memref<1x1x4x4x8x128xf32, #tpu.memory_space<vmem>>
          %parallel_loop3A_1359 = tpu.memref_squeeze %parallel_loop3A_1358 : memref<1x1x4x4x8x128xf32, #tpu.memory_space<vmem>> -> memref<1x4x4x8x128xf32, #tpu.memory_space<vmem>>
          tpu.vector_store_idx %parallel_loop3A_1359[%broadcast_in_dim3A_710, %parallel_loop3A_1291, %mul3A_774, %parallel_loop3A_1294, %add3A_700], %parallel_loop3A_1352 : memref<1x4x4x8x128xf32, #tpu.memory_space<vmem>>[vector<16xi32>, vector<16xi32>, vector<16xi32>, vector<16xi32>, vector<16xi32>], vector<16xf32>,
          %parallel_loop3A_1360 = arith.constant 2 : i32
          %parallel_loop3A_1361 = arith.constant 0 : i32
          %parallel_loop3A_1362 = arith.constant 0 : i32
          %parallel_loop3A_1363 = tpu.memref_slice %arg5[%parallel_loop3A_1360, %parallel_loop3A_1361, %parallel_loop3A_1362] : memref<4x128x32xf32, #tpu.memory_space<vmem>> -> memref<1x128x32xf32, #tpu.memory_space<vmem>>
          %parallel_loop3A_1364 = tpu.memref_squeeze %parallel_loop3A_1363 : memref<1x128x32xf32, #tpu.memory_space<vmem>> -> memref<128x32xf32, #tpu.memory_space<vmem>>
          %parallel_loop3A_1365 = tpu.vector_load_idx %parallel_loop3A_1364[%add3A_703, %parallel_loop3A_1288] : memref<128x32xf32, #tpu.memory_space<vmem>>[vector<16xi32>, vector<16xi32>], vector<16xf32>,
          %parallel_loop3A_1366 = arith.constant 0 : i32
          %parallel_loop3A_1367 = arith.constant 0 : i32
          %parallel_loop3A_1368 = arith.constant 0 : i32
          %parallel_loop3A_1369 = arith.constant 0 : i32
          %parallel_loop3A_1370 = arith.constant 0 : i32
          %parallel_loop3A_1371 = tpu.memref_slice %run_scoped3A_8[%rem3A_621, %parallel_loop3A_1366, %parallel_loop3A_1367, %parallel_loop3A_1368, %parallel_loop3A_1369, %parallel_loop3A_1370] : memref<2x1x4x4x8x128xf32, #tpu.memory_space<vmem>> -> memref<1x1x4x4x8x128xf32, #tpu.memory_space<vmem>>
          %parallel_loop3A_1372 = tpu.memref_squeeze %parallel_loop3A_1371 : memref<1x1x4x4x8x128xf32, #tpu.memory_space<vmem>> -> memref<1x4x4x8x128xf32, #tpu.memory_space<vmem>>
          tpu.vector_store_idx %parallel_loop3A_1372[%broadcast_in_dim3A_710, %parallel_loop3A_1291, %mul3A_774, %parallel_loop3A_1294, %add3A_703], %parallel_loop3A_1365 : memref<1x4x4x8x128xf32, #tpu.memory_space<vmem>>[vector<16xi32>, vector<16xi32>, vector<16xi32>, vector<16xi32>, vector<16xi32>], vector<16xf32>,
          %parallel_loop3A_1373 = arith.constant 2 : i32
          %parallel_loop3A_1374 = arith.constant 0 : i32
          %parallel_loop3A_1375 = arith.constant 0 : i32
          %parallel_loop3A_1376 = tpu.memref_slice %arg5[%parallel_loop3A_1373, %parallel_loop3A_1374, %parallel_loop3A_1375] : memref<4x128x32xf32, #tpu.memory_space<vmem>> -> memref<1x128x32xf32, #tpu.memory_space<vmem>>
          %parallel_loop3A_1377 = tpu.memref_squeeze %parallel_loop3A_1376 : memref<1x128x32xf32, #tpu.memory_space<vmem>> -> memref<128x32xf32, #tpu.memory_space<vmem>>
          %parallel_loop3A_1378 = tpu.vector_load_idx %parallel_loop3A_1377[%add3A_706, %parallel_loop3A_1288] : memref<128x32xf32, #tpu.memory_space<vmem>>[vector<16xi32>, vector<16xi32>], vector<16xf32>,
          %parallel_loop3A_1379 = arith.constant 0 : i32
          %parallel_loop3A_1380 = arith.constant 0 : i32
          %parallel_loop3A_1381 = arith.constant 0 : i32
          %parallel_loop3A_1382 = arith.constant 0 : i32
          %parallel_loop3A_1383 = arith.constant 0 : i32
          %parallel_loop3A_1384 = tpu.memref_slice %run_scoped3A_8[%rem3A_621, %parallel_loop3A_1379, %parallel_loop3A_1380, %parallel_loop3A_1381, %parallel_loop3A_1382, %parallel_loop3A_1383] : memref<2x1x4x4x8x128xf32, #tpu.memory_space<vmem>> -> memref<1x1x4x4x8x128xf32, #tpu.memory_space<vmem>>
          %parallel_loop3A_1385 = tpu.memref_squeeze %parallel_loop3A_1384 : memref<1x1x4x4x8x128xf32, #tpu.memory_space<vmem>> -> memref<1x4x4x8x128xf32, #tpu.memory_space<vmem>>
          tpu.vector_store_idx %parallel_loop3A_1385[%broadcast_in_dim3A_710, %parallel_loop3A_1291, %mul3A_774, %parallel_loop3A_1294, %add3A_706], %parallel_loop3A_1378 : memref<1x4x4x8x128xf32, #tpu.memory_space<vmem>>[vector<16xi32>, vector<16xi32>, vector<16xi32>, vector<16xi32>, vector<16xi32>], vector<16xf32>,
          %parallel_loop3A_1386 = arith.constant 2 : i32
          %parallel_loop3A_1387 = arith.constant 0 : i32
          %parallel_loop3A_1388 = arith.constant 0 : i32
          %parallel_loop3A_1389 = tpu.memref_slice %arg5[%parallel_loop3A_1386, %parallel_loop3A_1387, %parallel_loop3A_1388] : memref<4x128x32xf32, #tpu.memory_space<vmem>> -> memref<1x128x32xf32, #tpu.memory_space<vmem>>
          %parallel_loop3A_1390 = tpu.memref_squeeze %parallel_loop3A_1389 : memref<1x128x32xf32, #tpu.memory_space<vmem>> -> memref<128x32xf32, #tpu.memory_space<vmem>>
          %parallel_loop3A_1391 = tpu.vector_load_idx %parallel_loop3A_1390[%add3A_709, %parallel_loop3A_1288] : memref<128x32xf32, #tpu.memory_space<vmem>>[vector<16xi32>, vector<16xi32>], vector<16xf32>,
          %parallel_loop3A_1392 = arith.constant 0 : i32
          %parallel_loop3A_1393 = arith.constant 0 : i32
          %parallel_loop3A_1394 = arith.constant 0 : i32
          %parallel_loop3A_1395 = arith.constant 0 : i32
          %parallel_loop3A_1396 = arith.constant 0 : i32
          %parallel_loop3A_1397 = tpu.memref_slice %run_scoped3A_8[%rem3A_621, %parallel_loop3A_1392, %parallel_loop3A_1393, %parallel_loop3A_1394, %parallel_loop3A_1395, %parallel_loop3A_1396] : memref<2x1x4x4x8x128xf32, #tpu.memory_space<vmem>> -> memref<1x1x4x4x8x128xf32, #tpu.memory_space<vmem>>
          %parallel_loop3A_1398 = tpu.memref_squeeze %parallel_loop3A_1397 : memref<1x1x4x4x8x128xf32, #tpu.memory_space<vmem>> -> memref<1x4x4x8x128xf32, #tpu.memory_space<vmem>>
          tpu.vector_store_idx %parallel_loop3A_1398[%broadcast_in_dim3A_710, %parallel_loop3A_1291, %mul3A_774, %parallel_loop3A_1294, %add3A_709], %parallel_loop3A_1391 : memref<1x4x4x8x128xf32, #tpu.memory_space<vmem>>[vector<16xi32>, vector<16xi32>, vector<16xi32>, vector<16xi32>, vector<16xi32>], vector<16xf32>,
        } {sc.loop_unroll_factor = 4 : i64, sc.parallel_access}
        %dma_wait3A_778 = arith.constant 0 : i32
        %dma_wait3A_779 = arith.constant 3 : i32
        %dma_wait3A_780 = arith.constant 0 : i32
        %dma_wait3A_781 = arith.constant 0 : i32
        %dma_wait3A_782 = tpu.memref_slice %arg5[%dma_wait3A_779, %dma_wait3A_780, %dma_wait3A_781] : memref<4x128x32xf32, #tpu.memory_space<vmem>> -> memref<1x128x32xf32, #tpu.memory_space<vmem>>
        %dma_wait3A_783 = tpu.memref_squeeze %dma_wait3A_782 : memref<1x128x32xf32, #tpu.memory_space<vmem>> -> memref<128x32xf32, #tpu.memory_space<vmem>>
        %dma_wait3A_784 = arith.constant 0 : i32
        %dma_wait3A_785 = arith.constant 0 : i32
        %dma_wait3A_786 = tpu.memref_slice %run_scoped3A[%rem3A_619, %dma_wait3A_784, %dma_wait3A_785] : memref<2x1x512xi32, #tpu.memory_space<vmem>> -> memref<1x1x512xi32, #tpu.memory_space<vmem>>
        %dma_wait3A_787 = tpu.memref_squeeze %dma_wait3A_786 : memref<1x1x512xi32, #tpu.memory_space<vmem>> -> memref<1x512xi32, #tpu.memory_space<vmem>>
        %dma_wait3A_788 = arith.constant 384 : i32
        %dma_wait3A_789 = tpu.memref_slice %dma_wait3A_787[%dma_wait3A_778, %dma_wait3A_788] : memref<1x512xi32, #tpu.memory_space<vmem>> -> memref<1x128xi32, #tpu.memory_space<vmem>>
        %dma_wait3A_790 = tpu.memref_squeeze %dma_wait3A_789 : memref<1x128xi32, #tpu.memory_space<vmem>> -> memref<128xi32, #tpu.memory_space<vmem>>
        %dma_wait3A_791 = arith.constant 0 : i32
        %dma_wait3A_792 = arith.constant 0 : i32
        %dma_wait3A_793 = tpu.memref_slice %arg2[%dma_wait3A_791, %dma_wait3A_792] : memref<100000x32xf32, #tpu.memory_space<hbm>> -> memref<100000x32xf32, #tpu.memory_space<hbm>>
        tpu.wait_indirect_dma semaphore(%arg6 : memref<!tpu.dma_semaphore, #tpu.memory_space<semaphore_mem>>) src(%dma_wait3A_793 : memref<100000x32xf32, #tpu.memory_space<hbm>>) dst(%dma_wait3A_783 : memref<128x32xf32, #tpu.memory_space<vmem>>)
        %mul3A_794 = arith.constant 3 : i32
        %mul3A_795 = vector.broadcast %mul3A_794 : i32 to vector<16xi32>
        %mul3A_796 = arith.muli %broadcast_in_dim3A_712, %mul3A_795 : vector<16xi32>
        %parallel_loop3A_797 = arith.constant 0 : i32
        %parallel_loop3A_798 = arith.constant 32 : i32
        %parallel_loop3A_799 = arith.constant 1 : i32
        scf.for %parallel_loop3A_1283 = %parallel_loop3A_797 to %parallel_loop3A_798 step %parallel_loop3A_799  : i32 {
          %parallel_loop3A_1284 = vector.broadcast %parallel_loop3A_1283 : i32 to vector<16xi32>
          %parallel_loop3A_1285 = arith.addi %parallel_loop3A_1284, %iota3A : vector<16xi32>
          %parallel_loop3A_1286 = arith.constant 31 : i32
          %parallel_loop3A_1287 = vector.broadcast %parallel_loop3A_1286 : i32 to vector<16xi32>
          %parallel_loop3A_1288 = arith.andi %parallel_loop3A_1285, %parallel_loop3A_1287 : vector<16xi32>
          %parallel_loop3A_1289 = arith.constant 3 : i32
          %parallel_loop3A_1290 = vector.broadcast %parallel_loop3A_1289 : i32 to vector<16xi32>
          %parallel_loop3A_1291 = arith.shrui %parallel_loop3A_1288, %parallel_loop3A_1290 : vector<16xi32>
          %parallel_loop3A_1292 = arith.constant 7 : i32
          %parallel_loop3A_1293 = vector.broadcast %parallel_loop3A_1292 : i32 to vector<16xi32>
          %parallel_loop3A_1294 = arith.andi %parallel_loop3A_1288, %parallel_loop3A_1293 : vector<16xi32>
          %parallel_loop3A_1295 = arith.constant 3 : i32
          %parallel_loop3A_1296 = arith.constant 0 : i32
          %parallel_loop3A_1297 = arith.constant 0 : i32
          %parallel_loop3A_1298 = tpu.memref_slice %arg5[%parallel_loop3A_1295, %parallel_loop3A_1296, %parallel_loop3A_1297] : memref<4x128x32xf32, #tpu.memory_space<vmem>> -> memref<1x128x32xf32, #tpu.memory_space<vmem>>
          %parallel_loop3A_1299 = tpu.memref_squeeze %parallel_loop3A_1298 : memref<1x128x32xf32, #tpu.memory_space<vmem>> -> memref<128x32xf32, #tpu.memory_space<vmem>>
          %parallel_loop3A_1300 = tpu.vector_load_idx %parallel_loop3A_1299[%add3A_688, %parallel_loop3A_1288] : memref<128x32xf32, #tpu.memory_space<vmem>>[vector<16xi32>, vector<16xi32>], vector<16xf32>,
          %parallel_loop3A_1301 = arith.constant 0 : i32
          %parallel_loop3A_1302 = arith.constant 0 : i32
          %parallel_loop3A_1303 = arith.constant 0 : i32
          %parallel_loop3A_1304 = arith.constant 0 : i32
          %parallel_loop3A_1305 = arith.constant 0 : i32
          %parallel_loop3A_1306 = tpu.memref_slice %run_scoped3A_8[%rem3A_621, %parallel_loop3A_1301, %parallel_loop3A_1302, %parallel_loop3A_1303, %parallel_loop3A_1304, %parallel_loop3A_1305] : memref<2x1x4x4x8x128xf32, #tpu.memory_space<vmem>> -> memref<1x1x4x4x8x128xf32, #tpu.memory_space<vmem>>
          %parallel_loop3A_1307 = tpu.memref_squeeze %parallel_loop3A_1306 : memref<1x1x4x4x8x128xf32, #tpu.memory_space<vmem>> -> memref<1x4x4x8x128xf32, #tpu.memory_space<vmem>>
          tpu.vector_store_idx %parallel_loop3A_1307[%broadcast_in_dim3A_710, %parallel_loop3A_1291, %mul3A_796, %parallel_loop3A_1294, %add3A_688], %parallel_loop3A_1300 : memref<1x4x4x8x128xf32, #tpu.memory_space<vmem>>[vector<16xi32>, vector<16xi32>, vector<16xi32>, vector<16xi32>, vector<16xi32>], vector<16xf32>,
          %parallel_loop3A_1308 = arith.constant 3 : i32
          %parallel_loop3A_1309 = arith.constant 0 : i32
          %parallel_loop3A_1310 = arith.constant 0 : i32
          %parallel_loop3A_1311 = tpu.memref_slice %arg5[%parallel_loop3A_1308, %parallel_loop3A_1309, %parallel_loop3A_1310] : memref<4x128x32xf32, #tpu.memory_space<vmem>> -> memref<1x128x32xf32, #tpu.memory_space<vmem>>
          %parallel_loop3A_1312 = tpu.memref_squeeze %parallel_loop3A_1311 : memref<1x128x32xf32, #tpu.memory_space<vmem>> -> memref<128x32xf32, #tpu.memory_space<vmem>>
          %parallel_loop3A_1313 = tpu.vector_load_idx %parallel_loop3A_1312[%add3A_691, %parallel_loop3A_1288] : memref<128x32xf32, #tpu.memory_space<vmem>>[vector<16xi32>, vector<16xi32>], vector<16xf32>,
          %parallel_loop3A_1314 = arith.constant 0 : i32
          %parallel_loop3A_1315 = arith.constant 0 : i32
          %parallel_loop3A_1316 = arith.constant 0 : i32
          %parallel_loop3A_1317 = arith.constant 0 : i32
          %parallel_loop3A_1318 = arith.constant 0 : i32
          %parallel_loop3A_1319 = tpu.memref_slice %run_scoped3A_8[%rem3A_621, %parallel_loop3A_1314, %parallel_loop3A_1315, %parallel_loop3A_1316, %parallel_loop3A_1317, %parallel_loop3A_1318] : memref<2x1x4x4x8x128xf32, #tpu.memory_space<vmem>> -> memref<1x1x4x4x8x128xf32, #tpu.memory_space<vmem>>
          %parallel_loop3A_1320 = tpu.memref_squeeze %parallel_loop3A_1319 : memref<1x1x4x4x8x128xf32, #tpu.memory_space<vmem>> -> memref<1x4x4x8x128xf32, #tpu.memory_space<vmem>>
          tpu.vector_store_idx %parallel_loop3A_1320[%broadcast_in_dim3A_710, %parallel_loop3A_1291, %mul3A_796, %parallel_loop3A_1294, %add3A_691], %parallel_loop3A_1313 : memref<1x4x4x8x128xf32, #tpu.memory_space<vmem>>[vector<16xi32>, vector<16xi32>, vector<16xi32>, vector<16xi32>, vector<16xi32>], vector<16xf32>,
          %parallel_loop3A_1321 = arith.constant 3 : i32
          %parallel_loop3A_1322 = arith.constant 0 : i32
          %parallel_loop3A_1323 = arith.constant 0 : i32
          %parallel_loop3A_1324 = tpu.memref_slice %arg5[%parallel_loop3A_1321, %parallel_loop3A_1322, %parallel_loop3A_1323] : memref<4x128x32xf32, #tpu.memory_space<vmem>> -> memref<1x128x32xf32, #tpu.memory_space<vmem>>
          %parallel_loop3A_1325 = tpu.memref_squeeze %parallel_loop3A_1324 : memref<1x128x32xf32, #tpu.memory_space<vmem>> -> memref<128x32xf32, #tpu.memory_space<vmem>>
          %parallel_loop3A_1326 = tpu.vector_load_idx %parallel_loop3A_1325[%add3A_694, %parallel_loop3A_1288] : memref<128x32xf32, #tpu.memory_space<vmem>>[vector<16xi32>, vector<16xi32>], vector<16xf32>,
          %parallel_loop3A_1327 = arith.constant 0 : i32
          %parallel_loop3A_1328 = arith.constant 0 : i32
          %parallel_loop3A_1329 = arith.constant 0 : i32
          %parallel_loop3A_1330 = arith.constant 0 : i32
          %parallel_loop3A_1331 = arith.constant 0 : i32
          %parallel_loop3A_1332 = tpu.memref_slice %run_scoped3A_8[%rem3A_621, %parallel_loop3A_1327, %parallel_loop3A_1328, %parallel_loop3A_1329, %parallel_loop3A_1330, %parallel_loop3A_1331] : memref<2x1x4x4x8x128xf32, #tpu.memory_space<vmem>> -> memref<1x1x4x4x8x128xf32, #tpu.memory_space<vmem>>
          %parallel_loop3A_1333 = tpu.memref_squeeze %parallel_loop3A_1332 : memref<1x1x4x4x8x128xf32, #tpu.memory_space<vmem>> -> memref<1x4x4x8x128xf32, #tpu.memory_space<vmem>>
          tpu.vector_store_idx %parallel_loop3A_1333[%broadcast_in_dim3A_710, %parallel_loop3A_1291, %mul3A_796, %parallel_loop3A_1294, %add3A_694], %parallel_loop3A_1326 : memref<1x4x4x8x128xf32, #tpu.memory_space<vmem>>[vector<16xi32>, vector<16xi32>, vector<16xi32>, vector<16xi32>, vector<16xi32>], vector<16xf32>,
          %parallel_loop3A_1334 = arith.constant 3 : i32
          %parallel_loop3A_1335 = arith.constant 0 : i32
          %parallel_loop3A_1336 = arith.constant 0 : i32
          %parallel_loop3A_1337 = tpu.memref_slice %arg5[%parallel_loop3A_1334, %parallel_loop3A_1335, %parallel_loop3A_1336] : memref<4x128x32xf32, #tpu.memory_space<vmem>> -> memref<1x128x32xf32, #tpu.memory_space<vmem>>
          %parallel_loop3A_1338 = tpu.memref_squeeze %parallel_loop3A_1337 : memref<1x128x32xf32, #tpu.memory_space<vmem>> -> memref<128x32xf32, #tpu.memory_space<vmem>>
          %parallel_loop3A_1339 = tpu.vector_load_idx %parallel_loop3A_1338[%add3A_697, %parallel_loop3A_1288] : memref<128x32xf32, #tpu.memory_space<vmem>>[vector<16xi32>, vector<16xi32>], vector<16xf32>,
          %parallel_loop3A_1340 = arith.constant 0 : i32
          %parallel_loop3A_1341 = arith.constant 0 : i32
          %parallel_loop3A_1342 = arith.constant 0 : i32
          %parallel_loop3A_1343 = arith.constant 0 : i32
          %parallel_loop3A_1344 = arith.constant 0 : i32
          %parallel_loop3A_1345 = tpu.memref_slice %run_scoped3A_8[%rem3A_621, %parallel_loop3A_1340, %parallel_loop3A_1341, %parallel_loop3A_1342, %parallel_loop3A_1343, %parallel_loop3A_1344] : memref<2x1x4x4x8x128xf32, #tpu.memory_space<vmem>> -> memref<1x1x4x4x8x128xf32, #tpu.memory_space<vmem>>
          %parallel_loop3A_1346 = tpu.memref_squeeze %parallel_loop3A_1345 : memref<1x1x4x4x8x128xf32, #tpu.memory_space<vmem>> -> memref<1x4x4x8x128xf32, #tpu.memory_space<vmem>>
          tpu.vector_store_idx %parallel_loop3A_1346[%broadcast_in_dim3A_710, %parallel_loop3A_1291, %mul3A_796, %parallel_loop3A_1294, %add3A_697], %parallel_loop3A_1339 : memref<1x4x4x8x128xf32, #tpu.memory_space<vmem>>[vector<16xi32>, vector<16xi32>, vector<16xi32>, vector<16xi32>, vector<16xi32>], vector<16xf32>,
          %parallel_loop3A_1347 = arith.constant 3 : i32
          %parallel_loop3A_1348 = arith.constant 0 : i32
          %parallel_loop3A_1349 = arith.constant 0 : i32
          %parallel_loop3A_1350 = tpu.memref_slice %arg5[%parallel_loop3A_1347, %parallel_loop3A_1348, %parallel_loop3A_1349] : memref<4x128x32xf32, #tpu.memory_space<vmem>> -> memref<1x128x32xf32, #tpu.memory_space<vmem>>
          %parallel_loop3A_1351 = tpu.memref_squeeze %parallel_loop3A_1350 : memref<1x128x32xf32, #tpu.memory_space<vmem>> -> memref<128x32xf32, #tpu.memory_space<vmem>>
          %parallel_loop3A_1352 = tpu.vector_load_idx %parallel_loop3A_1351[%add3A_700, %parallel_loop3A_1288] : memref<128x32xf32, #tpu.memory_space<vmem>>[vector<16xi32>, vector<16xi32>], vector<16xf32>,
          %parallel_loop3A_1353 = arith.constant 0 : i32
          %parallel_loop3A_1354 = arith.constant 0 : i32
          %parallel_loop3A_1355 = arith.constant 0 : i32
          %parallel_loop3A_1356 = arith.constant 0 : i32
          %parallel_loop3A_1357 = arith.constant 0 : i32
          %parallel_loop3A_1358 = tpu.memref_slice %run_scoped3A_8[%rem3A_621, %parallel_loop3A_1353, %parallel_loop3A_1354, %parallel_loop3A_1355, %parallel_loop3A_1356, %parallel_loop3A_1357] : memref<2x1x4x4x8x128xf32, #tpu.memory_space<vmem>> -> memref<1x1x4x4x8x128xf32, #tpu.memory_space<vmem>>
          %parallel_loop3A_1359 = tpu.memref_squeeze %parallel_loop3A_1358 : memref<1x1x4x4x8x128xf32, #tpu.memory_space<vmem>> -> memref<1x4x4x8x128xf32, #tpu.memory_space<vmem>>
          tpu.vector_store_idx %parallel_loop3A_1359[%broadcast_in_dim3A_710, %parallel_loop3A_1291, %mul3A_796, %parallel_loop3A_1294, %add3A_700], %parallel_loop3A_1352 : memref<1x4x4x8x128xf32, #tpu.memory_space<vmem>>[vector<16xi32>, vector<16xi32>, vector<16xi32>, vector<16xi32>, vector<16xi32>], vector<16xf32>,
          %parallel_loop3A_1360 = arith.constant 3 : i32
          %parallel_loop3A_1361 = arith.constant 0 : i32
          %parallel_loop3A_1362 = arith.constant 0 : i32
          %parallel_loop3A_1363 = tpu.memref_slice %arg5[%parallel_loop3A_1360, %parallel_loop3A_1361, %parallel_loop3A_1362] : memref<4x128x32xf32, #tpu.memory_space<vmem>> -> memref<1x128x32xf32, #tpu.memory_space<vmem>>
          %parallel_loop3A_1364 = tpu.memref_squeeze %parallel_loop3A_1363 : memref<1x128x32xf32, #tpu.memory_space<vmem>> -> memref<128x32xf32, #tpu.memory_space<vmem>>
          %parallel_loop3A_1365 = tpu.vector_load_idx %parallel_loop3A_1364[%add3A_703, %parallel_loop3A_1288] : memref<128x32xf32, #tpu.memory_space<vmem>>[vector<16xi32>, vector<16xi32>], vector<16xf32>,
          %parallel_loop3A_1366 = arith.constant 0 : i32
          %parallel_loop3A_1367 = arith.constant 0 : i32
          %parallel_loop3A_1368 = arith.constant 0 : i32
          %parallel_loop3A_1369 = arith.constant 0 : i32
          %parallel_loop3A_1370 = arith.constant 0 : i32
          %parallel_loop3A_1371 = tpu.memref_slice %run_scoped3A_8[%rem3A_621, %parallel_loop3A_1366, %parallel_loop3A_1367, %parallel_loop3A_1368, %parallel_loop3A_1369, %parallel_loop3A_1370] : memref<2x1x4x4x8x128xf32, #tpu.memory_space<vmem>> -> memref<1x1x4x4x8x128xf32, #tpu.memory_space<vmem>>
          %parallel_loop3A_1372 = tpu.memref_squeeze %parallel_loop3A_1371 : memref<1x1x4x4x8x128xf32, #tpu.memory_space<vmem>> -> memref<1x4x4x8x128xf32, #tpu.memory_space<vmem>>
          tpu.vector_store_idx %parallel_loop3A_1372[%broadcast_in_dim3A_710, %parallel_loop3A_1291, %mul3A_796, %parallel_loop3A_1294, %add3A_703], %parallel_loop3A_1365 : memref<1x4x4x8x128xf32, #tpu.memory_space<vmem>>[vector<16xi32>, vector<16xi32>, vector<16xi32>, vector<16xi32>, vector<16xi32>], vector<16xf32>,
          %parallel_loop3A_1373 = arith.constant 3 : i32
          %parallel_loop3A_1374 = arith.constant 0 : i32
          %parallel_loop3A_1375 = arith.constant 0 : i32
          %parallel_loop3A_1376 = tpu.memref_slice %arg5[%parallel_loop3A_1373, %parallel_loop3A_1374, %parallel_loop3A_1375] : memref<4x128x32xf32, #tpu.memory_space<vmem>> -> memref<1x128x32xf32, #tpu.memory_space<vmem>>
          %parallel_loop3A_1377 = tpu.memref_squeeze %parallel_loop3A_1376 : memref<1x128x32xf32, #tpu.memory_space<vmem>> -> memref<128x32xf32, #tpu.memory_space<vmem>>
          %parallel_loop3A_1378 = tpu.vector_load_idx %parallel_loop3A_1377[%add3A_706, %parallel_loop3A_1288] : memref<128x32xf32, #tpu.memory_space<vmem>>[vector<16xi32>, vector<16xi32>], vector<16xf32>,
          %parallel_loop3A_1379 = arith.constant 0 : i32
          %parallel_loop3A_1380 = arith.constant 0 : i32
          %parallel_loop3A_1381 = arith.constant 0 : i32
          %parallel_loop3A_1382 = arith.constant 0 : i32
          %parallel_loop3A_1383 = arith.constant 0 : i32
          %parallel_loop3A_1384 = tpu.memref_slice %run_scoped3A_8[%rem3A_621, %parallel_loop3A_1379, %parallel_loop3A_1380, %parallel_loop3A_1381, %parallel_loop3A_1382, %parallel_loop3A_1383] : memref<2x1x4x4x8x128xf32, #tpu.memory_space<vmem>> -> memref<1x1x4x4x8x128xf32, #tpu.memory_space<vmem>>
          %parallel_loop3A_1385 = tpu.memref_squeeze %parallel_loop3A_1384 : memref<1x1x4x4x8x128xf32, #tpu.memory_space<vmem>> -> memref<1x4x4x8x128xf32, #tpu.memory_space<vmem>>
          tpu.vector_store_idx %parallel_loop3A_1385[%broadcast_in_dim3A_710, %parallel_loop3A_1291, %mul3A_796, %parallel_loop3A_1294, %add3A_706], %parallel_loop3A_1378 : memref<1x4x4x8x128xf32, #tpu.memory_space<vmem>>[vector<16xi32>, vector<16xi32>, vector<16xi32>, vector<16xi32>, vector<16xi32>], vector<16xf32>,
          %parallel_loop3A_1386 = arith.constant 3 : i32
          %parallel_loop3A_1387 = arith.constant 0 : i32
          %parallel_loop3A_1388 = arith.constant 0 : i32
          %parallel_loop3A_1389 = tpu.memref_slice %arg5[%parallel_loop3A_1386, %parallel_loop3A_1387, %parallel_loop3A_1388] : memref<4x128x32xf32, #tpu.memory_space<vmem>> -> memref<1x128x32xf32, #tpu.memory_space<vmem>>
          %parallel_loop3A_1390 = tpu.memref_squeeze %parallel_loop3A_1389 : memref<1x128x32xf32, #tpu.memory_space<vmem>> -> memref<128x32xf32, #tpu.memory_space<vmem>>
          %parallel_loop3A_1391 = tpu.vector_load_idx %parallel_loop3A_1390[%add3A_709, %parallel_loop3A_1288] : memref<128x32xf32, #tpu.memory_space<vmem>>[vector<16xi32>, vector<16xi32>], vector<16xf32>,
          %parallel_loop3A_1392 = arith.constant 0 : i32
          %parallel_loop3A_1393 = arith.constant 0 : i32
          %parallel_loop3A_1394 = arith.constant 0 : i32
          %parallel_loop3A_1395 = arith.constant 0 : i32
          %parallel_loop3A_1396 = arith.constant 0 : i32
          %parallel_loop3A_1397 = tpu.memref_slice %run_scoped3A_8[%rem3A_621, %parallel_loop3A_1392, %parallel_loop3A_1393, %parallel_loop3A_1394, %parallel_loop3A_1395, %parallel_loop3A_1396] : memref<2x1x4x4x8x128xf32, #tpu.memory_space<vmem>> -> memref<1x1x4x4x8x128xf32, #tpu.memory_space<vmem>>
          %parallel_loop3A_1398 = tpu.memref_squeeze %parallel_loop3A_1397 : memref<1x1x4x4x8x128xf32, #tpu.memory_space<vmem>> -> memref<1x4x4x8x128xf32, #tpu.memory_space<vmem>>
          tpu.vector_store_idx %parallel_loop3A_1398[%broadcast_in_dim3A_710, %parallel_loop3A_1291, %mul3A_796, %parallel_loop3A_1294, %add3A_709], %parallel_loop3A_1391 : memref<1x4x4x8x128xf32, #tpu.memory_space<vmem>>[vector<16xi32>, vector<16xi32>, vector<16xi32>, vector<16xi32>, vector<16xi32>], vector<16xf32>,
        } {sc.loop_unroll_factor = 4 : i64, sc.parallel_access}
        %jit3A_800 = arith.constant 32 : i32
        "tpu.trace_stop"() : () -> ()
        %div3A_801 = arith.divsi %add3A_217, %jit3A_800 : i32
        %sign3A_802 = arith.constant 0 : i32
        %sign3A_803 = arith.cmpi sgt, %add3A_217, %sign3A_802 : i32
        %sign3A_804 = arith.extui %sign3A_803 : i1 to i32
        %sign3A_805 = arith.constant 0 : i32
        %sign3A_806 = arith.cmpi slt, %add3A_217, %sign3A_805 : i32
        %sign3A_807 = arith.extui %sign3A_806 : i1 to i32
        %sign3A_808 = arith.subi %sign3A_804, %sign3A_807 : i32
        %sign3A_809 = arith.constant 0 : i32
        %sign3A_810 = arith.cmpi sgt, %jit3A_800, %sign3A_809 : i32
        %sign3A_811 = arith.extui %sign3A_810 : i1 to i32
        %sign3A_812 = arith.constant 0 : i32
        %sign3A_813 = arith.cmpi slt, %jit3A_800, %sign3A_812 : i32
        %sign3A_814 = arith.extui %sign3A_813 : i1 to i32
        %sign3A_815 = arith.subi %sign3A_811, %sign3A_814 : i32
        %ne3A_816 = arith.cmpi ne, %sign3A_808, %sign3A_815 : i32
        %rem3A_817 = arith.remsi %add3A_217, %jit3A_800 : i32
        %ne3A_818 = arith.constant 0 : i32
        %ne3A_819 = arith.cmpi ne, %rem3A_817, %ne3A_818 : i32
        %and3A_820 = arith.andi %ne3A_816, %ne3A_819 : i1
        %sub3A_821 = arith.constant 1 : i32
        %sub3A_822 = arith.subi %div3A_801, %sub3A_821 : i32
        %select_n3A_823 = arith.select %and3A_820, %sub3A_822, %div3A_801 : i32
        %jit3A_824 = arith.constant 32 : i32
        %eq3A_825 = arith.constant 0 : i32
        %eq3A_826 = arith.cmpi eq, %jit3A_824, %eq3A_825 : i32
        %jit3A_827 = arith.constant 1 : i32
        %select_n3A_828 = arith.select %eq3A_826, %jit3A_827, %jit3A_824 : i32
        %rem3A_829 = arith.remsi %add3A_217, %select_n3A_828 : i32
        %ne3A_830 = arith.constant 0 : i32
        %ne3A_831 = arith.cmpi ne, %rem3A_829, %ne3A_830 : i32
        %lt3A_832 = arith.constant 0 : i32
        %lt3A_833 = arith.cmpi slt, %rem3A_829, %lt3A_832 : i32
        %lt3A_834 = arith.constant 0 : i32
        %lt3A_835 = arith.cmpi slt, %select_n3A_828, %lt3A_834 : i32
        %ne3A_836 = arith.xori %lt3A_833, %lt3A_835 : i1
        %and3A_837 = arith.andi %ne3A_836, %ne3A_831 : i1
        %add3A_838 = arith.addi %rem3A_829, %select_n3A_828 : i32
        %select_n3A_839 = arith.select %and3A_837, %add3A_838, %rem3A_829 : i32
        %jit3A_840 = arith.constant 32 : i32
        %div3A_841 = arith.divsi %add3A_235, %jit3A_840 : i32
        %sign3A_842 = arith.constant 0 : i32
        %sign3A_843 = arith.cmpi sgt, %add3A_235, %sign3A_842 : i32
        %sign3A_844 = arith.extui %sign3A_843 : i1 to i32
        %sign3A_845 = arith.constant 0 : i32
        %sign3A_846 = arith.cmpi slt, %add3A_235, %sign3A_845 : i32
        %sign3A_847 = arith.extui %sign3A_846 : i1 to i32
        %sign3A_848 = arith.subi %sign3A_844, %sign3A_847 : i32
        %sign3A_849 = arith.constant 0 : i32
        %sign3A_850 = arith.cmpi sgt, %jit3A_840, %sign3A_849 : i32
        %sign3A_851 = arith.extui %sign3A_850 : i1 to i32
        %sign3A_852 = arith.constant 0 : i32
        %sign3A_853 = arith.cmpi slt, %jit3A_840, %sign3A_852 : i32
        %sign3A_854 = arith.extui %sign3A_853 : i1 to i32
        %sign3A_855 = arith.subi %sign3A_851, %sign3A_854 : i32
        %ne3A_856 = arith.cmpi ne, %sign3A_848, %sign3A_855 : i32
        %rem3A_857 = arith.remsi %add3A_235, %jit3A_840 : i32
        %ne3A_858 = arith.constant 0 : i32
        %ne3A_859 = arith.cmpi ne, %rem3A_857, %ne3A_858 : i32
        %and3A_860 = arith.andi %ne3A_856, %ne3A_859 : i1
        %sub3A_861 = arith.constant 1 : i32
        %sub3A_862 = arith.subi %div3A_841, %sub3A_861 : i32
        %select_n3A_863 = arith.select %and3A_860, %sub3A_862, %div3A_841 : i32
        %jit3A_864 = arith.constant 32 : i32
        %eq3A_865 = arith.constant 0 : i32
        %eq3A_866 = arith.cmpi eq, %jit3A_864, %eq3A_865 : i32
        %jit3A_867 = arith.constant 1 : i32
        %select_n3A_868 = arith.select %eq3A_866, %jit3A_867, %jit3A_864 : i32
        %rem3A_869 = arith.remsi %add3A_235, %select_n3A_868 : i32
        %ne3A_870 = arith.constant 0 : i32
        %ne3A_871 = arith.cmpi ne, %rem3A_869, %ne3A_870 : i32
        %lt3A_872 = arith.constant 0 : i32
        %lt3A_873 = arith.cmpi slt, %rem3A_869, %lt3A_872 : i32
        %lt3A_874 = arith.constant 0 : i32
        %lt3A_875 = arith.cmpi slt, %select_n3A_868, %lt3A_874 : i32
        %ne3A_876 = arith.xori %lt3A_873, %lt3A_875 : i1
        %and3A_877 = arith.andi %ne3A_876, %ne3A_871 : i1
        %add3A_878 = arith.addi %rem3A_869, %select_n3A_868 : i32
        %select_n3A_879 = arith.select %and3A_877, %add3A_878, %rem3A_869 : i32
        %ne3A_880 = arith.cmpi ne, %select_n3A_823, %select_n3A_863 : i32
        %ne3A_881 = arith.cmpi ne, %select_n3A_839, %select_n3A_879 : i32
        %or3A_882 = arith.constant false
        %or3A_883 = arith.ori %or3A_882, %ne3A_880 : i1
        %or3A_884 = arith.ori %or3A_883, %ne3A_881 : i1
        %or3A_885 = arith.ori %or3A_884, %eq3A_216 : i1
        %convert_element_type3A_886 = arith.extui %or3A_885 : i1 to i32
        %cond3A_887 = arith.constant 0 : i32
        %cond3A_888 = arith.cmpi ne, %convert_element_type3A_886, %cond3A_887 : i32
        scf.if %cond3A_888 {
        } else {
        }
        %and3A_889 = arith.constant false
        %and3A_890 = arith.andi %or3A_885, %and3A_889 : i1
        %jit3A_891 = arith.constant 32 : i32
        %div3A_892 = arith.divsi %add3A_217, %jit3A_891 : i32
        %sign3A_893 = arith.constant 0 : i32
        %sign3A_894 = arith.cmpi sgt, %add3A_217, %sign3A_893 : i32
        %sign3A_895 = arith.extui %sign3A_894 : i1 to i32
        %sign3A_896 = arith.constant 0 : i32
        %sign3A_897 = arith.cmpi slt, %add3A_217, %sign3A_896 : i32
        %sign3A_898 = arith.extui %sign3A_897 : i1 to i32
        %sign3A_899 = arith.subi %sign3A_895, %sign3A_898 : i32
        %sign3A_900 = arith.constant 0 : i32
        %sign3A_901 = arith.cmpi sgt, %jit3A_891, %sign3A_900 : i32
        %sign3A_902 = arith.extui %sign3A_901 : i1 to i32
        %sign3A_903 = arith.constant 0 : i32
        %sign3A_904 = arith.cmpi slt, %jit3A_891, %sign3A_903 : i32
        %sign3A_905 = arith.extui %sign3A_904 : i1 to i32
        %sign3A_906 = arith.subi %sign3A_902, %sign3A_905 : i32
        %ne3A_907 = arith.cmpi ne, %sign3A_899, %sign3A_906 : i32
        %rem3A_908 = arith.remsi %add3A_217, %jit3A_891 : i32
        %ne3A_909 = arith.constant 0 : i32
        %ne3A_910 = arith.cmpi ne, %rem3A_908, %ne3A_909 : i32
        %and3A_911 = arith.andi %ne3A_907, %ne3A_910 : i1
        %sub3A_912 = arith.constant 1 : i32
        %sub3A_913 = arith.subi %div3A_892, %sub3A_912 : i32
        %select_n3A_914 = arith.select %and3A_911, %sub3A_913, %div3A_892 : i32
        %jit3A_915 = arith.constant 32 : i32
        %eq3A_916 = arith.constant 0 : i32
        %eq3A_917 = arith.cmpi eq, %jit3A_915, %eq3A_916 : i32
        %jit3A_918 = arith.constant 1 : i32
        %select_n3A_919 = arith.select %eq3A_917, %jit3A_918, %jit3A_915 : i32
        %rem3A_920 = arith.remsi %add3A_217, %select_n3A_919 : i32
        %ne3A_921 = arith.constant 0 : i32
        %ne3A_922 = arith.cmpi ne, %rem3A_920, %ne3A_921 : i32
        %lt3A_923 = arith.constant 0 : i32
        %lt3A_924 = arith.cmpi slt, %rem3A_920, %lt3A_923 : i32
        %lt3A_925 = arith.constant 0 : i32
        %lt3A_926 = arith.cmpi slt, %select_n3A_919, %lt3A_925 : i32
        %ne3A_927 = arith.xori %lt3A_924, %lt3A_926 : i1
        %and3A_928 = arith.andi %ne3A_927, %ne3A_922 : i1
        %add3A_929 = arith.addi %rem3A_920, %select_n3A_919 : i32
        %select_n3A_930 = arith.select %and3A_928, %add3A_929, %rem3A_920 : i32
        %jit3A_931 = arith.constant 32 : i32
        %div3A_932 = arith.divsi %add3A_235, %jit3A_931 : i32
        %sign3A_933 = arith.constant 0 : i32
        %sign3A_934 = arith.cmpi sgt, %add3A_235, %sign3A_933 : i32
        %sign3A_935 = arith.extui %sign3A_934 : i1 to i32
        %sign3A_936 = arith.constant 0 : i32
        %sign3A_937 = arith.cmpi slt, %add3A_235, %sign3A_936 : i32
        %sign3A_938 = arith.extui %sign3A_937 : i1 to i32
        %sign3A_939 = arith.subi %sign3A_935, %sign3A_938 : i32
        %sign3A_940 = arith.constant 0 : i32
        %sign3A_941 = arith.cmpi sgt, %jit3A_931, %sign3A_940 : i32
        %sign3A_942 = arith.extui %sign3A_941 : i1 to i32
        %sign3A_943 = arith.constant 0 : i32
        %sign3A_944 = arith.cmpi slt, %jit3A_931, %sign3A_943 : i32
        %sign3A_945 = arith.extui %sign3A_944 : i1 to i32
        %sign3A_946 = arith.subi %sign3A_942, %sign3A_945 : i32
        %ne3A_947 = arith.cmpi ne, %sign3A_939, %sign3A_946 : i32
        %rem3A_948 = arith.remsi %add3A_235, %jit3A_931 : i32
        %ne3A_949 = arith.constant 0 : i32
        %ne3A_950 = arith.cmpi ne, %rem3A_948, %ne3A_949 : i32
        %and3A_951 = arith.andi %ne3A_947, %ne3A_950 : i1
        %sub3A_952 = arith.constant 1 : i32
        %sub3A_953 = arith.subi %div3A_932, %sub3A_952 : i32
        %select_n3A_954 = arith.select %and3A_951, %sub3A_953, %div3A_932 : i32
        %jit3A_955 = arith.constant 32 : i32
        %eq3A_956 = arith.constant 0 : i32
        %eq3A_957 = arith.cmpi eq, %jit3A_955, %eq3A_956 : i32
        %jit3A_958 = arith.constant 1 : i32
        %select_n3A_959 = arith.select %eq3A_957, %jit3A_958, %jit3A_955 : i32
        %rem3A_960 = arith.remsi %add3A_235, %select_n3A_959 : i32
        %ne3A_961 = arith.constant 0 : i32
        %ne3A_962 = arith.cmpi ne, %rem3A_960, %ne3A_961 : i32
        %lt3A_963 = arith.constant 0 : i32
        %lt3A_964 = arith.cmpi slt, %rem3A_960, %lt3A_963 : i32
        %lt3A_965 = arith.constant 0 : i32
        %lt3A_966 = arith.cmpi slt, %select_n3A_959, %lt3A_965 : i32
        %ne3A_967 = arith.xori %lt3A_964, %lt3A_966 : i1
        %and3A_968 = arith.andi %ne3A_967, %ne3A_962 : i1
        %add3A_969 = arith.addi %rem3A_960, %select_n3A_959 : i32
        %select_n3A_970 = arith.select %and3A_968, %add3A_969, %rem3A_960 : i32
        %ne3A_971 = arith.cmpi ne, %select_n3A_914, %select_n3A_954 : i32
        %ne3A_972 = arith.cmpi ne, %select_n3A_930, %select_n3A_970 : i32
        %or3A_973 = arith.constant false
        %or3A_974 = arith.ori %or3A_973, %ne3A_971 : i1
        %or3A_975 = arith.constant false
        %or3A_976 = arith.ori %or3A_974, %or3A_975 : i1
        %or3A_977 = arith.ori %or3A_976, %ne3A_972 : i1
        %or3A_978 = arith.constant false
        %or3A_979 = arith.ori %or3A_977, %or3A_978 : i1
        %or3A_980 = arith.constant false
        %or3A_981 = arith.ori %or3A_979, %or3A_980 : i1
        %or3A_982 = arith.ori %or3A_981, %eq3A_216 : i1
        %convert_element_type3A_983 = arith.extui %or3A_982 : i1 to i32
        %cond3A_984 = arith.constant 0 : i32
        %cond3A_985 = arith.cmpi ne, %convert_element_type3A_983, %cond3A_984 : i32
        scf.if %cond3A_985 {
          "tpu.trace_start"() <{level = 10 : i32, message = "ep_copy_out"}> : () -> ()
          %rem3A_1283 = arith.constant 2 : i32
          %rem3A_1284 = arith.remui %scan3A_210, %rem3A_1283 : i32
          %jit3A_1285 = arith.constant 32 : i32
          %div3A_1286 = arith.divsi %add3A_217, %jit3A_1285 : i32
          %sign3A_1287 = arith.constant 0 : i32
          %sign3A_1288 = arith.cmpi sgt, %add3A_217, %sign3A_1287 : i32
          %sign3A_1289 = arith.extui %sign3A_1288 : i1 to i32
          %sign3A_1290 = arith.constant 0 : i32
          %sign3A_1291 = arith.cmpi slt, %add3A_217, %sign3A_1290 : i32
          %sign3A_1292 = arith.extui %sign3A_1291 : i1 to i32
          %sign3A_1293 = arith.subi %sign3A_1289, %sign3A_1292 : i32
          %sign3A_1294 = arith.constant 0 : i32
          %sign3A_1295 = arith.cmpi sgt, %jit3A_1285, %sign3A_1294 : i32
          %sign3A_1296 = arith.extui %sign3A_1295 : i1 to i32
          %sign3A_1297 = arith.constant 0 : i32
          %sign3A_1298 = arith.cmpi slt, %jit3A_1285, %sign3A_1297 : i32
          %sign3A_1299 = arith.extui %sign3A_1298 : i1 to i32
          %sign3A_1300 = arith.subi %sign3A_1296, %sign3A_1299 : i32
          %ne3A_1301 = arith.cmpi ne, %sign3A_1293, %sign3A_1300 : i32
          %rem3A_1302 = arith.remsi %add3A_217, %jit3A_1285 : i32
          %ne3A_1303 = arith.constant 0 : i32
          %ne3A_1304 = arith.cmpi ne, %rem3A_1302, %ne3A_1303 : i32
          %and3A_1305 = arith.andi %ne3A_1301, %ne3A_1304 : i1
          %sub3A_1306 = arith.constant 1 : i32
          %sub3A_1307 = arith.subi %div3A_1286, %sub3A_1306 : i32
          %select_n3A_1308 = arith.select %and3A_1305, %sub3A_1307, %div3A_1286 : i32
          %jit3A_1309 = arith.constant 32 : i32
          %eq3A_1310 = arith.constant 0 : i32
          %eq3A_1311 = arith.cmpi eq, %jit3A_1309, %eq3A_1310 : i32
          %jit3A_1312 = arith.constant 1 : i32
          %select_n3A_1313 = arith.select %eq3A_1311, %jit3A_1312, %jit3A_1309 : i32
          %rem3A_1314 = arith.remsi %add3A_217, %select_n3A_1313 : i32
          %ne3A_1315 = arith.constant 0 : i32
          %ne3A_1316 = arith.cmpi ne, %rem3A_1314, %ne3A_1315 : i32
          %lt3A_1317 = arith.constant 0 : i32
          %lt3A_1318 = arith.cmpi slt, %rem3A_1314, %lt3A_1317 : i32
          %lt3A_1319 = arith.constant 0 : i32
          %lt3A_1320 = arith.cmpi slt, %select_n3A_1313, %lt3A_1319 : i32
          %ne3A_1321 = arith.xori %lt3A_1318, %lt3A_1320 : i1
          %and3A_1322 = arith.andi %ne3A_1321, %ne3A_1316 : i1
          %add3A_1323 = arith.addi %rem3A_1314, %select_n3A_1313 : i32
          %select_n3A_1324 = arith.select %and3A_1322, %add3A_1323, %rem3A_1314 : i32
          %mul3A_1325 = arith.constant 1 : i32
          %mul3A_1326 = arith.muli %mul3A_1325, %select_n3A_1308 : i32
          %mul3A_1327 = arith.constant 4 : i32
          %mul3A_1328 = arith.muli %mul3A_1327, %select_n3A_1324 : i32
          %dma_start3A_1329 = arith.constant 0 : i32
          %dma_start3A_1330 = arith.constant 0 : i32
          %dma_start3A_1331 = arith.constant 0 : i32
          %dma_start3A_1332 = arith.constant 0 : i32
          %dma_start3A_1333 = arith.constant 0 : i32
          %dma_start3A_1334 = tpu.memref_slice %run_scoped3A_8[%rem3A_1284, %dma_start3A_1329, %dma_start3A_1330, %dma_start3A_1331, %dma_start3A_1332, %dma_start3A_1333] : memref<2x1x4x4x8x128xf32, #tpu.memory_space<vmem>> -> memref<1x1x4x4x8x128xf32, #tpu.memory_space<vmem>>
          %dma_start3A_1335 = tpu.memref_squeeze %dma_start3A_1334 : memref<1x1x4x4x8x128xf32, #tpu.memory_space<vmem>> -> memref<1x4x4x8x128xf32, #tpu.memory_space<vmem>>
          %dma_start3A_1336 = arith.constant 0 : i32
          %dma_start3A_1337 = arith.constant 0 : i32
          %dma_start3A_1338 = arith.constant 0 : i32
          %dma_start3A_1339 = tpu.memref_slice %arg4[%mul3A_1326, %dma_start3A_1336, %mul3A_1328, %dma_start3A_1337, %dma_start3A_1338] : memref<200x4x128x8x128xf32, #tpu.memory_space<hbm>> -> memref<1x4x4x8x128xf32, #tpu.memory_space<hbm>>
          %dma_start3A_1340 = tpu.memref_slice %run_scoped3A_9[%rem3A_1284] : memref<2x!tpu.dma_semaphore, #tpu.memory_space<semaphore_mem>> -> memref<1x!tpu.dma_semaphore, #tpu.memory_space<semaphore_mem>>
          %dma_start3A_1341 = tpu.memref_squeeze %dma_start3A_1340 : memref<1x!tpu.dma_semaphore, #tpu.memory_space<semaphore_mem>> -> memref<!tpu.dma_semaphore, #tpu.memory_space<semaphore_mem>>
          %dma_start3A_1342 = arith.constant 0 : i32
          %dma_start3A_1343 = arith.constant 0 : i32
          %dma_start3A_1344 = arith.constant 0 : i32
          %dma_start3A_1345 = tpu.memref_slice %arg4[%mul3A_1326, %dma_start3A_1342, %mul3A_1328, %dma_start3A_1343, %dma_start3A_1344] : memref<200x4x128x8x128xf32, #tpu.memory_space<hbm>> -> memref<1x4x4x8x128xf32, #tpu.memory_space<hbm>>
          %dma_start3A_1346 = arith.constant 0 : i32
          %dma_start3A_1347 = arith.constant 0 : i32
          %dma_start3A_1348 = arith.constant 0 : i32
          %dma_start3A_1349 = arith.constant 0 : i32
          %dma_start3A_1350 = arith.constant 0 : i32
          %dma_start3A_1351 = tpu.memref_slice %run_scoped3A_8[%rem3A_1284, %dma_start3A_1346, %dma_start3A_1347, %dma_start3A_1348, %dma_start3A_1349, %dma_start3A_1350] : memref<2x1x4x4x8x128xf32, #tpu.memory_space<vmem>> -> memref<1x1x4x4x8x128xf32, #tpu.memory_space<vmem>>
          %dma_start3A_1352 = tpu.memref_squeeze %dma_start3A_1351 : memref<1x1x4x4x8x128xf32, #tpu.memory_space<vmem>> -> memref<1x4x4x8x128xf32, #tpu.memory_space<vmem>>
          tpu.enqueue_dma source(%dma_start3A_1352 : memref<1x4x4x8x128xf32, #tpu.memory_space<vmem>>) target(%dma_start3A_1345 : memref<1x4x4x8x128xf32, #tpu.memory_space<hbm>>) target_semaphore(%dma_start3A_1341 : memref<!tpu.dma_semaphore, #tpu.memory_space<semaphore_mem>>)
          "tpu.trace_stop"() : () -> ()
        } else {
        }
        %and3A_986 = arith.constant true
        %and3A_987 = arith.andi %or3A_982, %and3A_986 : i1
        %add3A_988 = arith.constant 1 : i32
        %add3A_989 = arith.addi %scan3A_210, %add3A_988 : i32
        %select_n3A_990 = arith.select %and3A_987, %add3A_989, %scan3A_210 : i32
        %jit3A_991 = arith.constant 32 : i32
        %div3A_992 = arith.divsi %add3A_217, %jit3A_991 : i32
        %sign3A_993 = arith.constant 0 : i32
        %sign3A_994 = arith.cmpi sgt, %add3A_217, %sign3A_993 : i32
        %sign3A_995 = arith.extui %sign3A_994 : i1 to i32
        %sign3A_996 = arith.constant 0 : i32
        %sign3A_997 = arith.cmpi slt, %add3A_217, %sign3A_996 : i32
        %sign3A_998 = arith.extui %sign3A_997 : i1 to i32
        %sign3A_999 = arith.subi %sign3A_995, %sign3A_998 : i32
        %sign3A_1000 = arith.constant 0 : i32
        %sign3A_1001 = arith.cmpi sgt, %jit3A_991, %sign3A_1000 : i32
        %sign3A_1002 = arith.extui %sign3A_1001 : i1 to i32
        %sign3A_1003 = arith.constant 0 : i32
        %sign3A_1004 = arith.cmpi slt, %jit3A_991, %sign3A_1003 : i32
        %sign3A_1005 = arith.extui %sign3A_1004 : i1 to i32
        %sign3A_1006 = arith.subi %sign3A_1002, %sign3A_1005 : i32
        %ne3A_1007 = arith.cmpi ne, %sign3A_999, %sign3A_1006 : i32
        %rem3A_1008 = arith.remsi %add3A_217, %jit3A_991 : i32
        %ne3A_1009 = arith.constant 0 : i32
        %ne3A_1010 = arith.cmpi ne, %rem3A_1008, %ne3A_1009 : i32
        %and3A_1011 = arith.andi %ne3A_1007, %ne3A_1010 : i1
        %sub3A_1012 = arith.constant 1 : i32
        %sub3A_1013 = arith.subi %div3A_992, %sub3A_1012 : i32
        %select_n3A_1014 = arith.select %and3A_1011, %sub3A_1013, %div3A_992 : i32
        %jit3A_1015 = arith.constant 32 : i32
        %eq3A_1016 = arith.constant 0 : i32
        %eq3A_1017 = arith.cmpi eq, %jit3A_1015, %eq3A_1016 : i32
        %jit3A_1018 = arith.constant 1 : i32
        %select_n3A_1019 = arith.select %eq3A_1017, %jit3A_1018, %jit3A_1015 : i32
        %rem3A_1020 = arith.remsi %add3A_217, %select_n3A_1019 : i32
        %ne3A_1021 = arith.constant 0 : i32
        %ne3A_1022 = arith.cmpi ne, %rem3A_1020, %ne3A_1021 : i32
        %lt3A_1023 = arith.constant 0 : i32
        %lt3A_1024 = arith.cmpi slt, %rem3A_1020, %lt3A_1023 : i32
        %lt3A_1025 = arith.constant 0 : i32
        %lt3A_1026 = arith.cmpi slt, %select_n3A_1019, %lt3A_1025 : i32
        %ne3A_1027 = arith.xori %lt3A_1024, %lt3A_1026 : i1
        %and3A_1028 = arith.andi %ne3A_1027, %ne3A_1022 : i1
        %add3A_1029 = arith.addi %rem3A_1020, %select_n3A_1019 : i32
        %select_n3A_1030 = arith.select %and3A_1028, %add3A_1029, %rem3A_1020 : i32
        %jit3A_1031 = arith.constant 32 : i32
        %div3A_1032 = arith.divsi %add3A_226, %jit3A_1031 : i32
        %sign3A_1033 = arith.constant 0 : i32
        %sign3A_1034 = arith.cmpi sgt, %add3A_226, %sign3A_1033 : i32
        %sign3A_1035 = arith.extui %sign3A_1034 : i1 to i32
        %sign3A_1036 = arith.constant 0 : i32
        %sign3A_1037 = arith.cmpi slt, %add3A_226, %sign3A_1036 : i32
        %sign3A_1038 = arith.extui %sign3A_1037 : i1 to i32
        %sign3A_1039 = arith.subi %sign3A_1035, %sign3A_1038 : i32
        %sign3A_1040 = arith.constant 0 : i32
        %sign3A_1041 = arith.cmpi sgt, %jit3A_1031, %sign3A_1040 : i32
        %sign3A_1042 = arith.extui %sign3A_1041 : i1 to i32
        %sign3A_1043 = arith.constant 0 : i32
        %sign3A_1044 = arith.cmpi slt, %jit3A_1031, %sign3A_1043 : i32
        %sign3A_1045 = arith.extui %sign3A_1044 : i1 to i32
        %sign3A_1046 = arith.subi %sign3A_1042, %sign3A_1045 : i32
        %ne3A_1047 = arith.cmpi ne, %sign3A_1039, %sign3A_1046 : i32
        %rem3A_1048 = arith.remsi %add3A_226, %jit3A_1031 : i32
        %ne3A_1049 = arith.constant 0 : i32
        %ne3A_1050 = arith.cmpi ne, %rem3A_1048, %ne3A_1049 : i32
        %and3A_1051 = arith.andi %ne3A_1047, %ne3A_1050 : i1
        %sub3A_1052 = arith.constant 1 : i32
        %sub3A_1053 = arith.subi %div3A_1032, %sub3A_1052 : i32
        %select_n3A_1054 = arith.select %and3A_1051, %sub3A_1053, %div3A_1032 : i32
        %jit3A_1055 = arith.constant 32 : i32
        %eq3A_1056 = arith.constant 0 : i32
        %eq3A_1057 = arith.cmpi eq, %jit3A_1055, %eq3A_1056 : i32
        %jit3A_1058 = arith.constant 1 : i32
        %select_n3A_1059 = arith.select %eq3A_1057, %jit3A_1058, %jit3A_1055 : i32
        %rem3A_1060 = arith.remsi %add3A_226, %select_n3A_1059 : i32
        %ne3A_1061 = arith.constant 0 : i32
        %ne3A_1062 = arith.cmpi ne, %rem3A_1060, %ne3A_1061 : i32
        %lt3A_1063 = arith.constant 0 : i32
        %lt3A_1064 = arith.cmpi slt, %rem3A_1060, %lt3A_1063 : i32
        %lt3A_1065 = arith.constant 0 : i32
        %lt3A_1066 = arith.cmpi slt, %select_n3A_1059, %lt3A_1065 : i32
        %ne3A_1067 = arith.xori %lt3A_1064, %lt3A_1066 : i1
        %and3A_1068 = arith.andi %ne3A_1067, %ne3A_1062 : i1
        %add3A_1069 = arith.addi %rem3A_1060, %select_n3A_1059 : i32
        %select_n3A_1070 = arith.select %and3A_1068, %add3A_1069, %rem3A_1060 : i32
        %ne3A_1071 = arith.cmpi ne, %select_n3A_1014, %select_n3A_1054 : i32
        %ne3A_1072 = arith.cmpi ne, %select_n3A_1030, %select_n3A_1070 : i32
        %or3A_1073 = arith.constant false
        %or3A_1074 = arith.ori %or3A_1073, %ne3A_1071 : i1
        %or3A_1075 = arith.ori %or3A_1074, %ne3A_1072 : i1
        %not3A_1076 = arith.constant true
        %not3A_1077 = arith.xori %eq3A_214, %not3A_1076 : i1
        %and3A_1078 = arith.andi %or3A_1075, %not3A_1077 : i1
        %convert_element_type3A_1079 = arith.extui %and3A_1078 : i1 to i32
        %cond3A_1080 = arith.constant 0 : i32
        %cond3A_1081 = arith.cmpi ne, %convert_element_type3A_1079, %cond3A_1080 : i32
        scf.if %cond3A_1081 {
        } else {
        }
        %and3A_1082 = arith.constant false
        %and3A_1083 = arith.andi %and3A_1078, %and3A_1082 : i1
        %jit3A_1084 = arith.constant 32 : i32
        %div3A_1085 = arith.divsi %add3A_217, %jit3A_1084 : i32
        %sign3A_1086 = arith.constant 0 : i32
        %sign3A_1087 = arith.cmpi sgt, %add3A_217, %sign3A_1086 : i32
        %sign3A_1088 = arith.extui %sign3A_1087 : i1 to i32
        %sign3A_1089 = arith.constant 0 : i32
        %sign3A_1090 = arith.cmpi slt, %add3A_217, %sign3A_1089 : i32
        %sign3A_1091 = arith.extui %sign3A_1090 : i1 to i32
        %sign3A_1092 = arith.subi %sign3A_1088, %sign3A_1091 : i32
        %sign3A_1093 = arith.constant 0 : i32
        %sign3A_1094 = arith.cmpi sgt, %jit3A_1084, %sign3A_1093 : i32
        %sign3A_1095 = arith.extui %sign3A_1094 : i1 to i32
        %sign3A_1096 = arith.constant 0 : i32
        %sign3A_1097 = arith.cmpi slt, %jit3A_1084, %sign3A_1096 : i32
        %sign3A_1098 = arith.extui %sign3A_1097 : i1 to i32
        %sign3A_1099 = arith.subi %sign3A_1095, %sign3A_1098 : i32
        %ne3A_1100 = arith.cmpi ne, %sign3A_1092, %sign3A_1099 : i32
        %rem3A_1101 = arith.remsi %add3A_217, %jit3A_1084 : i32
        %ne3A_1102 = arith.constant 0 : i32
        %ne3A_1103 = arith.cmpi ne, %rem3A_1101, %ne3A_1102 : i32
        %and3A_1104 = arith.andi %ne3A_1100, %ne3A_1103 : i1
        %sub3A_1105 = arith.constant 1 : i32
        %sub3A_1106 = arith.subi %div3A_1085, %sub3A_1105 : i32
        %select_n3A_1107 = arith.select %and3A_1104, %sub3A_1106, %div3A_1085 : i32
        %jit3A_1108 = arith.constant 32 : i32
        %eq3A_1109 = arith.constant 0 : i32
        %eq3A_1110 = arith.cmpi eq, %jit3A_1108, %eq3A_1109 : i32
        %jit3A_1111 = arith.constant 1 : i32
        %select_n3A_1112 = arith.select %eq3A_1110, %jit3A_1111, %jit3A_1108 : i32
        %rem3A_1113 = arith.remsi %add3A_217, %select_n3A_1112 : i32
        %ne3A_1114 = arith.constant 0 : i32
        %ne3A_1115 = arith.cmpi ne, %rem3A_1113, %ne3A_1114 : i32
        %lt3A_1116 = arith.constant 0 : i32
        %lt3A_1117 = arith.cmpi slt, %rem3A_1113, %lt3A_1116 : i32
        %lt3A_1118 = arith.constant 0 : i32
        %lt3A_1119 = arith.cmpi slt, %select_n3A_1112, %lt3A_1118 : i32
        %ne3A_1120 = arith.xori %lt3A_1117, %lt3A_1119 : i1
        %and3A_1121 = arith.andi %ne3A_1120, %ne3A_1115 : i1
        %add3A_1122 = arith.addi %rem3A_1113, %select_n3A_1112 : i32
        %select_n3A_1123 = arith.select %and3A_1121, %add3A_1122, %rem3A_1113 : i32
        %jit3A_1124 = arith.constant 32 : i32
        %div3A_1125 = arith.divsi %add3A_226, %jit3A_1124 : i32
        %sign3A_1126 = arith.constant 0 : i32
        %sign3A_1127 = arith.cmpi sgt, %add3A_226, %sign3A_1126 : i32
        %sign3A_1128 = arith.extui %sign3A_1127 : i1 to i32
        %sign3A_1129 = arith.constant 0 : i32
        %sign3A_1130 = arith.cmpi slt, %add3A_226, %sign3A_1129 : i32
        %sign3A_1131 = arith.extui %sign3A_1130 : i1 to i32
        %sign3A_1132 = arith.subi %sign3A_1128, %sign3A_1131 : i32
        %sign3A_1133 = arith.constant 0 : i32
        %sign3A_1134 = arith.cmpi sgt, %jit3A_1124, %sign3A_1133 : i32
        %sign3A_1135 = arith.extui %sign3A_1134 : i1 to i32
        %sign3A_1136 = arith.constant 0 : i32
        %sign3A_1137 = arith.cmpi slt, %jit3A_1124, %sign3A_1136 : i32
        %sign3A_1138 = arith.extui %sign3A_1137 : i1 to i32
        %sign3A_1139 = arith.subi %sign3A_1135, %sign3A_1138 : i32
        %ne3A_1140 = arith.cmpi ne, %sign3A_1132, %sign3A_1139 : i32
        %rem3A_1141 = arith.remsi %add3A_226, %jit3A_1124 : i32
        %ne3A_1142 = arith.constant 0 : i32
        %ne3A_1143 = arith.cmpi ne, %rem3A_1141, %ne3A_1142 : i32
        %and3A_1144 = arith.andi %ne3A_1140, %ne3A_1143 : i1
        %sub3A_1145 = arith.constant 1 : i32
        %sub3A_1146 = arith.subi %div3A_1125, %sub3A_1145 : i32
        %select_n3A_1147 = arith.select %and3A_1144, %sub3A_1146, %div3A_1125 : i32
        %jit3A_1148 = arith.constant 32 : i32
        %eq3A_1149 = arith.constant 0 : i32
        %eq3A_1150 = arith.cmpi eq, %jit3A_1148, %eq3A_1149 : i32
        %jit3A_1151 = arith.constant 1 : i32
        %select_n3A_1152 = arith.select %eq3A_1150, %jit3A_1151, %jit3A_1148 : i32
        %rem3A_1153 = arith.remsi %add3A_226, %select_n3A_1152 : i32
        %ne3A_1154 = arith.constant 0 : i32
        %ne3A_1155 = arith.cmpi ne, %rem3A_1153, %ne3A_1154 : i32
        %lt3A_1156 = arith.constant 0 : i32
        %lt3A_1157 = arith.cmpi slt, %rem3A_1153, %lt3A_1156 : i32
        %lt3A_1158 = arith.constant 0 : i32
        %lt3A_1159 = arith.cmpi slt, %select_n3A_1152, %lt3A_1158 : i32
        %ne3A_1160 = arith.xori %lt3A_1157, %lt3A_1159 : i1
        %and3A_1161 = arith.andi %ne3A_1160, %ne3A_1155 : i1
        %add3A_1162 = arith.addi %rem3A_1153, %select_n3A_1152 : i32
        %select_n3A_1163 = arith.select %and3A_1161, %add3A_1162, %rem3A_1153 : i32
        %ne3A_1164 = arith.cmpi ne, %select_n3A_1107, %select_n3A_1147 : i32
        %ne3A_1165 = arith.cmpi ne, %select_n3A_1123, %select_n3A_1163 : i32
        %or3A_1166 = arith.constant false
        %or3A_1167 = arith.ori %or3A_1166, %ne3A_1164 : i1
        %or3A_1168 = arith.constant false
        %or3A_1169 = arith.ori %or3A_1167, %or3A_1168 : i1
        %or3A_1170 = arith.ori %or3A_1169, %ne3A_1165 : i1
        %or3A_1171 = arith.constant false
        %or3A_1172 = arith.ori %or3A_1170, %or3A_1171 : i1
        %or3A_1173 = arith.constant false
        %or3A_1174 = arith.ori %or3A_1172, %or3A_1173 : i1
        %not3A_1175 = arith.constant true
        %not3A_1176 = arith.xori %eq3A_214, %not3A_1175 : i1
        %and3A_1177 = arith.andi %or3A_1174, %not3A_1176 : i1
        %convert_element_type3A_1178 = arith.extui %and3A_1177 : i1 to i32
        %cond3A_1179 = arith.constant 0 : i32
        %cond3A_1180 = arith.cmpi ne, %convert_element_type3A_1178, %cond3A_1179 : i32
        scf.if %cond3A_1180 {
          "tpu.trace_start"() <{level = 10 : i32, message = "ep_wait_out"}> : () -> ()
          %rem3A_1283 = arith.constant 2 : i32
          %rem3A_1284 = arith.remui %scan3A_211, %rem3A_1283 : i32
          %jit3A_1285 = arith.constant 32 : i32
          %div3A_1286 = arith.divsi %add3A_226, %jit3A_1285 : i32
          %sign3A_1287 = arith.constant 0 : i32
          %sign3A_1288 = arith.cmpi sgt, %add3A_226, %sign3A_1287 : i32
          %sign3A_1289 = arith.extui %sign3A_1288 : i1 to i32
          %sign3A_1290 = arith.constant 0 : i32
          %sign3A_1291 = arith.cmpi slt, %add3A_226, %sign3A_1290 : i32
          %sign3A_1292 = arith.extui %sign3A_1291 : i1 to i32
          %sign3A_1293 = arith.subi %sign3A_1289, %sign3A_1292 : i32
          %sign3A_1294 = arith.constant 0 : i32
          %sign3A_1295 = arith.cmpi sgt, %jit3A_1285, %sign3A_1294 : i32
          %sign3A_1296 = arith.extui %sign3A_1295 : i1 to i32
          %sign3A_1297 = arith.constant 0 : i32
          %sign3A_1298 = arith.cmpi slt, %jit3A_1285, %sign3A_1297 : i32
          %sign3A_1299 = arith.extui %sign3A_1298 : i1 to i32
          %sign3A_1300 = arith.subi %sign3A_1296, %sign3A_1299 : i32
          %ne3A_1301 = arith.cmpi ne, %sign3A_1293, %sign3A_1300 : i32
          %rem3A_1302 = arith.remsi %add3A_226, %jit3A_1285 : i32
          %ne3A_1303 = arith.constant 0 : i32
          %ne3A_1304 = arith.cmpi ne, %rem3A_1302, %ne3A_1303 : i32
          %and3A_1305 = arith.andi %ne3A_1301, %ne3A_1304 : i1
          %sub3A_1306 = arith.constant 1 : i32
          %sub3A_1307 = arith.subi %div3A_1286, %sub3A_1306 : i32
          %select_n3A_1308 = arith.select %and3A_1305, %sub3A_1307, %div3A_1286 : i32
          %jit3A_1309 = arith.constant 32 : i32
          %eq3A_1310 = arith.constant 0 : i32
          %eq3A_1311 = arith.cmpi eq, %jit3A_1309, %eq3A_1310 : i32
          %jit3A_1312 = arith.constant 1 : i32
          %select_n3A_1313 = arith.select %eq3A_1311, %jit3A_1312, %jit3A_1309 : i32
          %rem3A_1314 = arith.remsi %add3A_226, %select_n3A_1313 : i32
          %ne3A_1315 = arith.constant 0 : i32
          %ne3A_1316 = arith.cmpi ne, %rem3A_1314, %ne3A_1315 : i32
          %lt3A_1317 = arith.constant 0 : i32
          %lt3A_1318 = arith.cmpi slt, %rem3A_1314, %lt3A_1317 : i32
          %lt3A_1319 = arith.constant 0 : i32
          %lt3A_1320 = arith.cmpi slt, %select_n3A_1313, %lt3A_1319 : i32
          %ne3A_1321 = arith.xori %lt3A_1318, %lt3A_1320 : i1
          %and3A_1322 = arith.andi %ne3A_1321, %ne3A_1316 : i1
          %add3A_1323 = arith.addi %rem3A_1314, %select_n3A_1313 : i32
          %select_n3A_1324 = arith.select %and3A_1322, %add3A_1323, %rem3A_1314 : i32
          %mul3A_1325 = arith.constant 1 : i32
          %mul3A_1326 = arith.muli %mul3A_1325, %select_n3A_1308 : i32
          %mul3A_1327 = arith.constant 4 : i32
          %mul3A_1328 = arith.muli %mul3A_1327, %select_n3A_1324 : i32
          %dma_wait3A_1329 = arith.constant 0 : i32
          %dma_wait3A_1330 = arith.constant 0 : i32
          %dma_wait3A_1331 = arith.constant 0 : i32
          %dma_wait3A_1332 = arith.constant 0 : i32
          %dma_wait3A_1333 = arith.constant 0 : i32
          %dma_wait3A_1334 = tpu.memref_slice %run_scoped3A_8[%rem3A_1284, %dma_wait3A_1329, %dma_wait3A_1330, %dma_wait3A_1331, %dma_wait3A_1332, %dma_wait3A_1333] : memref<2x1x4x4x8x128xf32, #tpu.memory_space<vmem>> -> memref<1x1x4x4x8x128xf32, #tpu.memory_space<vmem>>
          %dma_wait3A_1335 = tpu.memref_squeeze %dma_wait3A_1334 : memref<1x1x4x4x8x128xf32, #tpu.memory_space<vmem>> -> memref<1x4x4x8x128xf32, #tpu.memory_space<vmem>>
          %dma_wait3A_1336 = arith.constant 0 : i32
          %dma_wait3A_1337 = arith.constant 0 : i32
          %dma_wait3A_1338 = arith.constant 0 : i32
          %dma_wait3A_1339 = tpu.memref_slice %arg4[%mul3A_1326, %dma_wait3A_1336, %mul3A_1328, %dma_wait3A_1337, %dma_wait3A_1338] : memref<200x4x128x8x128xf32, #tpu.memory_space<hbm>> -> memref<1x4x4x8x128xf32, #tpu.memory_space<hbm>>
          %dma_wait3A_1340 = tpu.memref_slice %run_scoped3A_9[%rem3A_1284] : memref<2x!tpu.dma_semaphore, #tpu.memory_space<semaphore_mem>> -> memref<1x!tpu.dma_semaphore, #tpu.memory_space<semaphore_mem>>
          %dma_wait3A_1341 = tpu.memref_squeeze %dma_wait3A_1340 : memref<1x!tpu.dma_semaphore, #tpu.memory_space<semaphore_mem>> -> memref<!tpu.dma_semaphore, #tpu.memory_space<semaphore_mem>>
          %dma_wait3A_1342 = arith.constant 0 : i32
          %dma_wait3A_1343 = arith.constant 0 : i32
          %dma_wait3A_1344 = arith.constant 0 : i32
          %dma_wait3A_1345 = tpu.memref_slice %arg4[%mul3A_1326, %dma_wait3A_1342, %mul3A_1328, %dma_wait3A_1343, %dma_wait3A_1344] : memref<200x4x128x8x128xf32, #tpu.memory_space<hbm>> -> memref<1x4x4x8x128xf32, #tpu.memory_space<hbm>>
          %dma_wait3A_1346 = arith.constant 0 : i32
          %dma_wait3A_1347 = arith.constant 0 : i32
          %dma_wait3A_1348 = arith.constant 0 : i32
          %dma_wait3A_1349 = arith.constant 0 : i32
          %dma_wait3A_1350 = arith.constant 0 : i32
          %dma_wait3A_1351 = tpu.memref_slice %run_scoped3A_8[%rem3A_1284, %dma_wait3A_1346, %dma_wait3A_1347, %dma_wait3A_1348, %dma_wait3A_1349, %dma_wait3A_1350] : memref<2x1x4x4x8x128xf32, #tpu.memory_space<vmem>> -> memref<1x1x4x4x8x128xf32, #tpu.memory_space<vmem>>
          %dma_wait3A_1352 = tpu.memref_squeeze %dma_wait3A_1351 : memref<1x1x4x4x8x128xf32, #tpu.memory_space<vmem>> -> memref<1x4x4x8x128xf32, #tpu.memory_space<vmem>>
          tpu.wait_dma2 semaphore(%dma_wait3A_1341 : memref<!tpu.dma_semaphore, #tpu.memory_space<semaphore_mem>>) src(%dma_wait3A_1352 : memref<1x4x4x8x128xf32, #tpu.memory_space<vmem>>) dst(%dma_wait3A_1345 : memref<1x4x4x8x128xf32, #tpu.memory_space<hbm>>)
          "tpu.trace_stop"() : () -> ()
        } else {
        }
        %and3A_1181 = arith.constant true
        %and3A_1182 = arith.andi %and3A_1177, %and3A_1181 : i1
        %add3A_1183 = arith.constant 1 : i32
        %add3A_1184 = arith.addi %scan3A_211, %add3A_1183 : i32
        %select_n3A_1185 = arith.select %and3A_1182, %add3A_1184, %scan3A_211 : i32
        %jit3A_1186 = arith.constant 32 : i32
        %div3A_1187 = arith.divsi %add3A_217, %jit3A_1186 : i32
        %sign3A_1188 = arith.constant 0 : i32
        %sign3A_1189 = arith.cmpi sgt, %add3A_217, %sign3A_1188 : i32
        %sign3A_1190 = arith.extui %sign3A_1189 : i1 to i32
        %sign3A_1191 = arith.constant 0 : i32
        %sign3A_1192 = arith.cmpi slt, %add3A_217, %sign3A_1191 : i32
        %sign3A_1193 = arith.extui %sign3A_1192 : i1 to i32
        %sign3A_1194 = arith.subi %sign3A_1190, %sign3A_1193 : i32
        %sign3A_1195 = arith.constant 0 : i32
        %sign3A_1196 = arith.cmpi sgt, %jit3A_1186, %sign3A_1195 : i32
        %sign3A_1197 = arith.extui %sign3A_1196 : i1 to i32
        %sign3A_1198 = arith.constant 0 : i32
        %sign3A_1199 = arith.cmpi slt, %jit3A_1186, %sign3A_1198 : i32
        %sign3A_1200 = arith.extui %sign3A_1199 : i1 to i32
        %sign3A_1201 = arith.subi %sign3A_1197, %sign3A_1200 : i32
        %ne3A_1202 = arith.cmpi ne, %sign3A_1194, %sign3A_1201 : i32
        %rem3A_1203 = arith.remsi %add3A_217, %jit3A_1186 : i32
        %ne3A_1204 = arith.constant 0 : i32
        %ne3A_1205 = arith.cmpi ne, %rem3A_1203, %ne3A_1204 : i32
        %and3A_1206 = arith.andi %ne3A_1202, %ne3A_1205 : i1
        %sub3A_1207 = arith.constant 1 : i32
        %sub3A_1208 = arith.subi %div3A_1187, %sub3A_1207 : i32
        %select_n3A_1209 = arith.select %and3A_1206, %sub3A_1208, %div3A_1187 : i32
        %jit3A_1210 = arith.constant 32 : i32
        %eq3A_1211 = arith.constant 0 : i32
        %eq3A_1212 = arith.cmpi eq, %jit3A_1210, %eq3A_1211 : i32
        %jit3A_1213 = arith.constant 1 : i32
        %select_n3A_1214 = arith.select %eq3A_1212, %jit3A_1213, %jit3A_1210 : i32
        %rem3A_1215 = arith.remsi %add3A_217, %select_n3A_1214 : i32
        %ne3A_1216 = arith.constant 0 : i32
        %ne3A_1217 = arith.cmpi ne, %rem3A_1215, %ne3A_1216 : i32
        %lt3A_1218 = arith.constant 0 : i32
        %lt3A_1219 = arith.cmpi slt, %rem3A_1215, %lt3A_1218 : i32
        %lt3A_1220 = arith.constant 0 : i32
        %lt3A_1221 = arith.cmpi slt, %select_n3A_1214, %lt3A_1220 : i32
        %ne3A_1222 = arith.xori %lt3A_1219, %lt3A_1221 : i1
        %and3A_1223 = arith.andi %ne3A_1222, %ne3A_1217 : i1
        %add3A_1224 = arith.addi %rem3A_1215, %select_n3A_1214 : i32
        %select_n3A_1225 = arith.select %and3A_1223, %add3A_1224, %rem3A_1215 : i32
        %jit3A_1226 = arith.constant 32 : i32
        %div3A_1227 = arith.divsi %add3A_235, %jit3A_1226 : i32
        %sign3A_1228 = arith.constant 0 : i32
        %sign3A_1229 = arith.cmpi sgt, %add3A_235, %sign3A_1228 : i32
        %sign3A_1230 = arith.extui %sign3A_1229 : i1 to i32
        %sign3A_1231 = arith.constant 0 : i32
        %sign3A_1232 = arith.cmpi slt, %add3A_235, %sign3A_1231 : i32
        %sign3A_1233 = arith.extui %sign3A_1232 : i1 to i32
        %sign3A_1234 = arith.subi %sign3A_1230, %sign3A_1233 : i32
        %sign3A_1235 = arith.constant 0 : i32
        %sign3A_1236 = arith.cmpi sgt, %jit3A_1226, %sign3A_1235 : i32
        %sign3A_1237 = arith.extui %sign3A_1236 : i1 to i32
        %sign3A_1238 = arith.constant 0 : i32
        %sign3A_1239 = arith.cmpi slt, %jit3A_1226, %sign3A_1238 : i32
        %sign3A_1240 = arith.extui %sign3A_1239 : i1 to i32
        %sign3A_1241 = arith.subi %sign3A_1237, %sign3A_1240 : i32
        %ne3A_1242 = arith.cmpi ne, %sign3A_1234, %sign3A_1241 : i32
        %rem3A_1243 = arith.remsi %add3A_235, %jit3A_1226 : i32
        %ne3A_1244 = arith.constant 0 : i32
        %ne3A_1245 = arith.cmpi ne, %rem3A_1243, %ne3A_1244 : i32
        %and3A_1246 = arith.andi %ne3A_1242, %ne3A_1245 : i1
        %sub3A_1247 = arith.constant 1 : i32
        %sub3A_1248 = arith.subi %div3A_1227, %sub3A_1247 : i32
        %select_n3A_1249 = arith.select %and3A_1246, %sub3A_1248, %div3A_1227 : i32
        %jit3A_1250 = arith.constant 32 : i32
        %eq3A_1251 = arith.constant 0 : i32
        %eq3A_1252 = arith.cmpi eq, %jit3A_1250, %eq3A_1251 : i32
        %jit3A_1253 = arith.constant 1 : i32
        %select_n3A_1254 = arith.select %eq3A_1252, %jit3A_1253, %jit3A_1250 : i32
        %rem3A_1255 = arith.remsi %add3A_235, %select_n3A_1254 : i32
        %ne3A_1256 = arith.constant 0 : i32
        %ne3A_1257 = arith.cmpi ne, %rem3A_1255, %ne3A_1256 : i32
        %lt3A_1258 = arith.constant 0 : i32
        %lt3A_1259 = arith.cmpi slt, %rem3A_1255, %lt3A_1258 : i32
        %lt3A_1260 = arith.constant 0 : i32
        %lt3A_1261 = arith.cmpi slt, %select_n3A_1254, %lt3A_1260 : i32
        %ne3A_1262 = arith.xori %lt3A_1259, %lt3A_1261 : i1
        %and3A_1263 = arith.andi %ne3A_1262, %ne3A_1257 : i1
        %add3A_1264 = arith.addi %rem3A_1255, %select_n3A_1254 : i32
        %select_n3A_1265 = arith.select %and3A_1263, %add3A_1264, %rem3A_1255 : i32
        %ne3A_1266 = arith.cmpi ne, %select_n3A_1209, %select_n3A_1249 : i32
        %ne3A_1267 = arith.cmpi ne, %select_n3A_1225, %select_n3A_1265 : i32
        %or3A_1268 = arith.constant false
        %or3A_1269 = arith.ori %or3A_1268, %ne3A_1266 : i1
        %or3A_1270 = arith.ori %or3A_1269, %ne3A_1267 : i1
        %or3A_1271 = arith.ori %or3A_1270, %eq3A_216 : i1
        %add3A_1272 = arith.constant 1 : i32
        %add3A_1273 = arith.addi %scan3A_209, %add3A_1272 : i32
        %select_n3A_1274 = arith.select %or3A_1271, %add3A_1273, %scan3A_209 : i32
        %add3A_1275 = arith.constant 1 : i32
        %add3A_1276 = arith.addi %scan3A_212, %add3A_1275 : i32
        %select_n3A_1277 = arith.constant true
        %select_n3A_1278 = arith.select %select_n3A_1277, %add3A_1276, %scan3A_212 : i32
        %eq3A_1279 = arith.constant 200 : i32
        %eq3A_1280 = arith.cmpi eq, %select_n3A_1278, %eq3A_1279 : i32
        %select_n3A_1281 = arith.constant 0 : i32
        %select_n3A_1282 = arith.select %eq3A_1280, %select_n3A_1281, %select_n3A_1278 : i32
        scf.yield %select_n3A_337, %select_n3A_1274, %select_n3A_990, %select_n3A_1185, %select_n3A_1282 : i32, i32, i32, i32, i32
      }
      %scan3A_101 = arith.constant 200 : i32
      %sub3A_102 = arith.constant 1 : i32
      %sub3A_103 = arith.subi %scan3A_100#4, %sub3A_102 : i32
      %select_n3A_104 = arith.constant true
      %select_n3A_105 = arith.select %select_n3A_104, %sub3A_103, %scan3A_100#4 : i32
      %eq3A_106 = arith.constant -1 : i32
      %eq3A_107 = arith.cmpi eq, %select_n3A_105, %eq3A_106 : i32
      %select_n3A_108 = arith.constant 199 : i32
      %select_n3A_109 = arith.select %eq3A_107, %select_n3A_108, %select_n3A_105 : i32
      %add3A_110 = arith.addi %select_n3A_109, %mul3A_6 : i32
      %sub3A_111 = arith.constant 1 : i32
      %sub3A_112 = arith.subi %select_n3A_109, %sub3A_111 : i32
      %select_n3A_113 = arith.constant true
      %select_n3A_114 = arith.select %select_n3A_113, %sub3A_112, %select_n3A_109 : i32
      %eq3A_115 = arith.constant -1 : i32
      %eq3A_116 = arith.cmpi eq, %select_n3A_114, %eq3A_115 : i32
      %select_n3A_117 = arith.constant 199 : i32
      %select_n3A_118 = arith.select %eq3A_116, %select_n3A_117, %select_n3A_114 : i32
      %add3A_119 = arith.addi %select_n3A_118, %mul3A_6 : i32
      %add3A_120 = arith.constant 1 : i32
      %add3A_121 = arith.addi %select_n3A_109, %add3A_120 : i32
      %select_n3A_122 = arith.constant true
      %select_n3A_123 = arith.select %select_n3A_122, %add3A_121, %select_n3A_109 : i32
      %eq3A_124 = arith.constant 200 : i32
      %eq3A_125 = arith.cmpi eq, %select_n3A_123, %eq3A_124 : i32
      %select_n3A_126 = arith.constant 0 : i32
      %select_n3A_127 = arith.select %eq3A_125, %select_n3A_126, %select_n3A_123 : i32
      %add3A_128 = arith.addi %select_n3A_127, %mul3A_6 : i32
      %add3A_129 = arith.constant 1 : i32
      %add3A_130 = arith.addi %select_n3A_127, %add3A_129 : i32
      %select_n3A_131 = arith.constant true
      %select_n3A_132 = arith.select %select_n3A_131, %add3A_130, %select_n3A_127 : i32
      %eq3A_133 = arith.constant 200 : i32
      %eq3A_134 = arith.cmpi eq, %select_n3A_132, %eq3A_133 : i32
      %select_n3A_135 = arith.constant 0 : i32
      %select_n3A_136 = arith.select %eq3A_134, %select_n3A_135, %select_n3A_132 : i32
      %add3A_137 = arith.addi %select_n3A_136, %mul3A_6 : i32
      "tpu.trace_start"() <{level = 10 : i32, message = "ep_finalize"}> : () -> ()
      %rem3A_138 = arith.constant 2 : i32
      %rem3A_139 = arith.remui %scan3A_100#3, %rem3A_138 : i32
      %jit3A_140 = arith.constant 32 : i32
      %div3A_141 = arith.divsi %add3A_110, %jit3A_140 : i32
      %sign3A_142 = arith.constant 0 : i32
      %sign3A_143 = arith.cmpi sgt, %add3A_110, %sign3A_142 : i32
      %sign3A_144 = arith.extui %sign3A_143 : i1 to i32
      %sign3A_145 = arith.constant 0 : i32
      %sign3A_146 = arith.cmpi slt, %add3A_110, %sign3A_145 : i32
      %sign3A_147 = arith.extui %sign3A_146 : i1 to i32
      %sign3A_148 = arith.subi %sign3A_144, %sign3A_147 : i32
      %sign3A_149 = arith.constant 0 : i32
      %sign3A_150 = arith.cmpi sgt, %jit3A_140, %sign3A_149 : i32
      %sign3A_151 = arith.extui %sign3A_150 : i1 to i32
      %sign3A_152 = arith.constant 0 : i32
      %sign3A_153 = arith.cmpi slt, %jit3A_140, %sign3A_152 : i32
      %sign3A_154 = arith.extui %sign3A_153 : i1 to i32
      %sign3A_155 = arith.subi %sign3A_151, %sign3A_154 : i32
      %ne3A_156 = arith.cmpi ne, %sign3A_148, %sign3A_155 : i32
      %rem3A_157 = arith.remsi %add3A_110, %jit3A_140 : i32
      %ne3A_158 = arith.constant 0 : i32
      %ne3A_159 = arith.cmpi ne, %rem3A_157, %ne3A_158 : i32
      %and3A_160 = arith.andi %ne3A_156, %ne3A_159 : i1
      %sub3A_161 = arith.constant 1 : i32
      %sub3A_162 = arith.subi %div3A_141, %sub3A_161 : i32
      %select_n3A_163 = arith.select %and3A_160, %sub3A_162, %div3A_141 : i32
      %jit3A_164 = arith.constant 32 : i32
      %eq3A_165 = arith.constant 0 : i32
      %eq3A_166 = arith.cmpi eq, %jit3A_164, %eq3A_165 : i32
      %jit3A_167 = arith.constant 1 : i32
      %select_n3A_168 = arith.select %eq3A_166, %jit3A_167, %jit3A_164 : i32
      %rem3A_169 = arith.remsi %add3A_110, %select_n3A_168 : i32
      %ne3A_170 = arith.constant 0 : i32
      %ne3A_171 = arith.cmpi ne, %rem3A_169, %ne3A_170 : i32
      %lt3A_172 = arith.constant 0 : i32
      %lt3A_173 = arith.cmpi slt, %rem3A_169, %lt3A_172 : i32
      %lt3A_174 = arith.constant 0 : i32
      %lt3A_175 = arith.cmpi slt, %select_n3A_168, %lt3A_174 : i32
      %ne3A_176 = arith.xori %lt3A_173, %lt3A_175 : i1
      %and3A_177 = arith.andi %ne3A_176, %ne3A_171 : i1
      %add3A_178 = arith.addi %rem3A_169, %select_n3A_168 : i32
      %select_n3A_179 = arith.select %and3A_177, %add3A_178, %rem3A_169 : i32
      %mul3A_180 = arith.constant 1 : i32
      %mul3A_181 = arith.muli %mul3A_180, %select_n3A_163 : i32
      %mul3A_182 = arith.constant 4 : i32
      %mul3A_183 = arith.muli %mul3A_182, %select_n3A_179 : i32
      %dma_wait3A = arith.constant 0 : i32
      %dma_wait3A_184 = arith.constant 0 : i32
      %dma_wait3A_185 = arith.constant 0 : i32
      %dma_wait3A_186 = arith.constant 0 : i32
      %dma_wait3A_187 = arith.constant 0 : i32
      %dma_wait3A_188 = tpu.memref_slice %run_scoped3A_8[%rem3A_139, %dma_wait3A, %dma_wait3A_184, %dma_wait3A_185, %dma_wait3A_186, %dma_wait3A_187] : memref<2x1x4x4x8x128xf32, #tpu.memory_space<vmem>> -> memref<1x1x4x4x8x128xf32, #tpu.memory_space<vmem>>
      %dma_wait3A_189 = tpu.memref_squeeze %dma_wait3A_188 : memref<1x1x4x4x8x128xf32, #tpu.memory_space<vmem>> -> memref<1x4x4x8x128xf32, #tpu.memory_space<vmem>>
      %dma_wait3A_190 = arith.constant 0 : i32
      %dma_wait3A_191 = arith.constant 0 : i32
      %dma_wait3A_192 = arith.constant 0 : i32
      %dma_wait3A_193 = tpu.memref_slice %arg4[%mul3A_181, %dma_wait3A_190, %mul3A_183, %dma_wait3A_191, %dma_wait3A_192] : memref<200x4x128x8x128xf32, #tpu.memory_space<hbm>> -> memref<1x4x4x8x128xf32, #tpu.memory_space<hbm>>
      %dma_wait3A_194 = tpu.memref_slice %run_scoped3A_9[%rem3A_139] : memref<2x!tpu.dma_semaphore, #tpu.memory_space<semaphore_mem>> -> memref<1x!tpu.dma_semaphore, #tpu.memory_space<semaphore_mem>>
      %dma_wait3A_195 = tpu.memref_squeeze %dma_wait3A_194 : memref<1x!tpu.dma_semaphore, #tpu.memory_space<semaphore_mem>> -> memref<!tpu.dma_semaphore, #tpu.memory_space<semaphore_mem>>
      %dma_wait3A_196 = arith.constant 0 : i32
      %dma_wait3A_197 = arith.constant 0 : i32
      %dma_wait3A_198 = arith.constant 0 : i32
      %dma_wait3A_199 = tpu.memref_slice %arg4[%mul3A_181, %dma_wait3A_196, %mul3A_183, %dma_wait3A_197, %dma_wait3A_198] : memref<200x4x128x8x128xf32, #tpu.memory_space<hbm>> -> memref<1x4x4x8x128xf32, #tpu.memory_space<hbm>>
      %dma_wait3A_200 = arith.constant 0 : i32
      %dma_wait3A_201 = arith.constant 0 : i32
      %dma_wait3A_202 = arith.constant 0 : i32
      %dma_wait3A_203 = arith.constant 0 : i32
      %dma_wait3A_204 = arith.constant 0 : i32
      %dma_wait3A_205 = tpu.memref_slice %run_scoped3A_8[%rem3A_139, %dma_wait3A_200, %dma_wait3A_201, %dma_wait3A_202, %dma_wait3A_203, %dma_wait3A_204] : memref<2x1x4x4x8x128xf32, #tpu.memory_space<vmem>> -> memref<1x1x4x4x8x128xf32, #tpu.memory_space<vmem>>
      %dma_wait3A_206 = tpu.memref_squeeze %dma_wait3A_205 : memref<1x1x4x4x8x128xf32, #tpu.memory_space<vmem>> -> memref<1x4x4x8x128xf32, #tpu.memory_space<vmem>>
      tpu.wait_dma2 semaphore(%dma_wait3A_195 : memref<!tpu.dma_semaphore, #tpu.memory_space<semaphore_mem>>) src(%dma_wait3A_206 : memref<1x4x4x8x128xf32, #tpu.memory_space<vmem>>) dst(%dma_wait3A_199 : memref<1x4x4x8x128xf32, #tpu.memory_space<hbm>>)
      "tpu.trace_stop"() : () -> ()
      tpu.yield
    }) : () -> ()
    return
  }
}

</mosaic_0001>

<sc_bundles>
// kernel: kernel.3.cloned.1.call-start
scs
__scs_entry_jumppad:
0x0: {  	(pc) =	sbr.rel $0x88, $3  }
0x1: {  	(tag) =	ssettag $0x0;
	lr =	simm.s32 $0x1  }
0x2: {  	[smem:$0x3F9F] =	sst lr;
	_ =	strace $0xD0000000  }
0x3: {  	_ = 	snop  }
0x4: {  	_ = 	snop  }
0x5: {  	_ = 	snop  }
0x6: {  	_ = 	snop  }
0x7: {  	_ = 	snop  }
__scs_overlays_trampoline_lowered:
0x8: {  	[smem:$0x3FAE] =	sst s0  }
0x9: {  	[smem:$0x3FAF] =	sst s1  }
0xa: {  	[smem:$0x3FB0] =	sst s2  }
0xb: {  	[smem:$0x3FB1] =	sst s3  }
0xc: {  	[smem:$0x3FB2] =	sst s4  }
0xd: {  	[smem:$0x3FB3] =	sst s5  }
0xe: {  	[smem:$0x3FB4] =	sst s6  }
0xf: {  	[smem:$0x3FB5] =	sst s7  }
0x10: {  	[smem:$0x3FB6] =	sst s8  }
0x11: {  	[smem:$0x3FB7] =	sst s9;
	s0 =	simm.s32 @!p0 $0x0  }
0x12: {  	s1 =	sld [smem:$0x3F9D];
	s0 =	simm.s32 @p0 $0x1  }
0x13: {  	[smem:$0x3FB8] =	sst s0;
	s0 =	simm.s32 @!p1 $0x0  }
0x14: {  	s2 =	sld [smem:$0x3F9C];
	s0 =	simm.s32 @p1 $0x1  }
0x15: {  	[smem:$0x3FB9] =	sst s0;
	s0 =	simm.s32 @!p2 $0x0  }
0x16: {  	s3 =	sld [smem:$0x3FDB];
	s0 =	simm.s32 @p2 $0x1  }
0x17: {  	s4 =	simm.s32 $0x1BF5;
	[smem:$0x3FBB] =	sst s0  }
0x18: {  	s0 =	sld [smem:$0x3F9E];
	_ =	swait.ge [sflag:s4], $0x0  }
0x19: {  	s7 =	sld [smem:$0x3F9F]  }
0x1a: {  	s8 =	sadd.s32 $0xFFFFE003, lr  }
0x1b: {  	s9 =	sadd.s32 $0xFFFFFEF7, lr;
	s5 =	simm.s32 $0xFFFFFFFF;
	p2 =	slt.u32 s8, $0xFFFFF086  }
0x1c: {  	p1 =	slt.u32 s9, $0xF7A;
	s5 =	simm.s32 @!p2 $0x0  }
0x1d: {  	s5 =	simm.s32 @p1 $0x1;
	p0 =	seq.s32 s7, s2  }
0x1e: {  	s7 =	smul.u32 @!p0 $0xF7A, s2;
	p2 =	seq.s32 @!p0 s5, $0x0  }
0x1f: {  	s9 =	smul.u32 $0xF7A, s1;
	s8 =	simm.s32 @!p0 $0x1BF5;
	p2 =	por !p2, p0  }
0x20: {  	[sflag:s8] =	ssyncset.s32 @!p0 $0xFFFFF086;
	s6 =	sadd.s32 @!p0 s3, s7;
	s7 =	simm.s32 @!p0 $0x108  }
0x21: {  	s3 =	sadd.s32 s3, s9;
	s6 =	sadd.s32 @!p0 $0x88, s6;
	s7 =	simm.s32 @p2 $0x1082  }
0x22: {  	[simem:s7], [sflag:s8] =	dma.local @!p0 [hbm:s6], $0xF7A  }
0x23: {  	s9 =	sor.u32 $0xD0000000, s2;
	s6 =	simm.s32 $0x108;
	_ =	swait.ge @!p0 [sflag:s8], $0x0  }
0x24: {  	s3 =	sadd.s32 $0x88, s3;
	s6 =	simm.s32 @!p1 $0x1082;
	[sflag:s4] =	ssyncset.s32 $0xFFFFF086  }
0x25: {  	[simem:s6], [sflag:s4] =	dma.local [hbm:s3], $0xF7A  }
0x26: {  	[smem:$0x3F9F] =	sst s1;
	(tag) =	ssettag s2;
	_ =	strace s9  }
0x27: {  	s1 =	sld [smem:$0x3FAF]  }
0x28: {  	s2 =	sld [smem:$0x3FB0]  }
0x29: {  	s4 =	sld [smem:$0x3FB2]  }
0x2a: {  	p0 =	seq.s32 s5, $0x0;
	s5 =	sld [smem:$0x3FB3]  }
0x2b: {  	s6 =	sld [smem:$0x3FB4]  }
0x2c: {  	s7 =	sld [smem:$0x3FB5]  }
0x2d: {  	s3 =	simm.s32 $0x108;
	s8 =	sld [smem:$0x3FB6]  }
0x2e: {  	s3 =	simm.s32 @!p0 $0x1082;
	s9 =	sld [smem:$0x3FB7]  }
0x2f: {  	lr =	sadd.s32 s0, s3;
	s0 =	sld [smem:$0x3FAE]  }
0x30: {  	s3 =	sld [smem:$0x3FB1]  }
0x31: {  	[smem:$0x3FBA] =	sst s10  }
0x32: {  	s10 =	sld [smem:$0x3FB8];
	_ =	sdelay $0x3  }
0x33: {  	p0 =	seq.s32 s10, $0x1;
	s10 =	sld [smem:$0x3FBA];
	_ =	sdelay $0x3  }
0x34: {  	[smem:$0x3FBA] =	sst s10  }
0x35: {  	s10 =	sld [smem:$0x3FB9];
	_ =	sdelay $0x3  }
0x36: {  	p1 =	seq.s32 s10, $0x1;
	s10 =	sld [smem:$0x3FBA];
	_ =	sdelay $0x3  }
0x37: {  	[smem:$0x3FBA] =	sst s10  }
0x38: {  	s10 =	sld [smem:$0x3FBB]  }
0x39: {  	_ = 	snop;
	(pc) =	sbr.ind lr, $3  }
0x3a: {  	_ = 	snop  }
0x3b: {  	_ = 	snop  }
0x3c: {  	p2 =	seq.s32 s10, $0x1;
	s10 =	sld [smem:$0x3FBA]  }
0x3d: {  	_ =	shalt  }
0x3e: {  	_ =	shalt  }
0x3f: {  	_ =	shalt  }
0x40: {  	_ =	shalt  }
0x41: {  	_ =	shalt  }
0x42: {  	_ =	shalt  }
0x43: {  	_ =	shalt  }
0x44: {  	_ =	shalt  }
0x45: {  	_ =	shalt  }
0x46: {  	_ =	shalt  }
0x47: {  	_ =	shalt  }
0x48: {  	_ =	shalt  }
0x49: {  	_ =	shalt  }
0x4a: {  	_ =	shalt  }
0x4b: {  	_ =	shalt  }
0x4c: {  	_ =	shalt  }
0x4d: {  	_ =	shalt  }
0x4e: {  	_ =	shalt  }
0x4f: {  	_ =	shalt  }
0x50: {  	_ =	shalt  }
0x51: {  	_ =	shalt  }
0x52: {  	_ =	shalt  }
0x53: {  	_ =	shalt  }
0x54: {  	_ =	shalt  }
0x55: {  	_ =	shalt  }
0x56: {  	_ =	shalt  }
0x57: {  	_ =	shalt  }
0x58: {  	_ =	shalt  }
0x59: {  	_ =	shalt  }
0x5a: {  	_ =	shalt  }
0x5b: {  	_ =	shalt  }
0x5c: {  	_ =	shalt  }
0x5d: {  	_ =	shalt  }
0x5e: {  	_ =	shalt  }
0x5f: {  	_ =	shalt  }
0x60: {  	_ =	shalt  }
0x61: {  	_ =	shalt  }
0x62: {  	_ =	shalt  }
0x63: {  	_ =	shalt  }
0x64: {  	_ =	shalt  }
0x65: {  	_ =	shalt  }
0x66: {  	_ =	shalt  }
0x67: {  	_ =	shalt  }
0x68: {  	_ =	shalt  }
0x69: {  	_ =	shalt  }
0x6a: {  	_ =	shalt  }
0x6b: {  	_ =	shalt  }
0x6c: {  	_ =	shalt  }
0x6d: {  	_ =	shalt  }
0x6e: {  	_ =	shalt  }
0x6f: {  	_ =	shalt  }
0x70: {  	_ =	shalt  }
0x71: {  	_ =	shalt  }
0x72: {  	_ =	shalt  }
0x73: {  	_ =	shalt  }
0x74: {  	_ =	shalt  }
0x75: {  	_ =	shalt  }
0x76: {  	_ =	shalt  }
0x77: {  	_ =	shalt  }
0x78: {  	_ =	shalt  }
0x79: {  	_ =	shalt  }
0x7a: {  	_ =	shalt  }
0x7b: {  	_ =	shalt  }
0x7c: {  	_ =	shalt  }
0x7d: {  	_ =	shalt  }
0x7e: {  	_ =	shalt  }
0x7f: {  	_ =	shalt  }
0x80: {  	_ =	shalt  }
0x81: {  	_ =	shalt  }
0x82: {  	_ =	shalt  }
0x83: {  	_ =	shalt  }
0x84: {  	_ =	shalt  }
0x85: {  	_ =	shalt  }
0x86: {  	_ =	shalt  }
0x87: {  	_ =	shalt  }
.Lfunc_end0:
.L_simem_size_0:
called_computation_lowered:
.L_overlay_start_0:
0x88: {  	s2 =	sld [smem:$0x3FD9]  }
0x89: {  	s3 =	sld [smem:$0x3FFE];
	_ =	sdelay $0x1  }
0x8a: {  	s1 =	srdreg.scid  }
0x8b: {  	s0 =	sand.u32 $0x1, s1  }
0x8c: {  	s17 =	sshll.u32 s0, $0xA;
	s2 =	sadd.s32 s3, s2  }
0x8d: {  	s2 =	sadd.s32 s2, s17  }
0x8e: {  	[smem:$0x3FC6] =	sst s2  }
0x8f: {  	_ = 	snop  }
0x90: {  	s2 =	sld [smem:$0x3FD0];
	(tm) =	ssettm $0x1  }
0x91: {  	s18 =	sld [smem:$0x3FFB];
	_ =	sdelay $0x3  }
0x92: {  	_ =	strace s18  }
0x93: {  	s3 =	sld [smem:$0x3FFC];
	_ =	sdelay $0x3  }
0x94: {  	_ =	strace s3  }
0x95: {  	s3 =	sld [smem:$0x3FFD];
	_ =	sdelay $0x3  }
0x96: {  	_ =	strace s3  }
0x97: {  	_ =	strace $0x8FFFFFFF  }
0x98: {  	s19 =	sld [smem:$0x3FDB];
	_ =	sdelay $0x1  }
0x99: {  	s4 =	simm.s32 $_scs_section_size  }
0x9a: {  	s5 =	simm.s32 $_size__tile_overlayer_lowered;
	s6 =	simm.s32 $_tile_overlayer_lowered  }
0x9b: {  	s22 =	simm.s32 $0x1BFF;
	s21 =	sshll.u32 s6, $0x1;
	s3 =	sadd.s32 s4, s19  }
0x9c: {  	s7 =	simm.s32 $0x0;
	s20 =	sshll.u32 s5, $0x1;
	s5 =	sadd.s32 s21, s3  }
0x9d: {  	[timem:s7], [sflag:s22] =	dma.local [hbm:s5], s20  }
0x9e: {  	_ =	swait.ge [sflag:s22], s20  }
0x9f: {  	s4 =	ssub.s32 $0x0, s20;
	[sflag:s22] =	ssyncset.done $0x0  }
0xa0: {  	[sflag:s22] =	ssyncadd.s32 s4;
	_ =	sdelay $0x1  }
0xa1: {  	s23 =	simm.s32 $0x1B8B  }
0xa2: {  	_ =	swait.ge [sflag:s23], $0x1  }
0xa3: {  	[sflag:s23] =	ssyncset.done $0x0  }
0xa4: {  	s25 =	simm.s32 $0x1B8E;
	s24 =	sld [smem:$0x3FFE];
	[sflag:s23] =	ssyncadd.s32 $0xFFFFFFFF  }
0xa5: {  	s26 =	simm.s32 $execute0_lowered;
	[smem:$0x3FD2] =	sst s25  }
0xa6: {  	s5 =	sshll.u32 s26, $0x1;
	_ =	strace $0x80000046;
	[dreg:$0x1] =	wrdreg $0xFFFFFFFF  }
0xa7: {  	s28 =	simm.s32 $_size_execute0_lowered;
	s3 =	sadd.s32 s3, s5;
	[dreg:$0x0] =	wrdreg $0x0  }
0xa8: {  	s5 =	sshll.u32 s28, $0x1;
	[dreg:$0x2] =	wrdreg s3  }
0xa9: {  	[dreg:$0x3] =	wrdreg s5  }
0xaa: {  	[dreg:$0x4] =	wrdreg $0xC0  }
0xab: {  	_ =	task [dreg:s7], $0x5FFFF  }
0xac: {  	[dreg:$0x1] =	wrdreg $0xFFFFFFFF  }
0xad: {  	[dreg:$0x0] =	wrdreg $0x60  }
0xae: {  	[dreg:$0x2] =	wrdreg s24  }
0xaf: {  	[dreg:$0x3] =	wrdreg s2  }
0xb0: {  	[dreg:$0x4] =	wrdreg $0x9  }
0xb1: {  	_ =	task.clear_ibuf [dreg:s7], $0x5FFFF;
	_ =	strace $0x90000046  }
0xb2: {  	s29 =	simm.s32 $0x9;
	_ =	strace $0x8000004F  }
0xb3: {  	_ =	swait.ge [sflag:s29], $0x1  }
0xb4: {  	[sflag:s29] =	ssyncadd.s32 $0xFFFFFFFF  }
0xb5: {  	_ =	strace $0x9000004F  }
0xb6: {  	_ =	sfence  }
0xb7: {  	s30 =	sld [smem:$0x0];
	_ =	sdelay $0x2  }
0xb8: {  	s31 =	sshll.u32 s1, $0xD;
	s1 =	sshrl.u32 s1, $0x2  }
0xb9: {  	s3 =	sand.u32 $0x4000, s31;
	s1 =	sadd.s32 s1, s30  }
0xba: {  	s0 =	sor.u32 s3, s0;
	s1 =	sshll.u32 s1, $0x11  }
0xbb: {  	s0 =	sor.u32 s1, s0  }
0xbc: {  	s0 =	sadd.s32 $0x8F2B, s0  }
0xbd: {  	[sflag:s0] =	ssyncadd.remote.s32 $0x1  }
0xbe: {  	_ =	sfence.sel $0xFFFF  }
0xbf: {  	[dreg:$0x0] =	wrdreg $0xFFFFFFFF;
	(pc) =	sbr.abs _section_cstart, $3  }
0xc0: {  	[dreg:$0x1] =	wrdreg $0xFFFFFFFF  }
0xc1: {  	_ =	task.clear_ibuf [dreg:s7], $0x2FFFF;
	_ =	strace $0x9FFFFFFF  }
0xc2: {  	(tm) =	ssettm $0x7FFFFFFF  }
0xc3: {  	_ =	shalt  }
tec
execute0_lowered:
.L_overlay_start_1:
0x0: {  	(tag) =	ssettag $0x1  }
0x1: {  	s5 =	rddreg [dreg:$0x0]  }
0x2: {  	v62 =	vlaneseq.u32;
	s1 =	rddreg [dreg:$0x1];
	s3 =	simm.s32 $0x0  }
0x3: {  	[smem:$0x7FF] =	sst s3;
	v0 =	vor.u32 $0x40, v62  }
0x4: {  	s0 =	rddreg [dreg:$0x2];
	v31 =	vor.u32 $0x50, v62;
	_ =	strace $0x80000047;
	[tilespmem:$0x1FE40] =	vst v0  }
0x5: {  	v6 =	vor.u32 $0x70, v62;
	[tilespmem:$0x1FF50] =	vst v31  }
0x6: {  	v28 =	vor.u32 $0x20, v62;
	[tilespmem:$0x1FF60] =	vst v6  }
0x7: {  	v12 =	vor.u32 $0x60, v62;
	[tilespmem:$0x1FF70] =	vst v28  }
0x8: {  	v5 =	vor.u32 $0x10, v62;
	[tilespmem:$0x1FF80] =	vst v12  }
0x9: {  	v7 =	vor.u32 $0x30, v62;
	[tilespmem:$0x1FF90] =	vst v5  }
0xa: {  	v1 =	vmul.u32 $0x20, v62;
	v0 =	vor.u32 $0x400, v62;
	[tilespmem:$0x1FFC0] =	vst v7  }
0xb: {  	[tilespmem:$0x1FE50] =	vst v0;
	v0 =	vor.u32 $0x410, v62  }
0xc: {  	v37 =	vor.u32 $0xA00, v1;
	[tilespmem:$0x1FE60] =	vst v0  }
0xd: {  	v4 =	vor.u32 $0x800, v1;
	[tilespmem:$0x1FFA0] =	vst v37  }
0xe: {  	v58 =	vor.u32 $0x600, v1;
	[tilespmem:$0x1FFB0] =	vst v4  }
0xf: {  	v63 =	vor.u32 $0x400, v1;
	[tilespmem:$0x1FFD0] =	vst v58  }
0x10: {  	v2 =	vor.u32 $0x200, v1;
	[tilespmem:$0x1FFE0] =	vst v63  }
0x11: {  	v0 =	vor.u32 $0x420, v62;
	[tilespmem:$0x1FFF0] =	vst v2  }
0x12: {  	[tilespmem:$0x1FE70] =	vst v0;
	v0 =	vor.u32 $0x430, v62  }
0x13: {  	[tilespmem:$0x1FE80] =	vst v0;
	v0 =	vor.u32 $0x440, v62  }
0x14: {  	[tilespmem:$0x1FE90] =	vst v0;
	v0 =	vor.u32 $0x450, v62  }
0x15: {  	[tilespmem:$0x1FEA0] =	vst v0;
	v0 =	vor.u32 $0x460, v62  }
0x16: {  	s2 =	srdreg.scid;
	[tilespmem:$0x1FEB0] =	vst v0;
	v0 =	vor.u32 $0x470, v62  }
0x17: {  	s6 =	sand.u32 $0x1, s2;
	[tilespmem:$0x1FEC0] =	vst v0;
	v0 =	vor.u32 $0x800, v62  }
0x18: {  	s11 =	simm.s32 $0x80;
	s2 =	stileid.u32;
	s4 =	sshll.u32 s6, $0x4;
	[tilespmem:$0x1FED0] =	vst v0;
	v0 =	vor.u32 $0x810, v62  }
0x19: {  	s12 =	simm.s32 $0x1000;
	s13 =	simm.s32 $0x2000;
	s7 =	sor.u32 s2, s4;
	[tilespmem:$0x1FEE0] =	vst v0;
	v0 =	vor.u32 $0x820, v62  }
0x1a: {  	s14 =	simm.s32 $0x3000;
	s15 =	simm.s32 $0x0;
	s8 =	smul.u32 $0x19000, s7;
	[tilespmem:$0x1FEF0] =	vst v0;
	v0 =	vor.u32 $0x830, v62  }
0x1b: {  	s9 =	sshll.u32 s2, $0xC;
	s6 =	ssub.s32 $0x2, s6;
	s4 =	sadd.s32 $0x64600, s5;
	[tilespmem:$0x1FF00] =	vst v0;
	v0 =	vor.u32 $0x840, v62  }
0x1c: {  	s9 =	sand.u32 $0x3000, s9;
	s10 =	sshrl.u32 s6, $0x1;
	s8 =	sand.u32 $0x3FC000, s8;
	[tilespmem:$0x1FF10] =	vst v0;
	v0 =	vor.u32 $0x850, v62  }
0x1d: {  	s5 =	sadd.s32 $0x600, s5;
	s30 =	ssub.s32 s6, s10;
	s8 =	sor.u32 s9, s8;
	[tilespmem:$0x1FF20] =	vst v0;
	v0 =	vor.u32 $0x860, v62  }
0x1e: {  	s6 =	smul.u32 $0xC8, s7;
	s10 =	simm.s32 $0x1;
	s31 =	sshrl.u32 s8, $0x3;
	[tilespmem:$0x1FF30] =	vst v0;
	v0 =	vor.u32 $0x870, v62  }
0x1f: {  	v14 =	vor.u32 $0xC00, v1;
	v10 =	vor.u32 $0xE00, v1;
	s9 =	simm.s32 $0x4000;
	s8 =	smax.u32 s30, $0x1;
	s7 =	sadd.s32 s5, s31;
	[tilespmem:$0x1FF40] =	vst v0  }
.LBB2_1:
0x20: {  	_ =	strace $0x80000048;
	s17 =	simm.s32 $0x0  }
0x21: {  	s16 =	simm.s32 $0x0;
	s18 =	simm.s32 $0x0;
	s19 =	simm.s32 $0x0  }
0x22: {  	[tilespmem:s9], [sflag:$0x2] =	stream.linear.gather [hbm4b:s7+s3], $0x200, $0x200038;
	[tilespmem:$0xC400] =	vst v63  }
0x23: {  	s20 =	simm.s32 $0x1;
	s21 =	simm.s32 $0x0;
	_ =	strace $0x90000048  }
.LBB2_2:
0x24: {  	s23 =	sadd.s32 s6, s17  }
0x25: {  	s24 =	sadd.s32 $0xFFFFFFFF, s17;
	p1 =	seq.s32 s17, $0x0;
	s17 =	sadd.s32 $0x1, s17  }
0x26: {  	p0 =	seq.s32 s17, $0xC8  }
0x27: {  	s17 =	simm.s32 @p0 $0x0  }
0x28: {  	s22 =	sshra.s32 s23, $0x1F;
	s25 =	sadd.s32 s6, s17  }
0x29: {  	s22 =	sshrl.u32 s22, $0x1B;
	s26 =	sshra.s32 s25, $0x1F  }
0x2a: {  	s22 =	sadd.s32 s22, s23;
	s26 =	sshrl.u32 s26, $0x1B  }
0x2b: {  	s28 =	sshra.s32 s22, $0x5;
	s22 =	sand.u32 $0xFFFFFFE0, s22;
	s26 =	sadd.s32 s26, s25  }
0x2c: {  	p5 =	slt.s32 s23, $0x1;
	p2 =	sne.s32 s23, s22;
	s31 =	sand.u32 $0xFFFFFFE0, s26  }
0x2d: {  	p6 =	slt.s32 s25, $0x1;
	p0 =	por !p5, !p2;
	p3 =	sne.s32 s25, s31  }
0x2e: {  	s22 =	simm.s32 $0x1;
	p0 =	por !p0, !p0;
	p2 =	por !p6, !p3  }
0x2f: {  	s29 =	simm.s32 $0x1;
	s22 =	simm.s32 @!p0 $0x0;
	p0 =	por !p2, !p2  }
0x30: {  	s23 =	sand.u32 $0x1F, s23;
	s26 =	sshra.s32 s26, $0x5;
	s29 =	simm.s32 @!p0 $0x0  }
0x31: {  	s25 =	sand.u32 $0x1F, s25;
	s22 =	ssub.s32 s28, s22;
	s26 =	ssub.s32 s26, s29  }
0x32: {  	p5 =	sne.s32 s23, s25;
	p4 =	sne.s32 s22, s26  }
0x33: {  	p6 =	sne.s32 s21, $0xC7;
	p0 =	por p5, p4  }
0x34: {  	p2 =	por !p6, !p0  }
0x35: {  	s24 =	simm.s32 @p1 $0xC7;
	p2 =	por !p2, !p2  }
0x36: {  	s24 =	sadd.s32 s6, s24;
	s26 =	sshll.u32 @p2 s26, $0xE;
	s25 =	sshll.u32 @p2 s25, $0x9  }
0x37: {  	s28 =	sand.u32 @p2 $0x1, s20;
	_ =	strace @p2 $0x80000049;
	s25 =	sor.u32 @p2 s25, s26  }
0x38: {  	s29 =	simm.s32 @p2 $0x0;
	s26 =	sshll.u32 @p2 s28, $0x9;
	s25 =	sshrl.u32 @p2 s25, $0x3  }
0x39: {  	s28 =	sor.u32 @p2 $0x2, s28;
	s26 =	sor.u32 @p2 $0x4000, s26;
	s25 =	sadd.s32 @p2 s5, s25  }
0x3a: {  	[tilespmem:s26], [sflag:s28] =	stream.linear.gather @p2 [hbm4b:s25+s29], $0x200, $0x200038;
	[tilespmem:$0xC400] =	vst v63  }
0x3b: {  	s26 =	sshra.s32 s24, $0x1F  }
0x3c: {  	s25 =	sshrl.u32 s26, $0x1B  }
0x3d: {  	s25 =	sadd.s32 s25, s24  }
0x3e: {  	s28 =	sand.u32 $0xFFFFFFE0, s25  }
0x3f: {  	p3 =	slt.s32 s24, $0x1;
	p4 =	sne.s32 s24, s28  }
0x40: {  	p1 =	por !p3, !p4  }
0x41: {  	s26 =	simm.s32 $0x1;
	p1 =	por !p1, !p1  }
0x42: {  	s25 =	sshra.s32 s25, $0x5;
	s26 =	simm.s32 @!p1 $0x0  }
0x43: {  	s24 =	sand.u32 $0x1F, s24;
	s25 =	ssub.s32 s25, s26  }
0x44: {  	p6 =	sne.s32 s23, s24;
	p5 =	sne.s32 s22, s25  }
0x45: {  	p4 =	seq.s32 s21, $0x0;
	p1 =	por p6, p5  }
0x46: {  	p3 =	por p4, p1  }
0x47: {  	_ =	strace @p2 $0x90000049;
	s24 =	sand.u32 @p3 $0x1, s19  }
0x48: {  	_ =	strace @p3 $0x8000004A;
	s24 =	sor.u32 @p3 $0x2, s24  }
0x49: {  	_ =	swait.ge @p3 [sflag:s24], $0x200  }
0x4a: {  	[sflag:s24] =	ssyncset.done @p3 $0x0  }
0x4b: {  	s29 =	sshll.u32 s19, $0x9;
	[sflag:s24] =	ssyncadd.s32 @p3 $0xFFFFFE00  }
0x4c: {  	s24 =	sand.u32 $0x200, s29;
	_ =	strace @p3 $0x9000004A  }
0x4d: {  	s31 =	simm.s32 $0x0;
	s30 =	sor.u32 $0x4000, s24;
	_ =	strace $0x8000004B  }
0x4e: {  	v3 =	vadd.s32 s31, v62;
	[tilespmem:s31], [sflag:$0x1] =	stream.indirect.gather [hbm4b:s4+s11], $0x20, s30, s11, $0x2000b8;
	[tilespmem:$0xC400] =	vst v63  }
0x4f: {  	v46 =	vand.u32 $0x1F, v3;
	s28 =	simm.s32 $0x2;
	s25 =	simm.s32 $0x1;
	s29 =	sor.u32 $0x4080, s24  }
0x50: {  	v25 =	vor.u32 v1, v46;
	v30 =	vor.u32 v63, v46;
	v39 =	vor.u32 v37, v46;
	[tilespmem:s12], [sflag:$0x1] =	stream.indirect.gather [hbm4b:s4+s11], $0x20, s29, s11, $0x2000b8;
	[tilespmem:$0xC400] =	vst v63  }
0x51: {  	v31 =	vor.u32 v58, v46;
	v17 =	vadd.s32 s28, v62;
	v16 =	vadd.s32 s25, v62;
	s30 =	sor.u32 $0x4100, s24  }
0x52: {  	v49 =	vor.u32 v4, v46;
	v47 =	vand.u32 $0x1F, v17;
	v19 =	vand.u32 $0x1F, v16;
	[tilespmem:s13], [sflag:$0x1] =	stream.indirect.gather [hbm4b:s4+s11], $0x20, s30, s11, $0x2000b8;
	[tilespmem:$0xC400] =	vst v63  }
0x53: {  	v23 =	vshll.u32 v17, $0x9;
	v17 =	vshll.u32 v17, $0x7;
	v21 =	vor.u32 v1, v19;
	s24 =	sor.u32 $0x4180, s24  }
0x54: {  	v22 =	vor.u32 v1, v47;
	v23 =	vand.u32 $0x3000, v23;
	v17 =	vand.u32 $0x380, v17;
	[tilespmem:s14], [sflag:$0x1] =	stream.indirect.gather [hbm4b:s4+s11], $0x20, s24, s11, $0x2000b8;
	[tilespmem:$0xC400] =	vst v63  }
0x55: {  	v27 =	vor.u32 v2, v47;
	v24 =	vshll.u32 v16, $0x7;
	v16 =	vshll.u32 v16, $0x9;
	s31 =	simm.s32 $0x3;
	_ =	swait.ge [sflag:s10], $0x1000  }
0x56: {  	v24 =	vand.u32 $0x380, v24;
	v16 =	vand.u32 $0x3000, v16;
	v18 =	vadd.s32 s31, v62;
	[sflag:s10] =	ssyncset.done $0x0  }
0x57: {  	v11 =	vor.u32 v14, v47;
	v34 =	vor.u32 v24, v16;
	v51 =	vand.u32 $0x1F, v18;
	[sflag:s10] =	ssyncadd.s32 $0xFFFFF000  }
0x58: {  	v53 =	vor.u32 v17, v23;
	v26 =	vor.u32 v1, v51;
	v16 =	vld.idx.msk [tilespmem:v21+s3+$0x0], $0xffff;
	v21 =	vor.u32 v62, v34  }
0x59: {  	v17 =	vor.u32 v62, v53;
	v23 =	vor.u32 v2, v19;
	v24 =	vshll.u32 v3, $0x9;
	v22 =	vld.idx.msk [tilespmem:v22+s3+$0x0], $0xffff  }
0x5a: {  	v38 =	vor.u32 v4, v47;
	v3 =	vshll.u32 v3, $0x7;
	v24 =	vand.u32 $0x3000, v24;
	s24 =	sand.u32 $0x1, s18  }
0x5b: {  	v3 =	vand.u32 $0x380, v3;
	v20 =	vshll.u32 v18, $0x7;
	v18 =	vshll.u32 v18, $0x9;
	s28 =	sshll.u32 s24, $0xE  }
0x5c: {  	v32 =	vor.u32 v3, v24;
	v3 =	vand.u32 $0x3000, v18;
	v18 =	vand.u32 $0x380, v20;
	s25 =	sadd.s32 $0x4400, s28;
	v20 =	vld.idx.msk [tilespmem:v25+s3+$0x0], $0xffff  }
0x5d: {  	v33 =	vor.u32 v10, v19;
	v54 =	vor.u32 v18, v3;
	v25 =	vld.idx.msk [tilespmem:v26+s3+$0x0], $0xffff;
	[tilespmem:v21+s25+$0x0] =	vst.idx.msk $0xffff, v16  }
0x5e: {  	v29 =	vor.u32 v63, v19;
	v3 =	vor.u32 v62, v54;
	[tilespmem:v17+s25+$0x0] =	vst.idx.msk $0xffff, v22;
	v21 =	vld.idx.msk [tilespmem:v23+s3+$0x0], $0xffff  }
0x5f: {  	v42 =	vor.u32 v14, v19;
	v26 =	vor.u32 v2, v51;
	v23 =	vor.u32 v5, v53;
	v27 =	vld.idx.msk [tilespmem:v27+s3+$0x0], $0xffff  }
0x60: {  	v6 =	vmovc v28;
	v24 =	vor.u32 v62, v32;
	v16 =	vor.u32 v28, v53;
	v28 =	vor.u32 v63, v47  }
0x61: {  	v0 =	vor.u32 v37, v19;
	v35 =	vor.u32 v6, v34;
	v17 =	vor.u32 v2, v46  }
0x62: {  	v55 =	vor.u32 v7, v34;
	v40 =	vor.u32 v14, v51;
	v18 =	vor.u32 v5, v34  }
0x63: {  	v9 =	vlaneseq.u32;
	v60 =	vor.u32 v37, v51;
	s30 =	simm.s32 $0x6;
	v50 =	vor.u32 v7, v54;
	[tilespmem:v3+s25+$0x0] =	vst.idx.msk $0xffff, v25  }
0x64: {  	v61 =	vadd.s32 s30, v9;
	v22 =	vor.u32 v5, v54;
	[tilespmem:v23+s25+$0x0] =	vst.idx.msk $0xffff, v27;
	v23 =	vld.idx.msk [tilespmem:v26+s3+$0x0], $0xffff  }
0x65: {  	v36 =	vand.u32 $0x1F, v61;
	v44 =	vshll.u32 v61, $0x9;
	[tilespmem:v24+s25+$0x0] =	vst.idx.msk $0xffff, v20;
	v24 =	vor.u32 v63, v51;
	v28 =	vld.idx.msk [tilespmem:v28+s3+$0x0], $0xffff  }
0x66: {  	v57 =	vor.u32 v2, v36;
	v20 =	vor.u32 v5, v32;
	v3 =	vor.u32 v58, v47;
	v17 =	vld.idx.msk [tilespmem:v17+s3+$0x0], $0xffff  }
0x67: {  	v44 =	vand.u32 $0x3000, v44;
	v62 =	vor.u32 v7, v32;
	v25 =	vor.u32 v6, v54;
	[tilespmem:v18+s25+$0x0] =	vst.idx.msk $0xffff, v21  }
0x68: {  	v18 =	vor.u32 v58, v19;
	v21 =	vor.u32 v37, v47;
	v37 =	vshll.u32 v61, $0x7;
	v29 =	vld.idx.msk [tilespmem:v29+s3+$0x0], $0xffff  }
0x69: {  	v26 =	vor.u32 v6, v32;
	v27 =	vor.u32 v58, v51;
	v8 =	vld [tilespmem:$0x1FE40];
	v37 =	vand.u32 $0x380, v37;
	[tilespmem:v22+s25+$0x0] =	vst.idx.msk $0xffff, v23  }
0x6a: {  	s31 =	simm.s32 $0x7;
	v19 =	vor.u32 v4, v19;
	v44 =	vor.u32 v37, v44;
	v24 =	vld.idx.msk [tilespmem:v24+s3+$0x0], $0xffff;
	[tilespmem:v16+s25+$0x0] =	vst.idx.msk $0xffff, v28  }
0x6b: {  	s29 =	simm.s32 $0x4;
	[tilespmem:v20+s25+$0x0] =	vst.idx.msk $0xffff, v17;
	v17 =	vadd.s32 s31, v9;
	v16 =	vor.u32 v7, v53;
	v3 =	vld.idx.msk [tilespmem:v3+s3+$0x0], $0xffff  }
0x6c: {  	s26 =	simm.s32 $0x5;
	v22 =	vor.u32 v4, v51;
	v23 =	vadd.s32 s29, v9;
	v20 =	vld.idx.msk [tilespmem:v30+s3+$0x0], $0xffff;
	v30 =	vshll.u32 v17, $0x7  }
0x6d: {  	v37 =	vand.u32 $0x1F, v17;
	v28 =	vadd.s32 s26, v9;
	[tilespmem:v35+s25+$0x0] =	vst.idx.msk $0xffff, v29;
	v29 =	vor.u32 v1, v36  }
0x6e: {  	v13 =	vor.u32 v8, v32;
	v48 =	vor.u32 v8, v53;
	v41 =	vand.u32 $0x1F, v28;
	v18 =	vld.idx.msk [tilespmem:v18+s3+$0x0], $0xffff  }
0x6f: {  	v17 =	vshll.u32 v17, $0x9;
	v59 =	vor.u32 v8, v54;
	v56 =	vor.u32 v1, v41;
	[tilespmem:v25+s25+$0x0] =	vst.idx.msk $0xffff, v24  }
0x70: {  	v43 =	vand.u32 $0x1F, v23;
	v35 =	vor.u32 v10, v41;
	v25 =	vshll.u32 v28, $0x7;
	[tilespmem:v16+s25+$0x0] =	vst.idx.msk $0xffff, v3;
	v3 =	vld.idx.msk [tilespmem:v27+s3+$0x0], $0xffff  }
0x71: {  	v17 =	vand.u32 $0x3000, v17;
	v52 =	vor.u32 v2, v41;
	[tilespmem:v26+s25+$0x0] =	vst.idx.msk $0xffff, v20;
	v20 =	vand.u32 $0x380, v25;
	v25 =	vld.idx.msk [tilespmem:v38+s3+$0x0], $0xffff  }
0x72: {  	v26 =	vand.u32 $0x380, v30;
	v30 =	vor.u32 v1, v37;
	v24 =	vor.u32 v1, v43;
	v29 =	vld.idx.msk [tilespmem:v29+s3+$0x0], $0xffff  }
0x73: {  	v4 =	vmov v2;
	v45 =	vor.u32 v26, v17;
	v16 =	vshll.u32 v28, $0x9;
	v27 =	vld.idx.msk [tilespmem:v31+s3+$0x0], $0xffff;
	[tilespmem:v55+s25+$0x0] =	vst.idx.msk $0xffff, v18  }
0x74: {  	v7 =	vmovc v63;
	v17 =	vor.u32 v8, v34;
	v28 =	vor.u32 v9, v44;
	v16 =	vand.u32 $0x3000, v16;
	v18 =	vld.idx.msk [tilespmem:v19+s3+$0x0], $0xffff  }
0x75: {  	v63 =	vor.u32 v9, v45;
	v19 =	vld.idx.msk [tilespmem:v56+s3+$0x0], $0xffff;
	v38 =	vor.u32 v20, v16;
	[tilespmem:v50+s25+$0x0] =	vst.idx.msk $0xffff, v3  }
0x76: {  	v20 =	vshll.u32 v23, $0x9;
	v23 =	vshll.u32 v23, $0x7;
	v3 =	vor.u32 v9, v38;
	[tilespmem:v48+s25+$0x0] =	vst.idx.msk $0xffff, v25;
	v25 =	vld.idx.msk [tilespmem:v22+s3+$0x0], $0xffff  }
0x77: {  	v55 =	vor.u32 v6, v44;
	v6 =	vmovc v10;
	v10 =	vmovc v14;
	v20 =	vand.u32 $0x3000, v20;
	v23 =	vand.u32 $0x380, v23;
	v14 =	vld [tilespmem:$0x1FF50]  }
0x78: {  	v50 =	vor.u32 v10, v46;
	v48 =	vor.u32 v23, v20;
	v23 =	vld.idx.msk [tilespmem:v24+s3+$0x0], $0xffff;
	v22 =	vor.u32 v4, v37  }
0x79: {  	v20 =	vld.idx.msk [tilespmem:v30+s3+$0x0], $0xffff;
	v30 =	vor.u32 v5, v38;
	v24 =	vor.u32 v9, v48;
	[tilespmem:v62+s25+$0x0] =	vst.idx.msk $0xffff, v27  }
0x7a: {  	v31 =	vld.idx.msk [tilespmem:v21+s3+$0x0], $0xffff;
	[tilespmem:v17+s25+$0x0] =	vst.idx.msk $0xffff, v18;
	v21 =	vor.u32 v5, v44;
	v27 =	vor.u32 v4, v43  }
0x7b: {  	v62 =	vor.u32 v6, v47;
	v47 =	vor.u32 v6, v51;
	v26 =	vld.idx.msk [tilespmem:v49+s3+$0x0], $0xffff;
	[tilespmem:v3+s25+$0x0] =	vst.idx.msk $0xffff, v19  }
0x7c: {  	v51 =	vor.u32 v6, v46;
	v8 =	vld [tilespmem:$0x1FF60];
	[tilespmem:v28+s25+$0x0] =	vst.idx.msk $0xffff, v29;
	v16 =	vor.u32 v14, v53  }
0x7d: {  	v2 =	vmov v1;
	v18 =	vor.u32 v12, v53;
	v19 =	vor.u32 v5, v45;
	[tilespmem:v59+s25+$0x0] =	vst.idx.msk $0xffff, v25  }
0x7e: {  	v29 =	vld.idx.msk [tilespmem:v0+s3+$0x0], $0xffff;
	v25 =	vor.u32 v7, v36;
	v59 =	vor.u32 v12, v54;
	v61 =	vor.u32 v14, v54  }
0x7f: {  	v56 =	vor.u32 v14, v32;
	v28 =	vor.u32 v14, v34;
	[tilespmem:v24+s25+$0x0] =	vst.idx.msk $0xffff, v23;
	v24 =	vld.idx.msk [tilespmem:v52+s3+$0x0], $0xffff  }
0x80: {  	s26 =	simm.s32 $0x1;
	v23 =	vor.u32 v7, v41;
	v52 =	vor.u32 v12, v32;
	v17 =	vld.idx.msk [tilespmem:v60+s3+$0x0], $0xffff;
	[tilespmem:v13+s25+$0x0] =	vst.idx.msk $0xffff, v26  }
0x81: {  	s26 =	simm.s32 @!p2 $0x0;
	v3 =	vld.idx.msk [tilespmem:v57+s3+$0x0], $0xffff;
	v26 =	vor.u32 v7, v37;
	v49 =	vor.u32 v8, v53;
	[tilespmem:v16+s25+$0x0] =	vst.idx.msk $0xffff, v31  }
0x82: {  	s20 =	sadd.s32 s26, s20;
	s26 =	simm.s32 $0x8;
	v46 =	vor.u32 v8, v54;
	v31 =	vor.u32 v5, v48;
	v16 =	vor.u32 v7, v43;
	v60 =	vld.idx.msk [tilespmem:v11+s3+$0x0], $0xffff  }
.LBB2_3:
0x83: {  	v5 =	vld.idx.msk [tilespmem:v39+s3+$0x0], $0xffff  }
0x84: {  	v27 =	vld.idx.msk [tilespmem:v27+s3+$0x0], $0xffff  }
0x85: {  	v0 =	vld [tilespmem:$0x1FFD0]  }
0x86: {  	[tilespmem:v28+s25+$0x0] =	vst.idx.msk $0xffff, v29;
	v1 =	vld [tilespmem:$0x1FFA0]  }
0x87: {  	[tilespmem:v63+s25+$0x0] =	vst.idx.msk $0xffff, v20;
	v13 =	vld [tilespmem:$0x1FF70]  }
0x88: {  	v11 =	vld [tilespmem:$0x1FFC0];
	[tilespmem:v21+s25+$0x0] =	vst.idx.msk $0xffff, v3  }
0x89: {  	v22 =	vld.idx.msk [tilespmem:v22+s3+$0x0], $0xffff;
	[tilespmem:v30+s25+$0x0] =	vst.idx.msk $0xffff, v24  }
0x8a: {  	v53 =	vor.u32 v10, v36;
	v7 =	vor.u32 v8, v32;
	[tilespmem:v61+s25+$0x0] =	vst.idx.msk $0xffff, v17;
	v25 =	vld.idx.msk [tilespmem:v25+s3+$0x0], $0xffff  }
0x8b: {  	v57 =	vmov v43;
	v54 =	vmov v45;
	v28 =	vor.u32 v12, v34;
	[tilespmem:v18+s25+$0x0] =	vst.idx.msk $0xffff, v60;
	v42 =	vld.idx.msk [tilespmem:v42+s3+$0x0], $0xffff  }
0x8c: {  	v29 =	vor.u32 v0, v41;
	v43 =	vor.u32 v0, v36;
	v20 =	vor.u32 v1, v36;
	v21 =	vld.idx.msk [tilespmem:v40+s3+$0x0], $0xffff  }
0x8d: {  	v32 =	vmovc v48;
	v39 =	vor.u32 v1, v57;
	v45 =	vor.u32 v0, v37;
	v48 =	vor.u32 v0, v57;
	v0 =	vld [tilespmem:$0x1FE40]  }
0x8e: {  	v18 =	vor.u32 v1, v41;
	[tilespmem:v56+s25+$0x0] =	vst.idx.msk $0xffff, v5;
	v17 =	vor.u32 v1, v37;
	v1 =	vld [tilespmem:$0x1FFB0]  }
0x8f: {  	v58 =	vmov v44;
	v24 =	vor.u32 v10, v41;
	v5 =	vld.idx.msk [tilespmem:v62+s3+$0x0], $0xffff;
	[tilespmem:v31+s25+$0x0] =	vst.idx.msk $0xffff, v27  }
0x90: {  	v30 =	vor.u32 v10, v37;
	v3 =	vor.u32 v13, v54;
	v44 =	vor.u32 v13, v32;
	v27 =	vld.idx.msk [tilespmem:v50+s3+$0x0], $0xffff  }
0x91: {  	v61 =	vor.u32 v11, v58;
	v31 =	vor.u32 v8, v34;
	[tilespmem:v19+s25+$0x0] =	vst.idx.msk $0xffff, v22;
	v16 =	vld.idx.msk [tilespmem:v16+s3+$0x0], $0xffff  }
0x92: {  	v34 =	vor.u32 v13, v38;
	v26 =	vld.idx.msk [tilespmem:v26+s3+$0x0], $0xffff;
	[tilespmem:v55+s25+$0x0] =	vst.idx.msk $0xffff, v25;
	v60 =	vor.u32 v0, v32  }
0x93: {  	[tilespmem:v28+s25+$0x0] =	vst.idx.msk $0xffff, v42;
	v28 =	vor.u32 v1, v41;
	v50 =	vor.u32 v0, v58;
	v55 =	vld.idx.msk [tilespmem:v43+s3+$0x0], $0xffff  }
0x94: {  	v19 =	vor.u32 v1, v57;
	v22 =	vor.u32 v1, v36;
	[tilespmem:v59+s25+$0x0] =	vst.idx.msk $0xffff, v21;
	v23 =	vld.idx.msk [tilespmem:v23+s3+$0x0], $0xffff  }
0x95: {  	s28 =	smov.u32 s26;
	v40 =	vmovc v30;
	v21 =	vor.u32 v11, v54;
	v56 =	vor.u32 v1, v37;
	[tilespmem:v49+s25+$0x0] =	vst.idx.msk $0xffff, v5;
	v1 =	vlaneseq.u32  }
0x96: {  	s29 =	sadd.s32 $0x1, s28;
	s30 =	sadd.s32 $0x2, s28;
	v9 =	vor.u32 v0, v54;
	v59 =	vor.u32 v11, v32;
	v5 =	vadd.s32 s28, v1;
	[tilespmem:v52+s25+$0x0] =	vst.idx.msk $0xffff, v27  }
0x97: {  	v49 =	vor.u32 v11, v38;
	s28 =	sadd.s32 $0x3, s28;
	v27 =	vadd.s32 s29, v1;
	v52 =	vadd.s32 s30, v1;
	v51 =	vld.idx.msk [tilespmem:v51+s3+$0x0], $0xffff;
	[tilespmem:v44+s25+$0x0] =	vst.idx.msk $0xffff, v16  }
0x98: {  	v42 =	vmovc v24;
	v25 =	vld.idx.msk [tilespmem:v33+s3+$0x0], $0xffff;
	v62 =	vadd.s32 s28, v1;
	v43 =	vand.u32 $0x1F, v5;
	v41 =	vand.u32 $0x1F, v27;
	[tilespmem:v61+s25+$0x0] =	vst.idx.msk $0xffff, v55  }
0x99: {  	v33 =	vmovc v35;
	v24 =	vand.u32 $0x1F, v52;
	v30 =	vshll.u32 v62, $0x7;
	v4 =	vshll.u32 v27, $0x7;
	[tilespmem:v34+s25+$0x0] =	vst.idx.msk $0xffff, v23;
	v23 =	vld.idx.msk [tilespmem:v47+s3+$0x0], $0xffff  }
0x9a: {  	v63 =	vor.u32 v2, v24;
	v35 =	vor.u32 v6, v41;
	v61 =	vor.u32 v14, v54;
	v22 =	vld.idx.msk [tilespmem:v22+s3+$0x0], $0xffff  }
0x9b: {  	v30 =	vand.u32 $0x380, v30;
	v47 =	vor.u32 v2, v41;
	[tilespmem:v3+s25+$0x0] =	vst.idx.msk $0xffff, v26;
	v3 =	vshll.u32 v52, $0x9;
	v16 =	vld.idx.msk [tilespmem:v29+s3+$0x0], $0xffff  }
0x9c: {  	v26 =	vshll.u32 v52, $0x7;
	v29 =	vor.u32 v2, v43;
	v3 =	vand.u32 $0x3000, v3;
	v52 =	vld.idx.msk [tilespmem:v45+s3+$0x0], $0xffff  }
0x9d: {  	v26 =	vand.u32 $0x380, v26;
	[tilespmem:v31+s25+$0x0] =	vst.idx.msk $0xffff, v25;
	v25 =	vshll.u32 v27, $0x9;
	v27 =	vand.u32 $0x380, v4;
	v4 =	vld [tilespmem:$0x1FF90]  }
0x9e: {  	v31 =	vshll.u32 v62, $0x9;
	v44 =	vor.u32 v26, v3;
	v3 =	vand.u32 $0x1F, v62;
	v26 =	vld.idx.msk [tilespmem:v48+s3+$0x0], $0xffff  }
0x9f: {  	[tilespmem:v7+s25+$0x0] =	vst.idx.msk $0xffff, v51;
	v7 =	vand.u32 $0x3000, v25;
	v25 =	vand.u32 $0x3000, v31;
	v62 =	vor.u32 v6, v36;
	v51 =	vld.idx.msk [tilespmem:v63+s3+$0x0], $0xffff  }
0xa0: {  	v34 =	vmov v38;
	v31 =	vor.u32 v1, v44;
	v45 =	vor.u32 v30, v25;
	v30 =	vld [tilespmem:$0x1FFF0];
	[tilespmem:v46+s25+$0x0] =	vst.idx.msk $0xffff, v23  }
0xa1: {  	v38 =	vor.u32 v27, v7;
	v7 =	vor.u32 v2, v3;
	v23 =	vld.idx.msk [tilespmem:v47+s3+$0x0], $0xffff;
	[tilespmem:v49+s25+$0x0] =	vst.idx.msk $0xffff, v16  }
0xa2: {  	v25 =	vor.u32 v0, v34;
	v27 =	vshll.u32 v5, $0x9;
	v5 =	vshll.u32 v5, $0x7;
	[tilespmem:v50+s25+$0x0] =	vst.idx.msk $0xffff, v22;
	v16 =	vld.idx.msk [tilespmem:v28+s3+$0x0], $0xffff  }
0xa3: {  	v55 =	vor.u32 v13, v44;
	v5 =	vand.u32 $0x380, v5;
	[tilespmem:v21+s25+$0x0] =	vst.idx.msk $0xffff, v52;
	v21 =	vand.u32 $0x3000, v27;
	v13 =	vld.idx.msk [tilespmem:v20+s3+$0x0], $0xffff  }
0xa4: {  	v63 =	vor.u32 v1, v45;
	v15 =	vld.idx.msk [tilespmem:v29+s3+$0x0], $0xffff;
	v48 =	vor.u32 v5, v21;
	v5 =	vor.u32 v1, v38  }
0xa5: {  	v50 =	vor.u32 v10, v57;
	v49 =	vor.u32 v8, v58;
	v52 =	vor.u32 v12, v32;
	v47 =	vld.idx.msk [tilespmem:v56+s3+$0x0], $0xffff  }
0xa6: {  	v56 =	vor.u32 v14, v32;
	v21 =	vor.u32 v4, v44;
	[tilespmem:v59+s25+$0x0] =	vst.idx.msk $0xffff, v26;
	v20 =	vld.idx.msk [tilespmem:v7+s3+$0x0], $0xffff  }
0xa7: {  	v28 =	vor.u32 v14, v34;
	v0 =	vor.u32 v1, v48;
	v7 =	vld.idx.msk [tilespmem:v19+s3+$0x0], $0xffff;
	[tilespmem:v25+s25+$0x0] =	vst.idx.msk $0xffff, v16  }
0xa8: {  	v59 =	vor.u32 v12, v54;
	v11 =	vor.u32 v30, v24;
	v1 =	vor.u32 v14, v58;
	v29 =	vld.idx.msk [tilespmem:v18+s3+$0x0], $0xffff  }
0xa9: {  	v46 =	vor.u32 v30, v41;
	v22 =	vor.u32 v30, v3;
	[tilespmem:v5+s25+$0x0] =	vst.idx.msk $0xffff, v23;
	v5 =	vld [tilespmem:$0x1FFE0]  }
0xaa: {  	p2 =	slt.u32 s26, $0x1C;
	v27 =	vor.u32 v30, v43;
	v19 =	vor.u32 v4, v45;
	[tilespmem:v31+s25+$0x0] =	vst.idx.msk $0xffff, v51  }
.Ltmp0:
0xab: {  	v30 =	vor.u32 v4, v38;
	v51 =	vor.u32 v6, v57;
	[tilespmem:v9+s25+$0x0] =	vst.idx.msk $0xffff, v47;
	(pc) =	sbr.rel @p2 .LBB2_3-.Ltmp0, $4  }
0xac: {  	v31 =	vor.u32 v4, v48;
	v47 =	vor.u32 v6, v37;
	[tilespmem:v0+s25+$0x0] =	vst.idx.msk $0xffff, v15;
	v17 =	vld.idx.msk [tilespmem:v17+s3+$0x0], $0xffff  }
0xad: {  	v36 =	vmov v24;
	v37 =	vmov v3;
	v18 =	vor.u32 v12, v58;
	v3 =	vld.idx.msk [tilespmem:v11+s3+$0x0], $0xffff;
	[tilespmem:v1+s25+$0x0] =	vst.idx.msk $0xffff, v13  }
0xae: {  	[tilespmem:v60+s25+$0x0] =	vst.idx.msk $0xffff, v7;
	v60 =	vld.idx.msk [tilespmem:v53+s3+$0x0], $0xffff;
	v25 =	vor.u32 v5, v24;
	v23 =	vor.u32 v5, v41  }
0xaf: {  	s26 =	sadd.s32 $0x4, s26;
	v24 =	vld.idx.msk [tilespmem:v46+s3+$0x0], $0xffff;
	v26 =	vor.u32 v5, v37;
	v16 =	vor.u32 v5, v43;
	v46 =	vor.u32 v8, v54  }
0xb0: {  	_ =	sdelay $0x3  }
0xb1: {  	v0 =	vld.idx.msk [tilespmem:v27+s3+$0x0], $0xffff;
	_ =	sdelay $0x1  }
0xb2: {  	[tilespmem:v63+s25+$0x0] =	vst.idx.msk $0xffff, v20  }
0xb3: {  	[tilespmem:v21+s25+$0x0] =	vst.idx.msk $0xffff, v3  }
0xb4: {  	v1 =	vld.idx.msk [tilespmem:v22+s3+$0x0], $0xffff;
	[tilespmem:v30+s25+$0x0] =	vst.idx.msk $0xffff, v24  }
0xb5: {  	v58 =	vld [tilespmem:$0x1FFD0];
	[tilespmem:v31+s25+$0x0] =	vst.idx.msk $0xffff, v0  }
0xb6: {  	v22 =	vld [tilespmem:$0x1FF70];
	_ =	sdelay $0x3  }
0xb7: {  	v3 =	vld.idx.msk [tilespmem:v25+s3+$0x0], $0xffff  }
0xb8: {  	v7 =	vld.idx.msk [tilespmem:v23+s3+$0x0], $0xffff;
	v0 =	vor.u32 v22, v38;
	_ =	sdelay $0x1  }
0xb9: {  	[tilespmem:v19+s25+$0x0] =	vst.idx.msk $0xffff, v1  }
0xba: {  	[tilespmem:v28+s25+$0x0] =	vst.idx.msk $0xffff, v29  }
0xbb: {  	[tilespmem:v55+s25+$0x0] =	vst.idx.msk $0xffff, v3  }
0xbc: {  	v13 =	vld.idx.msk [tilespmem:v16+s3+$0x0], $0xffff;
	v5 =	vor.u32 v58, v36;
	[tilespmem:v0+s25+$0x0] =	vst.idx.msk $0xffff, v7  }
0xbd: {  	v9 =	vor.u32 v58, v41;
	v11 =	vor.u32 v22, v48;
	v29 =	vld [tilespmem:$0x1FFC0];
	_ =	sdelay $0x1  }
0xbe: {  	v16 =	vld.idx.msk [tilespmem:v26+s3+$0x0], $0xffff;
	v15 =	vor.u32 v58, v43;
	v1 =	vor.u32 v22, v45;
	_ =	sdelay $0x1  }
0xbf: {  	v0 =	vld.idx.msk [tilespmem:v5+s3+$0x0], $0xffff  }
0xc0: {  	[tilespmem:v11+s25+$0x0] =	vst.idx.msk $0xffff, v13;
	v9 =	vld.idx.msk [tilespmem:v9+s3+$0x0], $0xffff;
	v3 =	vor.u32 v29, v44  }
0xc1: {  	v31 =	vld [tilespmem:$0x1FFB0];
	v7 =	vor.u32 v29, v38  }
0xc2: {  	[tilespmem:v1+s25+$0x0] =	vst.idx.msk $0xffff, v16;
	v13 =	vld.idx.msk [tilespmem:v15+s3+$0x0], $0xffff;
	v11 =	vor.u32 v29, v48  }
0xc3: {  	[tilespmem:v61+s25+$0x0] =	vst.idx.msk $0xffff, v17  }
0xc4: {  	v19 =	vor.u32 v58, v37;
	[tilespmem:v18+s25+$0x0] =	vst.idx.msk $0xffff, v60  }
0xc5: {  	[tilespmem:v3+s25+$0x0] =	vst.idx.msk $0xffff, v0  }
0xc6: {  	[tilespmem:v7+s25+$0x0] =	vst.idx.msk $0xffff, v9  }
0xc7: {  	v5 =	vor.u32 v31, v36;
	v24 =	vld [tilespmem:$0x1FE40];
	[tilespmem:v11+s25+$0x0] =	vst.idx.msk $0xffff, v13  }
0xc8: {  	v1 =	vor.u32 v31, v41;
	v28 =	vld [tilespmem:$0x1FFA0]  }
0xc9: {  	v17 =	vld.idx.msk [tilespmem:v19+s3+$0x0], $0xffff;
	v16 =	vor.u32 v29, v45;
	v15 =	vor.u32 v31, v43  }
0xca: {  	v18 =	vld.idx.msk [tilespmem:v39+s3+$0x0], $0xffff;
	v19 =	vor.u32 v31, v37  }
0xcb: {  	v0 =	vor.u32 v12, v34;
	v3 =	vld.idx.msk [tilespmem:v42+s3+$0x0], $0xffff  }
0xcc: {  	v5 =	vld.idx.msk [tilespmem:v5+s3+$0x0], $0xffff;
	v7 =	vor.u32 v24, v44  }
0xcd: {  	v1 =	vld.idx.msk [tilespmem:v1+s3+$0x0], $0xffff;
	v11 =	vor.u32 v24, v38;
	v9 =	vor.u32 v28, v36  }
0xce: {  	[tilespmem:v16+s25+$0x0] =	vst.idx.msk $0xffff, v17;
	v15 =	vld.idx.msk [tilespmem:v15+s3+$0x0], $0xffff;
	v16 =	vor.u32 v24, v48;
	v13 =	vor.u32 v28, v41  }
0xcf: {  	[tilespmem:v56+s25+$0x0] =	vst.idx.msk $0xffff, v18;
	v19 =	vld.idx.msk [tilespmem:v19+s3+$0x0], $0xffff;
	v18 =	vor.u32 v24, v45;
	v17 =	vor.u32 v28, v43  }
0xd0: {  	[tilespmem:v0+s25+$0x0] =	vst.idx.msk $0xffff, v3;
	v0 =	vld.idx.msk [tilespmem:v40+s3+$0x0], $0xffff;
	v3 =	vor.u32 v28, v37  }
0xd1: {  	[tilespmem:v7+s25+$0x0] =	vst.idx.msk $0xffff, v5;
	v5 =	vld.idx.msk [tilespmem:v62+s3+$0x0], $0xffff  }
0xd2: {  	[tilespmem:v11+s25+$0x0] =	vst.idx.msk $0xffff, v1;
	v7 =	vor.u32 v14, v44;
	v1 =	vld.idx.msk [tilespmem:v9+s3+$0x0], $0xffff  }
0xd3: {  	[tilespmem:v16+s25+$0x0] =	vst.idx.msk $0xffff, v15;
	v9 =	vor.u32 v10, v36;
	v11 =	vld.idx.msk [tilespmem:v13+s3+$0x0], $0xffff;
	v13 =	vor.u32 v14, v38  }
0xd4: {  	v15 =	vor.u32 v10, v41;
	[tilespmem:v18+s25+$0x0] =	vst.idx.msk $0xffff, v19;
	v16 =	vor.u32 v14, v48;
	v17 =	vld.idx.msk [tilespmem:v17+s3+$0x0], $0xffff  }
0xd5: {  	[tilespmem:v59+s25+$0x0] =	vst.idx.msk $0xffff, v0;
	v0 =	vor.u32 v14, v45;
	v18 =	vor.u32 v10, v43;
	v3 =	vld.idx.msk [tilespmem:v3+s3+$0x0], $0xffff  }
0xd6: {  	v20 =	vld.idx.msk [tilespmem:v50+s3+$0x0], $0xffff;
	v19 =	vor.u32 v10, v37;
	[tilespmem:v49+s25+$0x0] =	vst.idx.msk $0xffff, v5  }
0xd7: {  	v21 =	vld.idx.msk [tilespmem:v33+s3+$0x0], $0xffff;
	v5 =	vor.u32 v8, v34;
	[tilespmem:v7+s25+$0x0] =	vst.idx.msk $0xffff, v1  }
0xd8: {  	v1 =	vor.u32 v12, v44;
	[tilespmem:v13+s25+$0x0] =	vst.idx.msk $0xffff, v11;
	v7 =	vld.idx.msk [tilespmem:v9+s3+$0x0], $0xffff  }
0xd9: {  	v11 =	vor.u32 v12, v38;
	[tilespmem:v16+s25+$0x0] =	vst.idx.msk $0xffff, v17;
	v9 =	vor.u32 v6, v36;
	v13 =	vld.idx.msk [tilespmem:v15+s3+$0x0], $0xffff  }
0xda: {  	[tilespmem:v0+s25+$0x0] =	vst.idx.msk $0xffff, v3;
	v15 =	vor.u32 v12, v48;
	v0 =	vld.idx.msk [tilespmem:v18+s3+$0x0], $0xffff  }
0xdb: {  	[tilespmem:v52+s25+$0x0] =	vst.idx.msk $0xffff, v20;
	v3 =	vor.u32 v12, v45;
	v16 =	vor.u32 v6, v43;
	v17 =	vld.idx.msk [tilespmem:v19+s3+$0x0], $0xffff  }
0xdc: {  	v20 =	vld.idx.msk [tilespmem:v47+s3+$0x0], $0xffff;
	[tilespmem:v5+s25+$0x0] =	vst.idx.msk $0xffff, v21;
	v5 =	vor.u32 v6, v37  }
0xdd: {  	v18 =	vor.u32 v8, v32;
	v19 =	vld.idx.msk [tilespmem:v51+s3+$0x0], $0xffff;
	[tilespmem:v1+s25+$0x0] =	vst.idx.msk $0xffff, v7  }
0xde: {  	v1 =	vor.u32 v8, v44;
	[tilespmem:v11+s25+$0x0] =	vst.idx.msk $0xffff, v13;
	v7 =	vld.idx.msk [tilespmem:v9+s3+$0x0], $0xffff  }
0xdf: {  	[tilespmem:v15+s25+$0x0] =	vst.idx.msk $0xffff, v0;
	v9 =	vor.u32 v8, v38;
	v11 =	vld.idx.msk [tilespmem:v35+s3+$0x0], $0xffff  }
0xe0: {  	v0 =	vor.u32 v8, v48;
	[tilespmem:v3+s25+$0x0] =	vst.idx.msk $0xffff, v17;
	v3 =	vld.idx.msk [tilespmem:v16+s3+$0x0], $0xffff  }
0xe1: {  	[tilespmem:v46+s25+$0x0] =	vst.idx.msk $0xffff, v20;
	v13 =	vor.u32 v8, v45;
	v5 =	vld.idx.msk [tilespmem:v5+s3+$0x0], $0xffff  }
0xe2: {  	[tilespmem:v18+s25+$0x0] =	vst.idx.msk $0xffff, v19  }
0xe3: {  	[tilespmem:v1+s25+$0x0] =	vst.idx.msk $0xffff, v7  }
0xe4: {  	[tilespmem:v9+s25+$0x0] =	vst.idx.msk $0xffff, v11  }
0xe5: {  	s26 =	simm.s32 $0x0;
	v45 =	vlaneseq.u32;
	[tilespmem:v0+s25+$0x0] =	vst.idx.msk $0xffff, v3  }
0xe6: {  	v1 =	vadd.s32 s26, v45;
	[tilespmem:v13+s25+$0x0] =	vst.idx.msk $0xffff, v5  }
0xe7: {  	v7 =	vand.u32 $0x1F, v1;
	_ =	swait.ge [sflag:s10], $0x1000  }
0xe8: {  	v3 =	vor.u32 v2, v7;
	v30 =	vld [tilespmem:$0x1FE50]  }
0xe9: {  	v4 =	vld [tilespmem:$0x1FFF0]  }
0xea: {  	s31 =	simm.s32 $0x2;
	v0 =	vshll.u32 v1, $0x9;
	v1 =	vshll.u32 v1, $0x7  }
0xeb: {  	s28 =	simm.s32 $0x1;
	v15 =	vadd.s32 s31, v45;
	v0 =	vand.u32 $0x3000, v0;
	v1 =	vand.u32 $0x380, v1;
	[sflag:s10] =	ssyncset.done $0x0  }
0xec: {  	s30 =	simm.s32 $0x3;
	v17 =	vadd.s32 s28, v45;
	v34 =	vand.u32 $0x1F, v15;
	v0 =	vor.u32 v1, v0;
	v49 =	vld [tilespmem:$0x1FF90];
	[sflag:s10] =	ssyncadd.s32 $0xFFFFF000  }
0xed: {  	v40 =	vor.u32 $0x400, v0;
	v3 =	vld.idx.msk [tilespmem:v3+s12+$0x0], $0xffff;
	v1 =	vor.u32 v30, v0;
	v0 =	vadd.s32 s30, v45  }
0xee: {  	v37 =	vand.u32 $0x1F, v17;
	v5 =	vor.u32 v4, v7;
	v41 =	vand.u32 $0x1F, v0  }
0xef: {  	v13 =	vshll.u32 v0, $0x9;
	v0 =	vshll.u32 v0, $0x7;
	v16 =	vor.u32 v2, v41  }
0xf0: {  	v18 =	vor.u32 v2, v34;
	v13 =	vand.u32 $0x3000, v13;
	v0 =	vand.u32 $0x380, v0  }
0xf1: {  	v11 =	vor.u32 v49, v40;
	v32 =	vor.u32 v0, v13;
	v13 =	vshll.u32 v15, $0x9  }
0xf2: {  	v63 =	vld [tilespmem:$0x1FFE0];
	v13 =	vand.u32 $0x3000, v13;
	[tilespmem:v1+s25+$0x0] =	vst.idx.msk $0xffff, v3;
	v1 =	vor.u32 v30, v32;
	v3 =	vshll.u32 v15, $0x7  }
0xf3: {  	v15 =	vshll.u32 v17, $0x9;
	v17 =	vshll.u32 v17, $0x7;
	v5 =	vld.idx.msk [tilespmem:v5+s12+$0x0], $0xffff;
	v3 =	vand.u32 $0x380, v3  }
0xf4: {  	v15 =	vand.u32 $0x3000, v15;
	v17 =	vand.u32 $0x380, v17;
	v16 =	vld.idx.msk [tilespmem:v16+s12+$0x0], $0xffff;
	v35 =	vor.u32 v3, v13  }
0xf5: {  	v13 =	vld.idx.msk [tilespmem:v18+s12+$0x0], $0xffff;
	v33 =	vor.u32 v17, v15;
	v15 =	vor.u32 v30, v35;
	_ =	sdelay $0x1  }
0xf6: {  	v0 =	vor.u32 v2, v37  }
0xf7: {  	[tilespmem:v11+s25+$0x0] =	vst.idx.msk $0xffff, v5  }
0xf8: {  	[tilespmem:v1+s25+$0x0] =	vst.idx.msk $0xffff, v16  }
0xf9: {  	v9 =	vor.u32 v63, v7;
	[tilespmem:v15+s25+$0x0] =	vst.idx.msk $0xffff, v13  }
0xfa: {  	v3 =	vor.u32 v4, v41;
	v54 =	vld [tilespmem:$0x1FE60]  }
0xfb: {  	v18 =	vor.u32 v4, v34;
	v0 =	vld.idx.msk [tilespmem:v0+s12+$0x0], $0xffff;
	v17 =	vor.u32 v30, v33;
	_ =	sdelay $0x2  }
0xfc: {  	v5 =	vor.u32 v22, v40;
	v9 =	vld.idx.msk [tilespmem:v9+s12+$0x0], $0xffff  }
0xfd: {  	v1 =	vld.idx.msk [tilespmem:v3+s12+$0x0], $0xffff;
	v11 =	vor.u32 v54, v32  }
0xfe: {  	[tilespmem:v17+s25+$0x0] =	vst.idx.msk $0xffff, v0;
	v0 =	vld.idx.msk [tilespmem:v18+s12+$0x0], $0xffff;
	v13 =	vor.u32 v54, v35;
	_ =	sdelay $0x1  }
0xff: {  	v19 =	vor.u32 v4, v37  }
0x100: {  	[tilespmem:v5+s25+$0x0] =	vst.idx.msk $0xffff, v9  }
0x101: {  	[tilespmem:v11+s25+$0x0] =	vst.idx.msk $0xffff, v1  }
0x102: {  	v3 =	vor.u32 v58, v7;
	[tilespmem:v13+s25+$0x0] =	vst.idx.msk $0xffff, v0  }
0x103: {  	v15 =	vor.u32 v63, v41;
	v55 =	vld [tilespmem:$0x1FE70]  }
0x104: {  	v18 =	vor.u32 v63, v34;
	v16 =	vld.idx.msk [tilespmem:v19+s12+$0x0], $0xffff;
	v17 =	vor.u32 v54, v33  }
0x105: {  	v19 =	vor.u32 v63, v37;
	_ =	sdelay $0x1  }
0x106: {  	v3 =	vld.idx.msk [tilespmem:v3+s12+$0x0], $0xffff;
	v1 =	vor.u32 v29, v40  }
0x107: {  	v0 =	vld.idx.msk [tilespmem:v15+s12+$0x0], $0xffff;
	v13 =	vor.u32 v55, v32  }
0x108: {  	[tilespmem:v17+s25+$0x0] =	vst.idx.msk $0xffff, v16;
	v16 =	vld.idx.msk [tilespmem:v18+s12+$0x0], $0xffff;
	v17 =	vor.u32 v55, v35  }
0x109: {  	s29 =	simm.s32 $0x4;
	v18 =	vld.idx.msk [tilespmem:v19+s12+$0x0], $0xffff;
	v20 =	vor.u32 v55, v33  }
0x10a: {  	v5 =	vadd.s32 s29, v45  }
0x10b: {  	v36 =	vand.u32 $0x1F, v5;
	[tilespmem:v1+s25+$0x0] =	vst.idx.msk $0xffff, v3  }
0x10c: {  	v11 =	vor.u32 v2, v36;
	[tilespmem:v13+s25+$0x0] =	vst.idx.msk $0xffff, v0  }
0x10d: {  	v15 =	vor.u32 v31, v7;
	[tilespmem:v17+s25+$0x0] =	vst.idx.msk $0xffff, v16  }
0x10e: {  	v9 =	vshll.u32 v5, $0x9;
	v5 =	vshll.u32 v5, $0x7;
	[tilespmem:v20+s25+$0x0] =	vst.idx.msk $0xffff, v18  }
0x10f: {  	v9 =	vand.u32 $0x3000, v9;
	v5 =	vand.u32 $0x380, v5;
	v19 =	vor.u32 v58, v41;
	v56 =	vld [tilespmem:$0x1FE80]  }
0x110: {  	v21 =	vor.u32 v58, v34;
	v5 =	vor.u32 v5, v9  }
0x111: {  	v23 =	vmov v22;
	v22 =	vor.u32 v58, v37;
	v1 =	vld.idx.msk [tilespmem:v11+s12+$0x0], $0xffff;
	v3 =	vor.u32 v30, v5  }
0x112: {  	v9 =	vor.u32 v4, v36;
	v11 =	vor.u32 v24, v40;
	v0 =	vld.idx.msk [tilespmem:v15+s12+$0x0], $0xffff  }
0x113: {  	v15 =	vor.u32 v28, v7  }
0x114: {  	v13 =	vld.idx.msk [tilespmem:v19+s12+$0x0], $0xffff;
	v16 =	vor.u32 v56, v32  }
0x115: {  	v42 =	vor.u32 v6, v7;
	v44 =	vor.u32 v10, v7;
	v17 =	vld.idx.msk [tilespmem:v21+s12+$0x0], $0xffff;
	v7 =	vor.u32 v56, v35  }
0x116: {  	v38 =	vor.u32 $0x400, v5;
	v19 =	vld.idx.msk [tilespmem:v22+s12+$0x0], $0xffff;
	[tilespmem:v3+s25+$0x0] =	vst.idx.msk $0xffff, v1;
	v20 =	vor.u32 v56, v33  }
0x117: {  	v3 =	vld.idx.msk [tilespmem:v9+s12+$0x0], $0xffff;
	[tilespmem:v11+s25+$0x0] =	vst.idx.msk $0xffff, v0;
	v0 =	vor.u32 v49, v38  }
0x118: {  	v5 =	vor.u32 v14, v40;
	v11 =	vld.idx.msk [tilespmem:v15+s12+$0x0], $0xffff  }
0x119: {  	[tilespmem:v16+s25+$0x0] =	vst.idx.msk $0xffff, v13  }
0x11a: {  	v18 =	vor.u32 v31, v41;
	[tilespmem:v7+s25+$0x0] =	vst.idx.msk $0xffff, v17  }
0x11b: {  	v43 =	vor.u32 v12, v40;
	v21 =	vor.u32 v31, v34;
	[tilespmem:v20+s25+$0x0] =	vst.idx.msk $0xffff, v19  }
0x11c: {  	v46 =	vor.u32 v10, v41;
	v1 =	vor.u32 v31, v37;
	v57 =	vld [tilespmem:$0x1FE90];
	[tilespmem:v0+s25+$0x0] =	vst.idx.msk $0xffff, v3  }
0x11d: {  	v62 =	vlaneseq.u32;
	s30 =	simm.s32 $0x7;
	v26 =	vor.u32 v28, v41;
	v50 =	vor.u32 v63, v36;
	[tilespmem:v5+s25+$0x0] =	vst.idx.msk $0xffff, v11  }
0x11e: {  	v47 =	vor.u32 v23, v38;
	v23 =	vor.u32 v28, v37;
	v9 =	vadd.s32 s30, v45;
	v60 =	vld [tilespmem:$0x1FEA0]  }
0x11f: {  	v59 =	vmovc v28;
	v48 =	vmovc v2;
	v39 =	vand.u32 $0x1F, v9;
	v13 =	vshll.u32 v9, $0x9;
	v9 =	vshll.u32 v9, $0x7;
	v22 =	vld.idx.msk [tilespmem:v18+s12+$0x0], $0xffff  }
0x120: {  	s31 =	simm.s32 $0x6;
	v20 =	vor.u32 v28, v34;
	v16 =	vor.u32 v2, v39;
	v52 =	vld.idx.msk [tilespmem:v21+s12+$0x0], $0xffff;
	v18 =	vor.u32 v4, v39  }
0x121: {  	v2 =	vmovc v4;
	v7 =	vand.u32 $0x3000, v13;
	v0 =	vand.u32 $0x380, v9;
	v53 =	vld.idx.msk [tilespmem:v1+s12+$0x0], $0xffff;
	v3 =	vadd.s32 s31, v45;
	v4 =	vmovc v31  }
0x122: {  	v31 =	vmovc v14;
	v14 =	vmovc v10;
	v10 =	vmov v6;
	v45 =	vor.u32 v0, v7;
	v6 =	vld [tilespmem:$0x1FEB0];
	v21 =	vor.u32 v57, v33  }
0x123: {  	v51 =	vmovc v29;
	s28 =	simm.s32 $0x5;
	s26 =	simm.s32 $0x8;
	v61 =	vld [tilespmem:$0x1FEC0];
	v25 =	vor.u32 v57, v32;
	v27 =	vor.u32 v57, v35;
	v19 =	vor.u32 v60, v32  }
.LBB2_5:
0x124: {  	_ =	sdelay $0x2  }
0x125: {  	v0 =	vld.idx.msk [tilespmem:v50+s12+$0x0], $0xffff;
	v1 =	vadd.s32 s28, v62;
	v5 =	vand.u32 $0x1F, v3;
	v7 =	vor.u32 v30, v45;
	[tilespmem:v21+s25+$0x0] =	vst.idx.msk $0xffff, v53  }
0x126: {  	v9 =	vand.u32 $0x1F, v1;
	v11 =	vor.u32 v48, v5;
	[tilespmem:v25+s25+$0x0] =	vst.idx.msk $0xffff, v22;
	v21 =	vld.idx.msk [tilespmem:v23+s12+$0x0], $0xffff  }
0x127: {  	v24 =	vor.u32 v14, v34;
	v17 =	vor.u32 v48, v9;
	[tilespmem:v27+s25+$0x0] =	vst.idx.msk $0xffff, v52;
	v13 =	vld.idx.msk [tilespmem:v26+s12+$0x0], $0xffff  }
0x128: {  	v28 =	vor.u32 v14, v37;
	v22 =	vshll.u32 v3, $0x9;
	v23 =	vor.u32 v60, v35;
	v20 =	vld.idx.msk [tilespmem:v20+s12+$0x0], $0xffff  }
0x129: {  	v3 =	vshll.u32 v3, $0x7;
	v25 =	vld.idx.msk [tilespmem:v44+s12+$0x0], $0xffff;
	v27 =	vshll.u32 v1, $0x9;
	v26 =	vor.u32 v60, v33  }
0x12a: {  	v15 =	vmovc v32;
	v32 =	vmovc v45;
	v1 =	vshll.u32 v1, $0x7;
	v22 =	vand.u32 $0x3000, v22;
	v3 =	vand.u32 $0x380, v3;
	v16 =	vld.idx.msk [tilespmem:v16+s12+$0x0], $0xffff  }
0x12b: {  	[tilespmem:v47+s25+$0x0] =	vst.idx.msk $0xffff, v0;
	v0 =	vand.u32 $0x3000, v27;
	v1 =	vand.u32 $0x380, v1;
	v11 =	vld.idx.msk [tilespmem:v11+s12+$0x0], $0xffff;
	v3 =	vor.u32 v3, v22  }
0x12c: {  	v0 =	vor.u32 v1, v0;
	v17 =	vld.idx.msk [tilespmem:v17+s12+$0x0], $0xffff;
	v1 =	vor.u32 v30, v3;
	[tilespmem:v19+s25+$0x0] =	vst.idx.msk $0xffff, v13  }
0x12d: {  	v13 =	vor.u32 v30, v0;
	v19 =	vor.u32 v2, v5;
	[tilespmem:v23+s25+$0x0] =	vst.idx.msk $0xffff, v20;
	v20 =	vld.idx.msk [tilespmem:v46+s12+$0x0], $0xffff  }
0x12e: {  	v22 =	vor.u32 v2, v9;
	[tilespmem:v26+s25+$0x0] =	vst.idx.msk $0xffff, v21;
	v23 =	vor.u32 v6, v15;
	v21 =	vld.idx.msk [tilespmem:v24+s12+$0x0], $0xffff  }
0x12f: {  	v29 =	vor.u32 v63, v39;
	[tilespmem:v43+s25+$0x0] =	vst.idx.msk $0xffff, v25;
	v25 =	vor.u32 v6, v35;
	v24 =	vld.idx.msk [tilespmem:v28+s12+$0x0], $0xffff  }
0x130: {  	v26 =	vor.u32 v10, v41;
	[tilespmem:v7+s25+$0x0] =	vst.idx.msk $0xffff, v16;
	v7 =	vld.idx.msk [tilespmem:v42+s12+$0x0], $0xffff;
	v16 =	vor.u32 v6, v33  }
0x131: {  	v27 =	vor.u32 v10, v34;
	[tilespmem:v1+s25+$0x0] =	vst.idx.msk $0xffff, v11;
	v1 =	vld.idx.msk [tilespmem:v18+s12+$0x0], $0xffff;
	v11 =	vor.u32 v8, v40  }
0x132: {  	v18 =	vor.u32 v10, v37;
	[tilespmem:v13+s25+$0x0] =	vst.idx.msk $0xffff, v17;
	v13 =	vld.idx.msk [tilespmem:v19+s12+$0x0], $0xffff;
	v17 =	vor.u32 v54, v32  }
0x133: {  	v28 =	vor.u32 v58, v36;
	v19 =	vld.idx.msk [tilespmem:v22+s12+$0x0], $0xffff;
	v22 =	vor.u32 v54, v3;
	[tilespmem:v23+s25+$0x0] =	vst.idx.msk $0xffff, v20  }
0x134: {  	v44 =	vor.u32 v14, v36;
	v20 =	vor.u32 v54, v0;
	[tilespmem:v25+s25+$0x0] =	vst.idx.msk $0xffff, v21  }
0x135: {  	v15 =	vor.u32 v61, v15;
	v23 =	vor.u32 v63, v5;
	[tilespmem:v16+s25+$0x0] =	vst.idx.msk $0xffff, v24;
	v21 =	vld.idx.msk [tilespmem:v26+s12+$0x0], $0xffff  }
0x136: {  	v25 =	vor.u32 v63, v9;
	v16 =	vld.idx.msk [tilespmem:v27+s12+$0x0], $0xffff;
	[tilespmem:v11+s25+$0x0] =	vst.idx.msk $0xffff, v7;
	v11 =	vor.u32 v61, v35  }
0x137: {  	v24 =	vadd.s32 s26, v62;
	v7 =	vld.idx.msk [tilespmem:v18+s12+$0x0], $0xffff;
	[tilespmem:v17+s25+$0x0] =	vst.idx.msk $0xffff, v1;
	v1 =	vor.u32 v61, v33  }
0x138: {  	v34 =	vmov v5;
	v5 =	vand.u32 $0x1F, v24;
	v27 =	vor.u32 v51, v38;
	v26 =	vld.idx.msk [tilespmem:v28+s12+$0x0], $0xffff;
	[tilespmem:v22+s25+$0x0] =	vst.idx.msk $0xffff, v13  }
0x139: {  	v17 =	vor.u32 v48, v5;
	v13 =	vld.idx.msk [tilespmem:v29+s12+$0x0], $0xffff;
	v22 =	vor.u32 v4, v36;
	[tilespmem:v20+s25+$0x0] =	vst.idx.msk $0xffff, v19  }
0x13a: {  	v18 =	vshll.u32 v24, $0x9;
	v20 =	vor.u32 v55, v32;
	v19 =	vld.idx.msk [tilespmem:v23+s12+$0x0], $0xffff;
	[tilespmem:v15+s25+$0x0] =	vst.idx.msk $0xffff, v21;
	v15 =	vshll.u32 v24, $0x7  }
0x13b: {  	v28 =	vor.u32 v58, v39;
	v23 =	vld.idx.msk [tilespmem:v25+s12+$0x0], $0xffff;
	[tilespmem:v11+s25+$0x0] =	vst.idx.msk $0xffff, v16;
	v11 =	vand.u32 $0x3000, v18;
	v15 =	vand.u32 $0x380, v15  }
0x13c: {  	v25 =	vor.u32 v55, v3;
	[tilespmem:v1+s25+$0x0] =	vst.idx.msk $0xffff, v7;
	v7 =	vor.u32 v15, v11;
	v11 =	vld [tilespmem:$0x1FE40]  }
0x13d: {  	v42 =	vor.u32 v10, v36;
	v37 =	vmovc v9;
	v21 =	vor.u32 v55, v0;
	v24 =	vor.u32 v58, v34  }
0x13e: {  	v50 =	vor.u32 v63, v5;
	v16 =	vor.u32 v58, v9;
	v1 =	vld.idx.msk [tilespmem:v17+s12+$0x0], $0xffff;
	[tilespmem:v27+s25+$0x0] =	vst.idx.msk $0xffff, v26  }
0x13f: {  	v35 =	vmov v3;
	v33 =	vmov v0;
	v0 =	vor.u32 v30, v7;
	v3 =	vld.idx.msk [tilespmem:v22+s12+$0x0], $0xffff;
	[tilespmem:v20+s25+$0x0] =	vst.idx.msk $0xffff, v13  }
0x140: {  	v9 =	vor.u32 v2, v5;
	v18 =	vor.u32 v56, v32;
	v15 =	vor.u32 v59, v36;
	v13 =	vld.idx.msk [tilespmem:v28+s12+$0x0], $0xffff  }
0x141: {  	v36 =	vmov v5;
	v5 =	vor.u32 $0x400, v7;
	v7 =	vld [tilespmem:$0x1FF70];
	[tilespmem:v25+s25+$0x0] =	vst.idx.msk $0xffff, v19;
	v11 =	vor.u32 v11, v38  }
0x142: {  	[tilespmem:v21+s25+$0x0] =	vst.idx.msk $0xffff, v23;
	v19 =	vor.u32 v56, v35;
	v17 =	vld.idx.msk [tilespmem:v24+s12+$0x0], $0xffff  }
0x143: {  	v43 =	vor.u32 v12, v38;
	v46 =	vor.u32 v14, v39;
	v21 =	vor.u32 v56, v33;
	v16 =	vld.idx.msk [tilespmem:v16+s12+$0x0], $0xffff  }
0x144: {  	v27 =	vor.u32 v57, v35;
	v20 =	vor.u32 v4, v39;
	[tilespmem:v0+s25+$0x0] =	vst.idx.msk $0xffff, v1  }
0x145: {  	v41 =	vmov v39;
	v23 =	vor.u32 v4, v34;
	v0 =	vor.u32 v4, v37;
	[tilespmem:v18+s25+$0x0] =	vst.idx.msk $0xffff, v13  }
0x146: {  	s28 =	sadd.s32 $0x3, s26;
	v47 =	vor.u32 v7, v5;
	v1 =	vld.idx.msk [tilespmem:v9+s12+$0x0], $0xffff;
	[tilespmem:v11+s25+$0x0] =	vst.idx.msk $0xffff, v3;
	v3 =	vor.u32 v49, v5  }
0x147: {  	p2 =	slt.u32 s26, $0x1C;
	v40 =	vmov v38;
	v7 =	vor.u32 v31, v38;
	v9 =	vadd.s32 s28, v62;
	[tilespmem:v19+s25+$0x0] =	vst.idx.msk $0xffff, v17;
	v11 =	vld.idx.msk [tilespmem:v15+s12+$0x0], $0xffff  }
.Ltmp1:
0x148: {  	v26 =	vor.u32 v59, v39;
	v25 =	vor.u32 v57, v32;
	v13 =	vand.u32 $0x1F, v9;
	[tilespmem:v21+s25+$0x0] =	vst.idx.msk $0xffff, v16;
	(pc) =	sbr.rel @p2 .LBB2_5-.Ltmp1, $4  }
0x149: {  	v22 =	vld.idx.msk [tilespmem:v20+s12+$0x0], $0xffff;
	v21 =	vor.u32 v57, v33;
	v20 =	vor.u32 v59, v34;
	v19 =	vor.u32 v60, v32  }
0x14a: {  	v38 =	vmovc v5;
	v52 =	vld.idx.msk [tilespmem:v23+s12+$0x0], $0xffff;
	v18 =	vor.u32 v2, v13;
	v39 =	vmovc v13;
	v15 =	vshll.u32 v9, $0x9;
	v9 =	vshll.u32 v9, $0x7  }
0x14b: {  	s29 =	sadd.s32 $0x2, s26;
	v23 =	vor.u32 v59, v37;
	v53 =	vld.idx.msk [tilespmem:v0+s12+$0x0], $0xffff;
	v0 =	vand.u32 $0x3000, v15;
	[tilespmem:v3+s25+$0x0] =	vst.idx.msk $0xffff, v1;
	v1 =	vand.u32 $0x380, v9  }
0x14c: {  	s28 =	sadd.s32 $0x1, s26;
	s26 =	sadd.s32 $0x4, s26;
	v16 =	vor.u32 v48, v39;
	v3 =	vadd.s32 s29, v62;
	v45 =	vor.u32 v1, v0;
	[tilespmem:v7+s25+$0x0] =	vst.idx.msk $0xffff, v11  }
0x14d: {  	v0 =	vadd.s32 s28, v62;
	v24 =	vmov v51;
	v51 =	vand.u32 $0x1F, v3  }
0x14e: {  	v17 =	vand.u32 $0x1F, v0;
	v1 =	vor.u32 v48, v51  }
0x14f: {  	v7 =	vshll.u32 v3, $0x9;
	v5 =	vor.u32 v48, v17  }
0x150: {  	v9 =	vor.u32 v30, v45;
	v3 =	vshll.u32 v3, $0x7;
	v7 =	vand.u32 $0x3000, v7  }
0x151: {  	v3 =	vand.u32 $0x380, v3;
	v11 =	vshll.u32 v0, $0x9;
	v0 =	vshll.u32 v0, $0x7  }
0x152: {  	v13 =	vld.idx.msk [tilespmem:v16+s12+$0x0], $0xffff;
	v28 =	vmovc v12;
	v12 =	vmovc v49;
	v11 =	vand.u32 $0x3000, v11;
	v0 =	vand.u32 $0x380, v0;
	v49 =	vor.u32 v3, v7  }
0x153: {  	v29 =	vmov v48;
	v48 =	vor.u32 v0, v11;
	v0 =	vor.u32 v30, v49;
	v1 =	vld.idx.msk [tilespmem:v1+s12+$0x0], $0xffff  }
0x154: {  	v7 =	vor.u32 v2, v51;
	v3 =	vld.idx.msk [tilespmem:v5+s12+$0x0], $0xffff;
	v5 =	vor.u32 v30, v48  }
0x155: {  	v11 =	vor.u32 v2, v17;
	_ =	sdelay $0x1  }
0x156: {  	[tilespmem:v9+s25+$0x0] =	vst.idx.msk $0xffff, v13  }
0x157: {  	[tilespmem:v0+s25+$0x0] =	vst.idx.msk $0xffff, v1;
	v0 =	vld.idx.msk [tilespmem:v18+s12+$0x0], $0xffff;
	v1 =	vor.u32 v54, v45  }
0x158: {  	[tilespmem:v5+s25+$0x0] =	vst.idx.msk $0xffff, v3;
	v3 =	vld.idx.msk [tilespmem:v7+s12+$0x0], $0xffff;
	v5 =	vor.u32 v54, v49;
	v7 =	vor.u32 v63, v39  }
0x159: {  	v13 =	vor.u32 v63, v51;
	v9 =	vld.idx.msk [tilespmem:v11+s12+$0x0], $0xffff;
	v11 =	vor.u32 v54, v48  }
0x15a: {  	v16 =	vld.idx.msk [tilespmem:v50+s12+$0x0], $0xffff;
	[tilespmem:v25+s25+$0x0] =	vst.idx.msk $0xffff, v22  }
0x15b: {  	v15 =	vor.u32 v63, v17;
	[tilespmem:v27+s25+$0x0] =	vst.idx.msk $0xffff, v52  }
0x15c: {  	[tilespmem:v1+s25+$0x0] =	vst.idx.msk $0xffff, v0;
	v0 =	vld.idx.msk [tilespmem:v26+s12+$0x0], $0xffff  }
0x15d: {  	v1 =	vor.u32 v58, v36;
	[tilespmem:v5+s25+$0x0] =	vst.idx.msk $0xffff, v3;
	v3 =	vld.idx.msk [tilespmem:v7+s12+$0x0], $0xffff;
	v5 =	vor.u32 v55, v45  }
0x15e: {  	[tilespmem:v11+s25+$0x0] =	vst.idx.msk $0xffff, v9;
	v7 =	vld.idx.msk [tilespmem:v13+s12+$0x0], $0xffff;
	v9 =	vor.u32 v55, v49;
	v11 =	vor.u32 v58, v39  }
0x15f: {  	v20 =	vld.idx.msk [tilespmem:v20+s12+$0x0], $0xffff;
	[tilespmem:v47+s25+$0x0] =	vst.idx.msk $0xffff, v16;
	v16 =	vor.u32 v60, v35  }
0x160: {  	[tilespmem:v21+s25+$0x0] =	vst.idx.msk $0xffff, v53;
	v13 =	vld.idx.msk [tilespmem:v15+s12+$0x0], $0xffff;
	v15 =	vor.u32 v55, v48  }
0x161: {  	v18 =	vor.u32 v58, v51;
	[tilespmem:v19+s25+$0x0] =	vst.idx.msk $0xffff, v0;
	v0 =	vld.idx.msk [tilespmem:v23+s12+$0x0], $0xffff;
	v19 =	vor.u32 v60, v33  }
0x162: {  	v21 =	vor.u32 v58, v17;
	v1 =	vld.idx.msk [tilespmem:v1+s12+$0x0], $0xffff;
	[tilespmem:v5+s25+$0x0] =	vst.idx.msk $0xffff, v3;
	v3 =	vor.u32 v24, v38  }
0x163: {  	[tilespmem:v9+s25+$0x0] =	vst.idx.msk $0xffff, v7;
	v7 =	vld.idx.msk [tilespmem:v11+s12+$0x0], $0xffff;
	v9 =	vor.u32 v56, v45  }
0x164: {  	[tilespmem:v16+s25+$0x0] =	vst.idx.msk $0xffff, v20  }
0x165: {  	[tilespmem:v15+s25+$0x0] =	vst.idx.msk $0xffff, v13  }
0x166: {  	v11 =	vld.idx.msk [tilespmem:v18+s12+$0x0], $0xffff;
	v13 =	vor.u32 v56, v49;
	v15 =	vor.u32 v4, v39;
	[tilespmem:v19+s25+$0x0] =	vst.idx.msk $0xffff, v0  }
0x167: {  	v20 =	vor.u32 v4, v51;
	v18 =	vor.u32 v56, v48;
	v16 =	vld.idx.msk [tilespmem:v21+s12+$0x0], $0xffff;
	[tilespmem:v3+s25+$0x0] =	vst.idx.msk $0xffff, v1  }
0x168: {  	v0 =	vld.idx.msk [tilespmem:v44+s12+$0x0], $0xffff;
	v19 =	vor.u32 v4, v17;
	[tilespmem:v9+s25+$0x0] =	vst.idx.msk $0xffff, v7  }
0x169: {  	v5 =	vor.u32 v4, v36;
	v25 =	vld [tilespmem:$0x1FE40]  }
0x16a: {  	v21 =	vor.u32 v6, v32;
	v1 =	vor.u32 v14, v34;
	v3 =	vld.idx.msk [tilespmem:v46+s12+$0x0], $0xffff  }
0x16b: {  	[tilespmem:v13+s25+$0x0] =	vst.idx.msk $0xffff, v11;
	v13 =	vld.idx.msk [tilespmem:v15+s12+$0x0], $0xffff;
	v15 =	vor.u32 v57, v45  }
0x16c: {  	[tilespmem:v18+s25+$0x0] =	vst.idx.msk $0xffff, v16;
	v16 =	vld.idx.msk [tilespmem:v20+s12+$0x0], $0xffff;
	v18 =	vor.u32 v57, v49;
	v20 =	vor.u32 v59, v39  }
0x16d: {  	v22 =	vor.u32 v59, v51;
	[tilespmem:v43+s25+$0x0] =	vst.idx.msk $0xffff, v0;
	v0 =	vld.idx.msk [tilespmem:v19+s12+$0x0], $0xffff;
	v19 =	vor.u32 v57, v48  }
0x16e: {  	v7 =	vor.u32 v14, v37;
	v5 =	vld.idx.msk [tilespmem:v5+s12+$0x0], $0xffff;
	v9 =	vor.u32 v25, v38  }
0x16f: {  	v1 =	vld.idx.msk [tilespmem:v1+s12+$0x0], $0xffff;
	[tilespmem:v21+s25+$0x0] =	vst.idx.msk $0xffff, v3;
	v3 =	vor.u32 v6, v35;
	v21 =	vor.u32 v59, v17  }
0x170: {  	v11 =	vor.u32 v59, v36;
	[tilespmem:v15+s25+$0x0] =	vst.idx.msk $0xffff, v13  }
0x171: {  	[tilespmem:v18+s25+$0x0] =	vst.idx.msk $0xffff, v16;
	v16 =	vor.u32 v60, v45;
	v18 =	vld.idx.msk [tilespmem:v20+s12+$0x0], $0xffff  }
0x172: {  	[tilespmem:v19+s25+$0x0] =	vst.idx.msk $0xffff, v0;
	v0 =	vld.idx.msk [tilespmem:v22+s12+$0x0], $0xffff;
	v19 =	vor.u32 v60, v49  }
0x173: {  	v20 =	vor.u32 v14, v39;
	[tilespmem:v9+s25+$0x0] =	vst.idx.msk $0xffff, v5;
	v5 =	vld.idx.msk [tilespmem:v7+s12+$0x0], $0xffff;
	v7 =	vor.u32 v6, v33  }
0x174: {  	[tilespmem:v3+s25+$0x0] =	vst.idx.msk $0xffff, v1;
	v1 =	vld.idx.msk [tilespmem:v21+s12+$0x0], $0xffff;
	v21 =	vor.u32 v60, v48;
	v9 =	vor.u32 v10, v41  }
0x175: {  	v13 =	vor.u32 v31, v38;
	v3 =	vor.u32 v14, v51;
	v11 =	vld.idx.msk [tilespmem:v11+s12+$0x0], $0xffff  }
0x176: {  	v15 =	vor.u32 v14, v36;
	[tilespmem:v16+s25+$0x0] =	vst.idx.msk $0xffff, v18  }
0x177: {  	v50 =	vmov v24;
	v23 =	vor.u32 v8, v40;
	v22 =	vld.idx.msk [tilespmem:v42+s12+$0x0], $0xffff;
	[tilespmem:v19+s25+$0x0] =	vst.idx.msk $0xffff, v0  }
0x178: {  	v18 =	vor.u32 v6, v45;
	v0 =	vld.idx.msk [tilespmem:v20+s12+$0x0], $0xffff;
	[tilespmem:v7+s25+$0x0] =	vst.idx.msk $0xffff, v5;
	v5 =	vor.u32 v14, v17  }
0x179: {  	v24 =	vor.u32 v61, v32;
	[tilespmem:v21+s25+$0x0] =	vst.idx.msk $0xffff, v1;
	v7 =	vor.u32 v10, v34;
	v9 =	vld.idx.msk [tilespmem:v9+s12+$0x0], $0xffff  }
0x17a: {  	v19 =	vor.u32 v10, v39;
	v1 =	vld.idx.msk [tilespmem:v3+s12+$0x0], $0xffff;
	v3 =	vor.u32 v6, v49;
	[tilespmem:v13+s25+$0x0] =	vst.idx.msk $0xffff, v11  }
0x17b: {  	v11 =	vor.u32 v10, v37;
	v13 =	vor.u32 v28, v38;
	v15 =	vld.idx.msk [tilespmem:v15+s12+$0x0], $0xffff  }
0x17c: {  	v16 =	vor.u32 v10, v36;
	[tilespmem:v23+s25+$0x0] =	vst.idx.msk $0xffff, v22  }
0x17d: {  	v20 =	vor.u32 v6, v48;
	v21 =	vor.u32 v10, v51;
	[tilespmem:v18+s25+$0x0] =	vst.idx.msk $0xffff, v0;
	v5 =	vld.idx.msk [tilespmem:v5+s12+$0x0], $0xffff  }
0x17e: {  	v22 =	vor.u32 v61, v35;
	v7 =	vld.idx.msk [tilespmem:v7+s12+$0x0], $0xffff;
	[tilespmem:v24+s25+$0x0] =	vst.idx.msk $0xffff, v9;
	v9 =	vor.u32 v10, v17  }
0x17f: {  	[tilespmem:v3+s25+$0x0] =	vst.idx.msk $0xffff, v1;
	v0 =	vld.idx.msk [tilespmem:v19+s12+$0x0], $0xffff;
	v1 =	vor.u32 v61, v45  }
0x180: {  	v17 =	vor.u32 v61, v33;
	v11 =	vld.idx.msk [tilespmem:v11+s12+$0x0], $0xffff;
	[tilespmem:v13+s25+$0x0] =	vst.idx.msk $0xffff, v15  }
0x181: {  	v15 =	vor.u32 v8, v38;
	v13 =	vld.idx.msk [tilespmem:v16+s12+$0x0], $0xffff  }
0x182: {  	v3 =	vld.idx.msk [tilespmem:v21+s12+$0x0], $0xffff;
	[tilespmem:v20+s25+$0x0] =	vst.idx.msk $0xffff, v5;
	v5 =	vor.u32 v61, v49  }
0x183: {  	[tilespmem:v22+s25+$0x0] =	vst.idx.msk $0xffff, v7;
	v7 =	vld.idx.msk [tilespmem:v9+s12+$0x0], $0xffff;
	v9 =	vor.u32 v61, v48  }
0x184: {  	[tilespmem:v1+s25+$0x0] =	vst.idx.msk $0xffff, v0  }
0x185: {  	[tilespmem:v17+s25+$0x0] =	vst.idx.msk $0xffff, v11  }
0x186: {  	[tilespmem:v15+s25+$0x0] =	vst.idx.msk $0xffff, v13  }
0x187: {  	s26 =	simm.s32 $0x0;
	[tilespmem:v5+s25+$0x0] =	vst.idx.msk $0xffff, v3  }
0x188: {  	v11 =	vadd.s32 s26, v62;
	[tilespmem:v9+s25+$0x0] =	vst.idx.msk $0xffff, v7  }
0x189: {  	v0 =	vand.u32 $0x1F, v11;
	_ =	swait.ge [sflag:s10], $0x1000  }
0x18a: {  	v3 =	vor.u32 v29, v0;
	v6 =	vld [tilespmem:$0x1FED0];
	_ =	sdelay $0x1  }
0x18b: {  	s28 =	simm.s32 $0x1;
	v1 =	vshll.u32 v11, $0x9;
	v5 =	vshll.u32 v11, $0x7  }
0x18c: {  	s31 =	simm.s32 $0x2;
	v17 =	vadd.s32 s28, v62;
	v1 =	vand.u32 $0x3000, v1;
	v5 =	vand.u32 $0x380, v5;
	[sflag:s10] =	ssyncset.done $0x0  }
0x18d: {  	s30 =	simm.s32 $0x3;
	v37 =	vand.u32 $0x1F, v17;
	v15 =	vadd.s32 s31, v62;
	v1 =	vor.u32 v5, v1;
	[sflag:s10] =	ssyncadd.s32 $0xFFFFF000  }
0x18e: {  	v40 =	vor.u32 $0x800, v1;
	v3 =	vld.idx.msk [tilespmem:v3+s13+$0x0], $0xffff;
	v5 =	vor.u32 v6, v1;
	v1 =	vadd.s32 s30, v62  }
0x18f: {  	v34 =	vand.u32 $0x1F, v15;
	v7 =	vor.u32 v2, v0;
	v41 =	vand.u32 $0x1F, v1  }
0x190: {  	v13 =	vshll.u32 v1, $0x9;
	v1 =	vshll.u32 v1, $0x7;
	v16 =	vor.u32 v29, v41  }
0x191: {  	v49 =	vmovc v12;
	v18 =	vor.u32 v29, v34;
	v13 =	vand.u32 $0x3000, v13;
	v1 =	vand.u32 $0x380, v1  }
0x192: {  	v11 =	vor.u32 v49, v40;
	v32 =	vor.u32 v1, v13;
	v13 =	vshll.u32 v15, $0x9  }
0x193: {  	v13 =	vand.u32 $0x3000, v13;
	[tilespmem:v5+s25+$0x0] =	vst.idx.msk $0xffff, v3;
	v3 =	vor.u32 v6, v32;
	v5 =	vshll.u32 v15, $0x7  }
0x194: {  	v15 =	vshll.u32 v17, $0x9;
	v17 =	vshll.u32 v17, $0x7;
	v7 =	vld.idx.msk [tilespmem:v7+s13+$0x0], $0xffff;
	v5 =	vand.u32 $0x380, v5  }
0x195: {  	v15 =	vand.u32 $0x3000, v15;
	v17 =	vand.u32 $0x380, v17;
	v16 =	vld.idx.msk [tilespmem:v16+s13+$0x0], $0xffff;
	v35 =	vor.u32 v5, v13  }
0x196: {  	v13 =	vld.idx.msk [tilespmem:v18+s13+$0x0], $0xffff;
	v33 =	vor.u32 v17, v15;
	v15 =	vor.u32 v6, v35;
	_ =	sdelay $0x1  }
0x197: {  	v1 =	vor.u32 v29, v37  }
0x198: {  	[tilespmem:v11+s25+$0x0] =	vst.idx.msk $0xffff, v7  }
0x199: {  	v23 =	vld [tilespmem:$0x1FF70];
	[tilespmem:v3+s25+$0x0] =	vst.idx.msk $0xffff, v16  }
0x19a: {  	v9 =	vor.u32 v63, v0;
	[tilespmem:v15+s25+$0x0] =	vst.idx.msk $0xffff, v13  }
0x19b: {  	v5 =	vor.u32 v2, v41;
	v30 =	vld [tilespmem:$0x1FEE0]  }
0x19c: {  	v18 =	vor.u32 v2, v34;
	v1 =	vld.idx.msk [tilespmem:v1+s13+$0x0], $0xffff;
	v17 =	vor.u32 v6, v33;
	_ =	sdelay $0x2  }
0x19d: {  	v9 =	vld.idx.msk [tilespmem:v9+s13+$0x0], $0xffff;
	v7 =	vor.u32 v23, v40  }
0x19e: {  	v3 =	vld.idx.msk [tilespmem:v5+s13+$0x0], $0xffff;
	v11 =	vor.u32 v30, v32  }
0x19f: {  	[tilespmem:v17+s25+$0x0] =	vst.idx.msk $0xffff, v1;
	v1 =	vld.idx.msk [tilespmem:v18+s13+$0x0], $0xffff;
	v13 =	vor.u32 v30, v35;
	_ =	sdelay $0x1  }
0x1a0: {  	v19 =	vor.u32 v2, v37  }
0x1a1: {  	[tilespmem:v7+s25+$0x0] =	vst.idx.msk $0xffff, v9  }
0x1a2: {  	[tilespmem:v11+s25+$0x0] =	vst.idx.msk $0xffff, v3  }
0x1a3: {  	v5 =	vor.u32 v58, v0;
	[tilespmem:v13+s25+$0x0] =	vst.idx.msk $0xffff, v1  }
0x1a4: {  	v15 =	vor.u32 v63, v41;
	v54 =	vld [tilespmem:$0x1FEF0]  }
0x1a5: {  	v18 =	vor.u32 v63, v34;
	v16 =	vld.idx.msk [tilespmem:v19+s13+$0x0], $0xffff;
	v17 =	vor.u32 v30, v33  }
0x1a6: {  	v19 =	vor.u32 v63, v37;
	_ =	sdelay $0x1  }
0x1a7: {  	v5 =	vld.idx.msk [tilespmem:v5+s13+$0x0], $0xffff;
	v3 =	vor.u32 v50, v40  }
0x1a8: {  	v1 =	vld.idx.msk [tilespmem:v15+s13+$0x0], $0xffff;
	v13 =	vor.u32 v54, v32  }
0x1a9: {  	[tilespmem:v17+s25+$0x0] =	vst.idx.msk $0xffff, v16;
	v16 =	vld.idx.msk [tilespmem:v18+s13+$0x0], $0xffff;
	v17 =	vor.u32 v54, v35  }
0x1aa: {  	s29 =	simm.s32 $0x4;
	v18 =	vld.idx.msk [tilespmem:v19+s13+$0x0], $0xffff;
	v20 =	vor.u32 v54, v33  }
0x1ab: {  	v7 =	vadd.s32 s29, v62  }
0x1ac: {  	v36 =	vand.u32 $0x1F, v7;
	[tilespmem:v3+s25+$0x0] =	vst.idx.msk $0xffff, v5  }
0x1ad: {  	v11 =	vor.u32 v29, v36;
	[tilespmem:v13+s25+$0x0] =	vst.idx.msk $0xffff, v1  }
0x1ae: {  	v15 =	vor.u32 v4, v0;
	[tilespmem:v17+s25+$0x0] =	vst.idx.msk $0xffff, v16  }
0x1af: {  	v9 =	vshll.u32 v7, $0x9;
	v7 =	vshll.u32 v7, $0x7;
	[tilespmem:v20+s25+$0x0] =	vst.idx.msk $0xffff, v18  }
0x1b0: {  	v9 =	vand.u32 $0x3000, v9;
	v7 =	vand.u32 $0x380, v7;
	v19 =	vor.u32 v58, v41;
	v55 =	vld [tilespmem:$0x1FF00]  }
0x1b1: {  	v21 =	vor.u32 v58, v34;
	v7 =	vor.u32 v7, v9  }
0x1b2: {  	v22 =	vor.u32 v58, v37;
	v3 =	vld.idx.msk [tilespmem:v11+s13+$0x0], $0xffff;
	v5 =	vor.u32 v6, v7  }
0x1b3: {  	v9 =	vor.u32 v2, v36;
	v11 =	vor.u32 v25, v40;
	v1 =	vld.idx.msk [tilespmem:v15+s13+$0x0], $0xffff  }
0x1b4: {  	v15 =	vor.u32 v59, v0  }
0x1b5: {  	v13 =	vld.idx.msk [tilespmem:v19+s13+$0x0], $0xffff;
	v16 =	vor.u32 v55, v32  }
0x1b6: {  	v42 =	vor.u32 v10, v0;
	v44 =	vor.u32 v14, v0;
	v17 =	vld.idx.msk [tilespmem:v21+s13+$0x0], $0xffff;
	v0 =	vor.u32 v55, v35  }
0x1b7: {  	v38 =	vor.u32 $0x800, v7;
	v19 =	vld.idx.msk [tilespmem:v22+s13+$0x0], $0xffff;
	[tilespmem:v5+s25+$0x0] =	vst.idx.msk $0xffff, v3;
	v20 =	vor.u32 v55, v33  }
0x1b8: {  	v5 =	vld.idx.msk [tilespmem:v9+s13+$0x0], $0xffff;
	[tilespmem:v11+s25+$0x0] =	vst.idx.msk $0xffff, v1;
	v1 =	vor.u32 v49, v38  }
0x1b9: {  	v7 =	vor.u32 v31, v40;
	v11 =	vld.idx.msk [tilespmem:v15+s13+$0x0], $0xffff  }
0x1ba: {  	[tilespmem:v16+s25+$0x0] =	vst.idx.msk $0xffff, v13  }
0x1bb: {  	v18 =	vor.u32 v4, v41;
	[tilespmem:v0+s25+$0x0] =	vst.idx.msk $0xffff, v17  }
0x1bc: {  	v21 =	vor.u32 v4, v34;
	[tilespmem:v20+s25+$0x0] =	vst.idx.msk $0xffff, v19  }
0x1bd: {  	v53 =	vor.u32 v59, v37;
	v3 =	vor.u32 v4, v37;
	v56 =	vld [tilespmem:$0x1FF10];
	[tilespmem:v1+s25+$0x0] =	vst.idx.msk $0xffff, v5  }
0x1be: {  	v43 =	vor.u32 v28, v40;
	s30 =	simm.s32 $0x7;
	v46 =	vor.u32 v14, v41;
	[tilespmem:v7+s25+$0x0] =	vst.idx.msk $0xffff, v11  }
0x1bf: {  	v27 =	vor.u32 v59, v41;
	v51 =	vor.u32 v63, v36;
	v9 =	vadd.s32 s30, v62;
	v57 =	vld [tilespmem:$0x1FF20]  }
0x1c0: {  	v47 =	vor.u32 v23, v38;
	v39 =	vand.u32 $0x1F, v9;
	v13 =	vshll.u32 v9, $0x9;
	v22 =	vld.idx.msk [tilespmem:v18+s13+$0x0], $0xffff  }
0x1c1: {  	v9 =	vshll.u32 v9, $0x7;
	v20 =	vor.u32 v59, v34;
	v16 =	vor.u32 v29, v39;
	v23 =	vld.idx.msk [tilespmem:v21+s13+$0x0], $0xffff  }
0x1c2: {  	s31 =	simm.s32 $0x6;
	v18 =	vor.u32 v2, v39;
	v0 =	vand.u32 $0x3000, v13;
	v1 =	vand.u32 $0x380, v9;
	v52 =	vld.idx.msk [tilespmem:v3+s13+$0x0], $0xffff  }
0x1c3: {  	v12 =	vmovc v29;
	v48 =	vmovc v50;
	v3 =	vadd.s32 s31, v62;
	v45 =	vor.u32 v1, v0;
	v60 =	vld [tilespmem:$0x1FF30];
	v21 =	vor.u32 v56, v33  }
0x1c4: {  	s28 =	simm.s32 $0x5;
	s26 =	simm.s32 $0x8;
	v50 =	vmovc v28;
	v61 =	vld [tilespmem:$0x1FF40];
	v25 =	vor.u32 v56, v32;
	v26 =	vor.u32 v56, v35;
	v19 =	vor.u32 v57, v32  }
.LBB2_7:
0x1c5: {  	_ =	sdelay $0x2  }
0x1c6: {  	v0 =	vld.idx.msk [tilespmem:v51+s13+$0x0], $0xffff;
	v1 =	vadd.s32 s28, v62;
	v5 =	vand.u32 $0x1F, v3;
	v7 =	vor.u32 v6, v45;
	[tilespmem:v21+s25+$0x0] =	vst.idx.msk $0xffff, v52  }
0x1c7: {  	v9 =	vand.u32 $0x1F, v1;
	v11 =	vor.u32 v12, v5;
	[tilespmem:v25+s25+$0x0] =	vst.idx.msk $0xffff, v22;
	v21 =	vld.idx.msk [tilespmem:v53+s13+$0x0], $0xffff  }
0x1c8: {  	v24 =	vor.u32 v14, v34;
	v17 =	vor.u32 v12, v9;
	[tilespmem:v26+s25+$0x0] =	vst.idx.msk $0xffff, v23;
	v13 =	vld.idx.msk [tilespmem:v27+s13+$0x0], $0xffff  }
0x1c9: {  	v28 =	vor.u32 v14, v37;
	v22 =	vshll.u32 v3, $0x9;
	v23 =	vor.u32 v57, v35;
	v20 =	vld.idx.msk [tilespmem:v20+s13+$0x0], $0xffff  }
0x1ca: {  	v3 =	vshll.u32 v3, $0x7;
	v25 =	vld.idx.msk [tilespmem:v44+s13+$0x0], $0xffff;
	v26 =	vor.u32 v57, v33;
	v22 =	vand.u32 $0x3000, v22  }
0x1cb: {  	v15 =	vmovc v32;
	v32 =	vmovc v45;
	v3 =	vand.u32 $0x380, v3;
	v27 =	vshll.u32 v1, $0x9;
	v1 =	vshll.u32 v1, $0x7;
	v16 =	vld.idx.msk [tilespmem:v16+s13+$0x0], $0xffff  }
0x1cc: {  	[tilespmem:v47+s25+$0x0] =	vst.idx.msk $0xffff, v0;
	v0 =	vand.u32 $0x3000, v27;
	v1 =	vand.u32 $0x380, v1;
	v11 =	vld.idx.msk [tilespmem:v11+s13+$0x0], $0xffff;
	v3 =	vor.u32 v3, v22  }
0x1cd: {  	v17 =	vld.idx.msk [tilespmem:v17+s13+$0x0], $0xffff;
	v0 =	vor.u32 v1, v0;
	v1 =	vor.u32 v6, v3;
	[tilespmem:v19+s25+$0x0] =	vst.idx.msk $0xffff, v13  }
0x1ce: {  	v13 =	vor.u32 v6, v0;
	v19 =	vor.u32 v2, v5;
	[tilespmem:v23+s25+$0x0] =	vst.idx.msk $0xffff, v20;
	v20 =	vld.idx.msk [tilespmem:v46+s13+$0x0], $0xffff  }
0x1cf: {  	v22 =	vor.u32 v2, v9;
	[tilespmem:v26+s25+$0x0] =	vst.idx.msk $0xffff, v21;
	v23 =	vor.u32 v60, v15;
	v21 =	vld.idx.msk [tilespmem:v24+s13+$0x0], $0xffff  }
0x1d0: {  	v29 =	vor.u32 v63, v39;
	[tilespmem:v43+s25+$0x0] =	vst.idx.msk $0xffff, v25;
	v25 =	vor.u32 v60, v35;
	v24 =	vld.idx.msk [tilespmem:v28+s13+$0x0], $0xffff  }
0x1d1: {  	v26 =	vor.u32 v10, v41;
	[tilespmem:v7+s25+$0x0] =	vst.idx.msk $0xffff, v16;
	v7 =	vld.idx.msk [tilespmem:v42+s13+$0x0], $0xffff;
	v16 =	vor.u32 v60, v33  }
0x1d2: {  	v27 =	vor.u32 v10, v34;
	[tilespmem:v1+s25+$0x0] =	vst.idx.msk $0xffff, v11;
	v1 =	vld.idx.msk [tilespmem:v18+s13+$0x0], $0xffff;
	v11 =	vor.u32 v8, v40  }
0x1d3: {  	v18 =	vor.u32 v10, v37;
	[tilespmem:v13+s25+$0x0] =	vst.idx.msk $0xffff, v17;
	v13 =	vld.idx.msk [tilespmem:v19+s13+$0x0], $0xffff;
	v17 =	vor.u32 v30, v32  }
0x1d4: {  	v28 =	vor.u32 v58, v36;
	v19 =	vld.idx.msk [tilespmem:v22+s13+$0x0], $0xffff;
	v22 =	vor.u32 v30, v3;
	[tilespmem:v23+s25+$0x0] =	vst.idx.msk $0xffff, v20  }
0x1d5: {  	v44 =	vor.u32 v14, v36;
	v20 =	vor.u32 v30, v0;
	[tilespmem:v25+s25+$0x0] =	vst.idx.msk $0xffff, v21  }
0x1d6: {  	v15 =	vor.u32 v61, v15;
	v23 =	vor.u32 v63, v5;
	[tilespmem:v16+s25+$0x0] =	vst.idx.msk $0xffff, v24;
	v21 =	vld.idx.msk [tilespmem:v26+s13+$0x0], $0xffff  }
0x1d7: {  	v25 =	vor.u32 v63, v9;
	v16 =	vld.idx.msk [tilespmem:v27+s13+$0x0], $0xffff;
	[tilespmem:v11+s25+$0x0] =	vst.idx.msk $0xffff, v7;
	v11 =	vor.u32 v61, v35  }
0x1d8: {  	v24 =	vadd.s32 s26, v62;
	v7 =	vld.idx.msk [tilespmem:v18+s13+$0x0], $0xffff;
	[tilespmem:v17+s25+$0x0] =	vst.idx.msk $0xffff, v1;
	v1 =	vor.u32 v61, v33  }
0x1d9: {  	v34 =	vmov v5;
	v5 =	vand.u32 $0x1F, v24;
	v27 =	vor.u32 v48, v38;
	v26 =	vld.idx.msk [tilespmem:v28+s13+$0x0], $0xffff;
	[tilespmem:v22+s25+$0x0] =	vst.idx.msk $0xffff, v13  }
0x1da: {  	v17 =	vor.u32 v12, v5;
	v13 =	vld.idx.msk [tilespmem:v29+s13+$0x0], $0xffff;
	v22 =	vor.u32 v4, v36;
	[tilespmem:v20+s25+$0x0] =	vst.idx.msk $0xffff, v19  }
0x1db: {  	v18 =	vshll.u32 v24, $0x9;
	v20 =	vor.u32 v54, v32;
	v19 =	vld.idx.msk [tilespmem:v23+s13+$0x0], $0xffff;
	[tilespmem:v15+s25+$0x0] =	vst.idx.msk $0xffff, v21;
	v15 =	vshll.u32 v24, $0x7  }
0x1dc: {  	v28 =	vor.u32 v58, v39;
	v23 =	vld.idx.msk [tilespmem:v25+s13+$0x0], $0xffff;
	[tilespmem:v11+s25+$0x0] =	vst.idx.msk $0xffff, v16;
	v11 =	vand.u32 $0x3000, v18;
	v15 =	vand.u32 $0x380, v15  }
0x1dd: {  	v25 =	vor.u32 v54, v3;
	[tilespmem:v1+s25+$0x0] =	vst.idx.msk $0xffff, v7;
	v7 =	vor.u32 v15, v11;
	v11 =	vld [tilespmem:$0x1FE40]  }
0x1de: {  	v42 =	vor.u32 v10, v36;
	v37 =	vmovc v9;
	v21 =	vor.u32 v54, v0;
	v24 =	vor.u32 v58, v34  }
0x1df: {  	v51 =	vor.u32 v63, v5;
	v16 =	vor.u32 v58, v9;
	v1 =	vld.idx.msk [tilespmem:v17+s13+$0x0], $0xffff;
	[tilespmem:v27+s25+$0x0] =	vst.idx.msk $0xffff, v26  }
0x1e0: {  	v35 =	vmov v3;
	v33 =	vmov v0;
	v0 =	vor.u32 v6, v7;
	v3 =	vld.idx.msk [tilespmem:v22+s13+$0x0], $0xffff;
	[tilespmem:v20+s25+$0x0] =	vst.idx.msk $0xffff, v13  }
0x1e1: {  	v9 =	vor.u32 v2, v5;
	v18 =	vor.u32 v55, v32;
	v15 =	vor.u32 v59, v36;
	v13 =	vld.idx.msk [tilespmem:v28+s13+$0x0], $0xffff  }
0x1e2: {  	v36 =	vmov v5;
	v5 =	vor.u32 $0x800, v7;
	v7 =	vld [tilespmem:$0x1FF70];
	[tilespmem:v25+s25+$0x0] =	vst.idx.msk $0xffff, v19;
	v11 =	vor.u32 v11, v38  }
0x1e3: {  	v43 =	vor.u32 v50, v38;
	[tilespmem:v21+s25+$0x0] =	vst.idx.msk $0xffff, v23;
	v19 =	vor.u32 v55, v35;
	v17 =	vld.idx.msk [tilespmem:v24+s13+$0x0], $0xffff  }
0x1e4: {  	v46 =	vor.u32 v14, v39;
	v53 =	vor.u32 v59, v37;
	v21 =	vor.u32 v55, v33;
	v16 =	vld.idx.msk [tilespmem:v16+s13+$0x0], $0xffff  }
0x1e5: {  	v26 =	vor.u32 v56, v35;
	v20 =	vor.u32 v4, v39;
	[tilespmem:v0+s25+$0x0] =	vst.idx.msk $0xffff, v1  }
0x1e6: {  	v23 =	vor.u32 v4, v34;
	v0 =	vor.u32 v4, v37;
	[tilespmem:v18+s25+$0x0] =	vst.idx.msk $0xffff, v13  }
0x1e7: {  	s28 =	sadd.s32 $0x3, s26;
	v47 =	vor.u32 v7, v5;
	v1 =	vld.idx.msk [tilespmem:v9+s13+$0x0], $0xffff;
	[tilespmem:v11+s25+$0x0] =	vst.idx.msk $0xffff, v3;
	v3 =	vor.u32 v49, v5  }
0x1e8: {  	p2 =	slt.u32 s26, $0x1C;
	v7 =	vor.u32 v31, v38;
	v9 =	vadd.s32 s28, v62;
	[tilespmem:v19+s25+$0x0] =	vst.idx.msk $0xffff, v17;
	v11 =	vld.idx.msk [tilespmem:v15+s13+$0x0], $0xffff  }
.Ltmp2:
0x1e9: {  	v27 =	vor.u32 v59, v39;
	v25 =	vor.u32 v56, v32;
	v13 =	vand.u32 $0x1F, v9;
	[tilespmem:v21+s25+$0x0] =	vst.idx.msk $0xffff, v16;
	(pc) =	sbr.rel @p2 .LBB2_7-.Ltmp2, $4  }
0x1ea: {  	v22 =	vld.idx.msk [tilespmem:v20+s13+$0x0], $0xffff;
	v21 =	vor.u32 v56, v33;
	v20 =	vor.u32 v59, v34;
	v19 =	vor.u32 v57, v32  }
0x1eb: {  	v41 =	vmovc v39;
	v40 =	vmovc v38;
	v23 =	vld.idx.msk [tilespmem:v23+s13+$0x0], $0xffff;
	v18 =	vor.u32 v2, v13;
	v15 =	vshll.u32 v9, $0x9;
	v9 =	vshll.u32 v9, $0x7  }
0x1ec: {  	s29 =	sadd.s32 $0x2, s26;
	v38 =	vmovc v5;
	v39 =	vmov v13;
	v52 =	vld.idx.msk [tilespmem:v0+s13+$0x0], $0xffff;
	v0 =	vand.u32 $0x3000, v15;
	[tilespmem:v3+s25+$0x0] =	vst.idx.msk $0xffff, v1;
	v1 =	vand.u32 $0x380, v9  }
0x1ed: {  	s28 =	sadd.s32 $0x1, s26;
	s26 =	sadd.s32 $0x4, s26;
	v16 =	vor.u32 v12, v39;
	v3 =	vadd.s32 s29, v62;
	v45 =	vor.u32 v1, v0;
	[tilespmem:v7+s25+$0x0] =	vst.idx.msk $0xffff, v11  }
0x1ee: {  	v0 =	vadd.s32 s28, v62;
	v29 =	vmov v50;
	v50 =	vand.u32 $0x1F, v3  }
0x1ef: {  	v28 =	vmov v48;
	v48 =	vand.u32 $0x1F, v0;
	v1 =	vor.u32 v12, v50  }
0x1f0: {  	v7 =	vshll.u32 v3, $0x9;
	v5 =	vor.u32 v12, v48  }
0x1f1: {  	v9 =	vor.u32 v6, v45;
	v3 =	vshll.u32 v3, $0x7;
	v7 =	vand.u32 $0x3000, v7  }
0x1f2: {  	v3 =	vand.u32 $0x380, v3;
	v11 =	vshll.u32 v0, $0x9;
	v0 =	vshll.u32 v0, $0x7  }
0x1f3: {  	v13 =	vld.idx.msk [tilespmem:v16+s13+$0x0], $0xffff;
	v11 =	vand.u32 $0x3000, v11;
	v0 =	vand.u32 $0x380, v0;
	v49 =	vor.u32 v3, v7  }
0x1f4: {  	v17 =	vor.u32 v0, v11;
	v0 =	vor.u32 v6, v49;
	v1 =	vld.idx.msk [tilespmem:v1+s13+$0x0], $0xffff  }
0x1f5: {  	v7 =	vor.u32 v2, v50;
	v3 =	vld.idx.msk [tilespmem:v5+s13+$0x0], $0xffff;
	v5 =	vor.u32 v6, v17  }
0x1f6: {  	v11 =	vor.u32 v2, v48;
	_ =	sdelay $0x1  }
0x1f7: {  	[tilespmem:v9+s25+$0x0] =	vst.idx.msk $0xffff, v13  }
0x1f8: {  	[tilespmem:v0+s25+$0x0] =	vst.idx.msk $0xffff, v1;
	v0 =	vld.idx.msk [tilespmem:v18+s13+$0x0], $0xffff;
	v1 =	vor.u32 v30, v45  }
0x1f9: {  	[tilespmem:v5+s25+$0x0] =	vst.idx.msk $0xffff, v3;
	v3 =	vld.idx.msk [tilespmem:v7+s13+$0x0], $0xffff;
	v5 =	vor.u32 v30, v49;
	v7 =	vor.u32 v63, v39  }
0x1fa: {  	v13 =	vor.u32 v63, v50;
	v9 =	vld.idx.msk [tilespmem:v11+s13+$0x0], $0xffff;
	v11 =	vor.u32 v30, v17  }
0x1fb: {  	[tilespmem:v25+s25+$0x0] =	vst.idx.msk $0xffff, v22;
	v15 =	vor.u32 v63, v48  }
0x1fc: {  	v16 =	vld.idx.msk [tilespmem:v51+s13+$0x0], $0xffff;
	[tilespmem:v26+s25+$0x0] =	vst.idx.msk $0xffff, v23  }
0x1fd: {  	v18 =	vld.idx.msk [tilespmem:v27+s13+$0x0], $0xffff;
	[tilespmem:v1+s25+$0x0] =	vst.idx.msk $0xffff, v0  }
0x1fe: {  	v0 =	vor.u32 v58, v36;
	[tilespmem:v5+s25+$0x0] =	vst.idx.msk $0xffff, v3;
	v1 =	vld.idx.msk [tilespmem:v7+s13+$0x0], $0xffff;
	v3 =	vor.u32 v54, v45  }
0x1ff: {  	v7 =	vor.u32 v54, v49;
	[tilespmem:v11+s25+$0x0] =	vst.idx.msk $0xffff, v9;
	v5 =	vld.idx.msk [tilespmem:v13+s13+$0x0], $0xffff;
	v9 =	vor.u32 v58, v39  }
0x200: {  	[tilespmem:v21+s25+$0x0] =	vst.idx.msk $0xffff, v52;
	v13 =	vor.u32 v54, v17;
	v11 =	vld.idx.msk [tilespmem:v15+s13+$0x0], $0xffff;
	v15 =	vor.u32 v58, v50  }
0x201: {  	v20 =	vld.idx.msk [tilespmem:v20+s13+$0x0], $0xffff;
	v21 =	vor.u32 v57, v35;
	[tilespmem:v47+s25+$0x0] =	vst.idx.msk $0xffff, v16;
	v16 =	vor.u32 v58, v48  }
0x202: {  	v23 =	vor.u32 v57, v33;
	v22 =	vld.idx.msk [tilespmem:v53+s13+$0x0], $0xffff;
	[tilespmem:v19+s25+$0x0] =	vst.idx.msk $0xffff, v18  }
0x203: {  	v18 =	vor.u32 v28, v38;
	v0 =	vld.idx.msk [tilespmem:v0+s13+$0x0], $0xffff;
	[tilespmem:v3+s25+$0x0] =	vst.idx.msk $0xffff, v1  }
0x204: {  	[tilespmem:v7+s25+$0x0] =	vst.idx.msk $0xffff, v5;
	v3 =	vld.idx.msk [tilespmem:v9+s13+$0x0], $0xffff;
	v5 =	vor.u32 v55, v45  }
0x205: {  	v9 =	vor.u32 v55, v49;
	[tilespmem:v13+s25+$0x0] =	vst.idx.msk $0xffff, v11;
	v7 =	vld.idx.msk [tilespmem:v15+s13+$0x0], $0xffff;
	v11 =	vor.u32 v4, v39  }
0x206: {  	[tilespmem:v21+s25+$0x0] =	vst.idx.msk $0xffff, v20;
	v15 =	vor.u32 v55, v17;
	v13 =	vld.idx.msk [tilespmem:v16+s13+$0x0], $0xffff;
	v16 =	vor.u32 v4, v50  }
0x207: {  	v20 =	vor.u32 v4, v48;
	[tilespmem:v23+s25+$0x0] =	vst.idx.msk $0xffff, v22;
	v19 =	vld.idx.msk [tilespmem:v44+s13+$0x0], $0xffff  }
0x208: {  	v21 =	vor.u32 v14, v34;
	v22 =	vld.idx.msk [tilespmem:v46+s13+$0x0], $0xffff;
	[tilespmem:v18+s25+$0x0] =	vst.idx.msk $0xffff, v0  }
0x209: {  	v23 =	vor.u32 v60, v32;
	v1 =	vor.u32 v4, v36;
	v6 =	vld [tilespmem:$0x1FE40];
	[tilespmem:v5+s25+$0x0] =	vst.idx.msk $0xffff, v3  }
0x20a: {  	[tilespmem:v9+s25+$0x0] =	vst.idx.msk $0xffff, v7;
	v5 =	vld.idx.msk [tilespmem:v11+s13+$0x0], $0xffff;
	v7 =	vor.u32 v56, v45  }
0x20b: {  	v0 =	vor.u32 v14, v37;
	v11 =	vor.u32 v56, v49;
	[tilespmem:v15+s25+$0x0] =	vst.idx.msk $0xffff, v13;
	v9 =	vld.idx.msk [tilespmem:v16+s13+$0x0], $0xffff  }
0x20c: {  	v13 =	vor.u32 v59, v39;
	v16 =	vor.u32 v56, v17;
	v15 =	vld.idx.msk [tilespmem:v20+s13+$0x0], $0xffff  }
0x20d: {  	[tilespmem:v43+s25+$0x0] =	vst.idx.msk $0xffff, v19;
	v19 =	vor.u32 v59, v50;
	v20 =	vld.idx.msk [tilespmem:v21+s13+$0x0], $0xffff;
	v21 =	vor.u32 v60, v35  }
0x20e: {  	v1 =	vld.idx.msk [tilespmem:v1+s13+$0x0], $0xffff;
	[tilespmem:v23+s25+$0x0] =	vst.idx.msk $0xffff, v22;
	v22 =	vor.u32 v59, v48;
	v18 =	vor.u32 v6, v38  }
0x20f: {  	v3 =	vor.u32 v59, v36;
	[tilespmem:v7+s25+$0x0] =	vst.idx.msk $0xffff, v5  }
0x210: {  	v23 =	vor.u32 v60, v33;
	v0 =	vld.idx.msk [tilespmem:v0+s13+$0x0], $0xffff;
	[tilespmem:v11+s25+$0x0] =	vst.idx.msk $0xffff, v9  }
0x211: {  	v7 =	vor.u32 v57, v45;
	v9 =	vld.idx.msk [tilespmem:v13+s13+$0x0], $0xffff;
	[tilespmem:v16+s25+$0x0] =	vst.idx.msk $0xffff, v15  }
0x212: {  	v11 =	vor.u32 v14, v39;
	v13 =	vld.idx.msk [tilespmem:v19+s13+$0x0], $0xffff;
	v15 =	vor.u32 v57, v49;
	[tilespmem:v21+s25+$0x0] =	vst.idx.msk $0xffff, v20  }
0x213: {  	v20 =	vor.u32 v57, v17;
	[tilespmem:v18+s25+$0x0] =	vst.idx.msk $0xffff, v1;
	v1 =	vor.u32 v10, v41;
	v16 =	vld.idx.msk [tilespmem:v22+s13+$0x0], $0xffff  }
0x214: {  	v19 =	vor.u32 v14, v50;
	v18 =	vor.u32 v31, v38;
	v3 =	vld.idx.msk [tilespmem:v3+s13+$0x0], $0xffff  }
0x215: {  	[tilespmem:v23+s25+$0x0] =	vst.idx.msk $0xffff, v0;
	v0 =	vor.u32 v14, v48  }
0x216: {  	v5 =	vor.u32 v14, v36;
	v21 =	vld.idx.msk [tilespmem:v42+s13+$0x0], $0xffff;
	v22 =	vor.u32 v8, v40;
	[tilespmem:v7+s25+$0x0] =	vst.idx.msk $0xffff, v9  }
0x217: {  	v23 =	vor.u32 v10, v34;
	[tilespmem:v15+s25+$0x0] =	vst.idx.msk $0xffff, v13;
	v9 =	vld.idx.msk [tilespmem:v11+s13+$0x0], $0xffff;
	v11 =	vor.u32 v60, v45  }
0x218: {  	v24 =	vor.u32 v61, v32;
	v1 =	vld.idx.msk [tilespmem:v1+s13+$0x0], $0xffff;
	[tilespmem:v20+s25+$0x0] =	vst.idx.msk $0xffff, v16;
	v16 =	vor.u32 v10, v39  }
0x219: {  	v15 =	vor.u32 v60, v49;
	v13 =	vld.idx.msk [tilespmem:v19+s13+$0x0], $0xffff;
	[tilespmem:v18+s25+$0x0] =	vst.idx.msk $0xffff, v3;
	v3 =	vor.u32 v10, v37  }
0x21a: {  	v19 =	vor.u32 v60, v17;
	v20 =	vor.u32 v10, v50;
	v0 =	vld.idx.msk [tilespmem:v0+s13+$0x0], $0xffff  }
0x21b: {  	[tilespmem:v22+s25+$0x0] =	vst.idx.msk $0xffff, v21;
	v18 =	vor.u32 v29, v38;
	v5 =	vld.idx.msk [tilespmem:v5+s13+$0x0], $0xffff  }
0x21c: {  	v7 =	vor.u32 v10, v36;
	v21 =	vld.idx.msk [tilespmem:v23+s13+$0x0], $0xffff;
	[tilespmem:v11+s25+$0x0] =	vst.idx.msk $0xffff, v9  }
0x21d: {  	v11 =	vor.u32 v61, v45;
	[tilespmem:v24+s25+$0x0] =	vst.idx.msk $0xffff, v1;
	v9 =	vld.idx.msk [tilespmem:v16+s13+$0x0], $0xffff  }
0x21e: {  	v23 =	vor.u32 v61, v33;
	v1 =	vor.u32 v10, v48;
	[tilespmem:v15+s25+$0x0] =	vst.idx.msk $0xffff, v13;
	v3 =	vld.idx.msk [tilespmem:v3+s13+$0x0], $0xffff  }
0x21f: {  	s26 =	simm.s32 $0x0;
	v13 =	vor.u32 v61, v49;
	[tilespmem:v19+s25+$0x0] =	vst.idx.msk $0xffff, v0;
	v0 =	vld.idx.msk [tilespmem:v20+s13+$0x0], $0xffff  }
0x220: {  	v22 =	vor.u32 v61, v35;
	v15 =	vadd.s32 s26, v62;
	[tilespmem:v18+s25+$0x0] =	vst.idx.msk $0xffff, v5  }
0x221: {  	s28 =	simm.s32 $0x2;
	v16 =	vor.u32 v61, v17;
	v17 =	vshll.u32 v15, $0x9;
	v5 =	vld.idx.msk [tilespmem:v7+s13+$0x0], $0xffff;
	v7 =	vor.u32 v8, v38  }
0x222: {  	v18 =	vshll.u32 v15, $0x7;
	v38 =	vand.u32 $0x1F, v15;
	v15 =	vadd.s32 s28, v62;
	[tilespmem:v11+s25+$0x0] =	vst.idx.msk $0xffff, v9  }
0x223: {  	s30 =	simm.s32 $0x1;
	v41 =	vor.u32 $0xC00, v62;
	v33 =	vand.u32 $0x1F, v15;
	v1 =	vld.idx.msk [tilespmem:v1+s13+$0x0], $0xffff;
	[tilespmem:v23+s25+$0x0] =	vst.idx.msk $0xffff, v3  }
0x224: {  	v11 =	vor.u32 v12, v38;
	v3 =	vadd.s32 s30, v62;
	[tilespmem:v13+s25+$0x0] =	vst.idx.msk $0xffff, v0;
	v0 =	vshll.u32 v15, $0x9  }
0x225: {  	s31 =	simm.s32 $0x3;
	v9 =	vshll.u32 v3, $0x7;
	v32 =	vand.u32 $0x1F, v3;
	v0 =	vand.u32 $0x3000, v0  }
0x226: {  	[tilespmem:v7+s25+$0x0] =	vst.idx.msk $0xffff, v5;
	v5 =	vand.u32 $0x3000, v17;
	v7 =	vshll.u32 v3, $0x9;
	v17 =	vadd.s32 s31, v62  }
0x227: {  	[tilespmem:v22+s25+$0x0] =	vst.idx.msk $0xffff, v21;
	v13 =	vor.u32 v12, v32;
	v9 =	vand.u32 $0x380, v9;
	v37 =	vand.u32 $0x1F, v17  }
0x228: {  	v7 =	vand.u32 $0x3000, v7;
	v3 =	vor.u32 v12, v37;
	[tilespmem:v16+s25+$0x0] =	vst.idx.msk $0xffff, v1;
	v1 =	vshll.u32 v15, $0x7  }
0x229: {  	v15 =	vshll.u32 v17, $0x9;
	v16 =	vshll.u32 v17, $0x7;
	v17 =	vor.u32 v12, v33;
	_ =	swait.ge [sflag:s10], $0x1000  }
0x22a: {  	v35 =	vor.u32 v9, v7;
	v15 =	vand.u32 $0x3000, v15;
	v16 =	vand.u32 $0x380, v16;
	[sflag:s10] =	ssyncset.done $0x0  }
0x22b: {  	v1 =	vand.u32 $0x380, v1;
	v39 =	vor.u32 v16, v15;
	v16 =	vand.u32 $0x380, v18;
	[sflag:s10] =	ssyncadd.s32 $0xFFFFF000  }
0x22c: {  	v34 =	vor.u32 v1, v0;
	v0 =	vor.u32 v16, v5;
	v9 =	vld.idx.msk [tilespmem:v13+s14+$0x0], $0xffff;
	v13 =	vor.u32 v41, v35  }
0x22d: {  	v11 =	vld.idx.msk [tilespmem:v11+s14+$0x0], $0xffff;
	v16 =	vor.u32 v41, v0  }
0x22e: {  	v7 =	vor.u32 v41, v39;
	v3 =	vld.idx.msk [tilespmem:v3+s14+$0x0], $0xffff  }
0x22f: {  	v1 =	vor.u32 v41, v34;
	v5 =	vld.idx.msk [tilespmem:v17+s14+$0x0], $0xffff;
	_ =	sdelay $0x1  }
0x230: {  	[tilespmem:v13+s25+$0x0] =	vst.idx.msk $0xffff, v9  }
0x231: {  	v18 =	vor.u32 v2, v32;
	[tilespmem:v16+s25+$0x0] =	vst.idx.msk $0xffff, v11  }
0x232: {  	v15 =	vor.u32 v2, v37;
	[tilespmem:v7+s25+$0x0] =	vst.idx.msk $0xffff, v3  }
0x233: {  	v17 =	vor.u32 v2, v33;
	[tilespmem:v1+s25+$0x0] =	vst.idx.msk $0xffff, v5  }
0x234: {  	v19 =	vor.u32 v2, v38;
	v6 =	vld [tilespmem:$0x1FF90]  }
0x235: {  	v42 =	vor.u32 $0xC10, v62  }
0x236: {  	v13 =	vor.u32 v42, v35;
	v9 =	vld.idx.msk [tilespmem:v18+s14+$0x0], $0xffff  }
0x237: {  	v7 =	vor.u32 v42, v39;
	v3 =	vld.idx.msk [tilespmem:v15+s14+$0x0], $0xffff  }
0x238: {  	v36 =	vor.u32 $0xC00, v0;
	v1 =	vor.u32 v42, v34;
	v0 =	vld.idx.msk [tilespmem:v17+s14+$0x0], $0xffff  }
0x239: {  	v5 =	vld.idx.msk [tilespmem:v19+s14+$0x0], $0xffff;
	v11 =	vor.u32 v6, v36;
	_ =	sdelay $0x1  }
0x23a: {  	[tilespmem:v13+s25+$0x0] =	vst.idx.msk $0xffff, v9  }
0x23b: {  	v15 =	vor.u32 v63, v37;
	[tilespmem:v7+s25+$0x0] =	vst.idx.msk $0xffff, v3  }
0x23c: {  	v18 =	vor.u32 v63, v32;
	[tilespmem:v1+s25+$0x0] =	vst.idx.msk $0xffff, v0  }
0x23d: {  	v16 =	vor.u32 v63, v33;
	[tilespmem:v11+s25+$0x0] =	vst.idx.msk $0xffff, v5  }
0x23e: {  	v44 =	vor.u32 $0xC30, v62;
	v3 =	vor.u32 v63, v38;
	v6 =	vld [tilespmem:$0x1FF70]  }
0x23f: {  	v46 =	vor.u32 $0xC40, v62;
	v43 =	vor.u32 $0xC20, v62;
	v45 =	vor.u32 v14, v38  }
0x240: {  	v50 =	vor.u32 v59, v38;
	v26 =	vor.u32 v4, v38;
	v13 =	vor.u32 v43, v39;
	v7 =	vld.idx.msk [tilespmem:v15+s14+$0x0], $0xffff  }
0x241: {  	s29 =	simm.s32 $0x4;
	v20 =	vor.u32 v58, v33;
	v9 =	vld.idx.msk [tilespmem:v18+s14+$0x0], $0xffff;
	v0 =	vor.u32 v58, v37;
	v15 =	vor.u32 v43, v35  }
0x242: {  	v17 =	vor.u32 v43, v34;
	v1 =	vadd.s32 s29, v62;
	v16 =	vld.idx.msk [tilespmem:v16+s14+$0x0], $0xffff;
	v5 =	vor.u32 v58, v32  }
0x243: {  	v24 =	vor.u32 v4, v33;
	v18 =	vshll.u32 v1, $0x7;
	v3 =	vld.idx.msk [tilespmem:v3+s14+$0x0], $0xffff;
	v19 =	vor.u32 v6, v36  }
0x244: {  	s31 =	simm.s32 $0x6;
	v40 =	vand.u32 $0x1F, v1;
	v11 =	vshll.u32 v1, $0x9;
	v1 =	vor.u32 v58, v38  }
0x245: {  	v54 =	vor.u32 v14, v33;
	v55 =	vor.u32 v14, v32;
	v22 =	vadd.s32 s31, v62;
	[tilespmem:v13+s25+$0x0] =	vst.idx.msk $0xffff, v7  }
0x246: {  	v21 =	vor.u32 v4, v37;
	[tilespmem:v15+s25+$0x0] =	vst.idx.msk $0xffff, v9;
	v13 =	vor.u32 v44, v39;
	v0 =	vld.idx.msk [tilespmem:v0+s14+$0x0], $0xffff  }
0x247: {  	v56 =	vshll.u32 v22, $0x9;
	v27 =	vshll.u32 v22, $0x7;
	v9 =	vor.u32 v44, v35;
	[tilespmem:v17+s25+$0x0] =	vst.idx.msk $0xffff, v16;
	v5 =	vld.idx.msk [tilespmem:v5+s14+$0x0], $0xffff  }
0x248: {  	v15 =	vor.u32 v44, v34;
	v16 =	vor.u32 v4, v32;
	[tilespmem:v19+s25+$0x0] =	vst.idx.msk $0xffff, v3;
	v3 =	vld.idx.msk [tilespmem:v20+s14+$0x0], $0xffff  }
0x249: {  	s30 =	simm.s32 $0x5;
	v51 =	vand.u32 $0x1F, v22;
	v23 =	vor.u32 v59, v37;
	v19 =	vor.u32 v28, v36;
	v1 =	vld.idx.msk [tilespmem:v1+s14+$0x0], $0xffff  }
0x24a: {  	v22 =	vor.u32 v59, v32;
	v52 =	vor.u32 v2, v40;
	v7 =	vadd.s32 s30, v62  }
0x24b: {  	v8 =	vmovc v28;
	v11 =	vand.u32 $0x3000, v11;
	v17 =	vand.u32 $0x380, v18;
	v18 =	vshll.u32 v7, $0x9;
	[tilespmem:v13+s25+$0x0] =	vst.idx.msk $0xffff, v0  }
0x24c: {  	v29 =	vshll.u32 v7, $0x7;
	v53 =	vand.u32 $0x1F, v7;
	v17 =	vor.u32 v17, v11;
	v61 =	vld.idx.msk [tilespmem:v21+s14+$0x0], $0xffff;
	[tilespmem:v9+s25+$0x0] =	vst.idx.msk $0xffff, v5  }
0x24d: {  	v21 =	vor.u32 v46, v34;
	v20 =	vor.u32 v12, v40;
	v60 =	vld.idx.msk [tilespmem:v16+s14+$0x0], $0xffff;
	[tilespmem:v15+s25+$0x0] =	vst.idx.msk $0xffff, v3  }
0x24e: {  	v28 =	vor.u32 v46, v35;
	v16 =	vor.u32 v46, v39;
	[tilespmem:v19+s25+$0x0] =	vst.idx.msk $0xffff, v1;
	v25 =	vld.idx.msk [tilespmem:v24+s14+$0x0], $0xffff  }
0x24f: {  	s26 =	simm.s32 $0x8;
	s28 =	simm.s32 $0x7;
	v19 =	vor.u32 v59, v33;
	v24 =	vand.u32 $0x3000, v18;
	v18 =	vor.u32 v2, v53;
	v26 =	vld.idx.msk [tilespmem:v26+s14+$0x0], $0xffff  }
.LBB2_9:
0x250: {  	v3 =	vld [tilespmem:$0x1FE40];
	_ =	sdelay $0x1  }
0x251: {  	v0 =	vand.u32 $0x380, v29;
	v1 =	vadd.s32 s28, v62;
	v5 =	vmovc v32;
	v32 =	vmovc v53;
	v9 =	vand.u32 $0x3000, v56  }
0x252: {  	v15 =	vand.u32 $0x380, v27;
	v7 =	vor.u32 v12, v32;
	v11 =	vand.u32 $0x1F, v1  }
0x253: {  	v47 =	vor.u32 $0xC50, v62;
	v30 =	vor.u32 v12, v51;
	[tilespmem:v16+s25+$0x0] =	vst.idx.msk $0xffff, v61;
	v16 =	vor.u32 v12, v11  }
0x254: {  	v20 =	vld.idx.msk [tilespmem:v20+s14+$0x0], $0xffff;
	v27 =	vor.u32 v47, v35;
	v29 =	vor.u32 v47, v39;
	v3 =	vor.u32 v3, v36  }
0x255: {  	v0 =	vor.u32 v0, v24;
	v24 =	vshll.u32 v1, $0x9;
	v1 =	vshll.u32 v1, $0x7;
	[tilespmem:v28+s25+$0x0] =	vst.idx.msk $0xffff, v60;
	v23 =	vld.idx.msk [tilespmem:v23+s14+$0x0], $0xffff  }
0x256: {  	v9 =	vor.u32 v15, v9;
	v15 =	vand.u32 $0x3000, v24;
	v1 =	vand.u32 $0x380, v1;
	v22 =	vld.idx.msk [tilespmem:v22+s14+$0x0], $0xffff  }
0x257: {  	v24 =	vor.u32 v41, v0;
	v1 =	vor.u32 v1, v15;
	v7 =	vld.idx.msk [tilespmem:v7+s14+$0x0], $0xffff  }
0x258: {  	[tilespmem:v21+s25+$0x0] =	vst.idx.msk $0xffff, v25;
	v21 =	vor.u32 v14, v37;
	v25 =	vor.u32 v41, v1;
	v16 =	vld.idx.msk [tilespmem:v16+s14+$0x0], $0xffff  }
0x259: {  	v28 =	vor.u32 v47, v34;
	[tilespmem:v3+s25+$0x0] =	vst.idx.msk $0xffff, v26;
	v3 =	vld.idx.msk [tilespmem:v19+s14+$0x0], $0xffff;
	v26 =	vor.u32 v2, v11  }
0x25a: {  	v30 =	vld.idx.msk [tilespmem:v30+s14+$0x0], $0xffff;
	[tilespmem:v29+s25+$0x0] =	vst.idx.msk $0xffff, v23  }
0x25b: {  	v48 =	vor.u32 $0xC60, v62;
	v15 =	vor.u32 v31, v36;
	[tilespmem:v27+s25+$0x0] =	vst.idx.msk $0xffff, v22;
	v19 =	vld.idx.msk [tilespmem:v50+s14+$0x0], $0xffff  }
0x25c: {  	v13 =	vmov v33;
	v33 =	vmov v51;
	v31 =	vor.u32 v48, v35;
	v27 =	vld.idx.msk [tilespmem:v55+s14+$0x0], $0xffff;
	[tilespmem:v24+s25+$0x0] =	vst.idx.msk $0xffff, v7  }
0x25d: {  	v5 =	vor.u32 v10, v5;
	v29 =	vor.u32 v41, v17;
	v21 =	vld.idx.msk [tilespmem:v21+s14+$0x0], $0xffff;
	[tilespmem:v25+s25+$0x0] =	vst.idx.msk $0xffff, v16  }
0x25e: {  	v23 =	vor.u32 v41, v9;
	v22 =	vor.u32 v48, v39;
	[tilespmem:v28+s25+$0x0] =	vst.idx.msk $0xffff, v3;
	v24 =	vld.idx.msk [tilespmem:v26+s14+$0x0], $0xffff  }
0x25f: {  	v3 =	vor.u32 v10, v37;
	v28 =	vor.u32 v2, v33;
	v37 =	vmov v11;
	v11 =	vld.idx.msk [tilespmem:v18+s14+$0x0], $0xffff  }
0x260: {  	[tilespmem:v15+s25+$0x0] =	vst.idx.msk $0xffff, v19;
	v15 =	vld.idx.msk [tilespmem:v54+s14+$0x0], $0xffff;
	v19 =	vor.u32 v48, v34  }
0x261: {  	[tilespmem:v31+s25+$0x0] =	vst.idx.msk $0xffff, v27;
	v16 =	vld.idx.msk [tilespmem:v45+s14+$0x0], $0xffff  }
0x262: {  	v18 =	vor.u32 v42, v0;
	[tilespmem:v29+s25+$0x0] =	vst.idx.msk $0xffff, v20;
	v29 =	vld [tilespmem:$0x1FF90]  }
0x263: {  	v7 =	vor.u32 v63, v32;
	[tilespmem:v23+s25+$0x0] =	vst.idx.msk $0xffff, v30;
	v5 =	vld.idx.msk [tilespmem:v5+s14+$0x0], $0xffff  }
0x264: {  	v49 =	vor.u32 $0xC70, v62;
	v25 =	vor.u32 v42, v1;
	[tilespmem:v22+s25+$0x0] =	vst.idx.msk $0xffff, v21;
	v20 =	vld.idx.msk [tilespmem:v28+s14+$0x0], $0xffff  }
0x265: {  	v27 =	vor.u32 v49, v35;
	[tilespmem:v19+s25+$0x0] =	vst.idx.msk $0xffff, v15;
	v19 =	vld [tilespmem:$0x1FF80]  }
0x266: {  	v13 =	vor.u32 v10, v13;
	v21 =	vor.u32 v63, v37;
	v23 =	vor.u32 v49, v39;
	v3 =	vld.idx.msk [tilespmem:v3+s14+$0x0], $0xffff  }
0x267: {  	v17 =	vor.u32 $0xC00, v17;
	v22 =	vor.u32 v42, v9;
	v35 =	vmov v0;
	[tilespmem:v18+s25+$0x0] =	vst.idx.msk $0xffff, v11  }
0x268: {  	v50 =	vor.u32 v59, v40;
	v30 =	vor.u32 v63, v33;
	v0 =	vld.idx.msk [tilespmem:v7+s14+$0x0], $0xffff;
	v7 =	vor.u32 v43, v35  }
0x269: {  	v55 =	vor.u32 v14, v32;
	v26 =	vld.idx.msk [tilespmem:v52+s14+$0x0], $0xffff;
	[tilespmem:v25+s25+$0x0] =	vst.idx.msk $0xffff, v24;
	v29 =	vor.u32 v29, v17  }
0x26a: {  	v39 =	vmov v1;
	v15 =	vor.u32 v63, v40;
	[tilespmem:v27+s25+$0x0] =	vst.idx.msk $0xffff, v5;
	v19 =	vor.u32 v19, v36  }
0x26b: {  	v28 =	vor.u32 v49, v34;
	v11 =	vld.idx.msk [tilespmem:v21+s14+$0x0], $0xffff;
	v21 =	vor.u32 v43, v1;
	[tilespmem:v23+s25+$0x0] =	vst.idx.msk $0xffff, v3  }
0x26c: {  	v13 =	vld.idx.msk [tilespmem:v13+s14+$0x0], $0xffff;
	[tilespmem:v22+s25+$0x0] =	vst.idx.msk $0xffff, v20;
	v3 =	vor.u32 v43, v9;
	v20 =	vor.u32 v58, v37  }
0x26d: {  	v34 =	vmov v9;
	v9 =	vadd.s32 s26, v62;
	v22 =	vor.u32 v58, v32;
	v23 =	vld.idx.msk [tilespmem:v30+s14+$0x0], $0xffff;
	[tilespmem:v7+s25+$0x0] =	vst.idx.msk $0xffff, v0  }
0x26e: {  	v31 =	vor.u32 v4, v40;
	v18 =	vor.u32 v10, v38;
	v1 =	vshll.u32 v9, $0x9;
	v7 =	vld [tilespmem:$0x1FF60];
	[tilespmem:v29+s25+$0x0] =	vst.idx.msk $0xffff, v26  }
0x26f: {  	v15 =	vld.idx.msk [tilespmem:v15+s14+$0x0], $0xffff;
	[tilespmem:v19+s25+$0x0] =	vst.idx.msk $0xffff, v16;
	v16 =	vor.u32 v6, v17;
	v19 =	vor.u32 v58, v33  }
0x270: {  	v24 =	vshll.u32 v9, $0x7;
	v5 =	vand.u32 $0x1F, v9;
	v9 =	vor.u32 v58, v40;
	[tilespmem:v21+s25+$0x0] =	vst.idx.msk $0xffff, v11  }
0x271: {  	s28 =	sadd.s32 $0x1, s26;
	v54 =	vor.u32 v14, v33;
	v45 =	vor.u32 v14, v40;
	v26 =	vor.u32 v44, v39;
	v0 =	vld.idx.msk [tilespmem:v20+s14+$0x0], $0xffff  }
0x272: {  	v25 =	vor.u32 v44, v34;
	v11 =	vadd.s32 s28, v62;
	v21 =	vld.idx.msk [tilespmem:v22+s14+$0x0], $0xffff;
	v22 =	vor.u32 v44, v35  }
0x273: {  	s28 =	sadd.s32 $0x2, s26;
	v7 =	vor.u32 v7, v36;
	[tilespmem:v3+s25+$0x0] =	vst.idx.msk $0xffff, v23;
	v3 =	vor.u32 v4, v37;
	v18 =	vld.idx.msk [tilespmem:v18+s14+$0x0], $0xffff  }
0x274: {  	v30 =	vadd.s32 s28, v62;
	v36 =	vmov v17;
	[tilespmem:v16+s25+$0x0] =	vst.idx.msk $0xffff, v15;
	v15 =	vor.u32 v4, v32;
	v19 =	vld.idx.msk [tilespmem:v19+s14+$0x0], $0xffff  }
0x275: {  	v17 =	vor.u32 v4, v33;
	[tilespmem:v28+s25+$0x0] =	vst.idx.msk $0xffff, v13;
	v13 =	vor.u32 v8, v36;
	v9 =	vld.idx.msk [tilespmem:v9+s14+$0x0], $0xffff  }
0x276: {  	v52 =	vor.u32 v2, v5;
	v1 =	vand.u32 $0x3000, v1;
	v24 =	vand.u32 $0x380, v24;
	[tilespmem:v26+s25+$0x0] =	vst.idx.msk $0xffff, v0  }
0x277: {  	p2 =	slt.u32 s26, $0x1C;
	v57 =	vshll.u32 v11, $0x9;
	v29 =	vshll.u32 v11, $0x7;
	v53 =	vand.u32 $0x1F, v11;
	[tilespmem:v22+s25+$0x0] =	vst.idx.msk $0xffff, v21  }
.Ltmp3:
0x278: {  	v56 =	vshll.u32 v30, $0x9;
	v27 =	vshll.u32 v30, $0x7;
	v51 =	vand.u32 $0x1F, v30;
	v61 =	vld.idx.msk [tilespmem:v3+s14+$0x0], $0xffff;
	[tilespmem:v7+s25+$0x0] =	vst.idx.msk $0xffff, v18;
	(pc) =	sbr.rel @p2 .LBB2_9-.Ltmp3, $4  }
0x279: {  	v20 =	vor.u32 v12, v5;
	v23 =	vor.u32 v59, v37;
	v60 =	vld.idx.msk [tilespmem:v15+s14+$0x0], $0xffff;
	[tilespmem:v25+s25+$0x0] =	vst.idx.msk $0xffff, v19  }
0x27a: {  	v21 =	vor.u32 v46, v34;
	v22 =	vor.u32 v59, v32;
	[tilespmem:v13+s25+$0x0] =	vst.idx.msk $0xffff, v9;
	v25 =	vld.idx.msk [tilespmem:v17+s14+$0x0], $0xffff  }
0x27b: {  	v28 =	vor.u32 v46, v35;
	v16 =	vor.u32 v46, v39;
	v18 =	vor.u32 v2, v53;
	v26 =	vld.idx.msk [tilespmem:v31+s14+$0x0], $0xffff  }
0x27c: {  	v38 =	vmovc v40;
	s28 =	sadd.s32 $0x3, s26;
	s26 =	sadd.s32 $0x4, s26;
	v40 =	vmovc v5;
	v19 =	vor.u32 v59, v33;
	v17 =	vor.u32 v24, v1;
	v24 =	vand.u32 $0x3000, v57;
	v31 =	vld [tilespmem:$0x1FF50]  }
0x27d: {  	v0 =	vadd.s32 s28, v62;
	v3 =	vor.u32 v12, v53;
	v5 =	vor.u32 v12, v51  }
0x27e: {  	v30 =	vmovc v59;
	v9 =	vand.u32 $0x380, v29;
	v11 =	vand.u32 $0x3000, v56;
	v59 =	vand.u32 $0x1F, v0  }
0x27f: {  	v7 =	vshll.u32 v0, $0x9;
	v0 =	vshll.u32 v0, $0x7;
	v1 =	vor.u32 v12, v59  }
0x280: {  	v13 =	vld [tilespmem:$0x1FE40];
	v15 =	vor.u32 v41, v17;
	v7 =	vand.u32 $0x3000, v7;
	v0 =	vand.u32 $0x380, v0  }
0x281: {  	v56 =	vor.u32 v9, v24;
	v24 =	vld.idx.msk [tilespmem:v20+s14+$0x0], $0xffff;
	v29 =	vor.u32 v0, v7;
	v0 =	vand.u32 $0x380, v27  }
0x282: {  	v57 =	vor.u32 v0, v11;
	v0 =	vld.idx.msk [tilespmem:v3+s14+$0x0], $0xffff;
	v3 =	vor.u32 v41, v56  }
0x283: {  	[tilespmem:v16+s25+$0x0] =	vst.idx.msk $0xffff, v61;
	v11 =	vor.u32 v41, v57;
	v5 =	vld.idx.msk [tilespmem:v5+s14+$0x0], $0xffff  }
0x284: {  	[tilespmem:v28+s25+$0x0] =	vst.idx.msk $0xffff, v60;
	v7 =	vor.u32 v41, v29;
	v1 =	vld.idx.msk [tilespmem:v1+s14+$0x0], $0xffff  }
0x285: {  	[tilespmem:v21+s25+$0x0] =	vst.idx.msk $0xffff, v25  }
0x286: {  	[tilespmem:v15+s25+$0x0] =	vst.idx.msk $0xffff, v24  }
0x287: {  	v9 =	vor.u32 v2, v59;
	[tilespmem:v3+s25+$0x0] =	vst.idx.msk $0xffff, v0  }
0x288: {  	[tilespmem:v11+s25+$0x0] =	vst.idx.msk $0xffff, v5  }
0x289: {  	v16 =	vor.u32 v2, v51;
	[tilespmem:v7+s25+$0x0] =	vst.idx.msk $0xffff, v1  }
0x28a: {  	v27 =	vld [tilespmem:$0x1FF90]  }
0x28b: {  	v61 =	vor.u32 v13, v36  }
0x28c: {  	v3 =	vor.u32 v42, v29;
	v1 =	vld.idx.msk [tilespmem:v9+s14+$0x0], $0xffff  }
0x28d: {  	v5 =	vor.u32 v63, v59;
	v7 =	vld.idx.msk [tilespmem:v18+s14+$0x0], $0xffff;
	v9 =	vor.u32 v42, v56  }
0x28e: {  	v17 =	vor.u32 $0xC00, v17;
	v41 =	vmovc v13;
	v13 =	vor.u32 v42, v57;
	v0 =	vor.u32 v63, v53;
	v11 =	vld.idx.msk [tilespmem:v16+s14+$0x0], $0xffff  }
0x28f: {  	v15 =	vld.idx.msk [tilespmem:v52+s14+$0x0], $0xffff;
	v18 =	vor.u32 v63, v51;
	v16 =	vor.u32 v27, v17  }
0x290: {  	v60 =	vor.u32 v63, v40;
	v52 =	vor.u32 v47, v39;
	v42 =	vld.idx.msk [tilespmem:v23+s14+$0x0], $0xffff;
	[tilespmem:v61+s25+$0x0] =	vst.idx.msk $0xffff, v26  }
0x291: {  	v22 =	vld.idx.msk [tilespmem:v22+s14+$0x0], $0xffff;
	v61 =	vor.u32 v47, v35;
	[tilespmem:v3+s25+$0x0] =	vst.idx.msk $0xffff, v1  }
0x292: {  	[tilespmem:v9+s25+$0x0] =	vst.idx.msk $0xffff, v7;
	v3 =	vor.u32 v43, v29;
	v1 =	vld.idx.msk [tilespmem:v5+s14+$0x0], $0xffff  }
0x293: {  	[tilespmem:v13+s25+$0x0] =	vst.idx.msk $0xffff, v11;
	v7 =	vor.u32 v58, v59;
	v0 =	vld.idx.msk [tilespmem:v0+s14+$0x0], $0xffff;
	v5 =	vor.u32 v43, v56  }
0x294: {  	v11 =	vor.u32 v58, v53;
	v13 =	vld.idx.msk [tilespmem:v18+s14+$0x0], $0xffff;
	v9 =	vor.u32 v43, v57;
	[tilespmem:v16+s25+$0x0] =	vst.idx.msk $0xffff, v15  }
0x295: {  	v18 =	vor.u32 v58, v51;
	[tilespmem:v52+s25+$0x0] =	vst.idx.msk $0xffff, v42;
	v16 =	vor.u32 v6, v17;
	v15 =	vld.idx.msk [tilespmem:v60+s14+$0x0], $0xffff  }
0x296: {  	v19 =	vld.idx.msk [tilespmem:v19+s14+$0x0], $0xffff;
	v42 =	vor.u32 v47, v34;
	[tilespmem:v61+s25+$0x0] =	vst.idx.msk $0xffff, v22;
	v43 =	vor.u32 v58, v40  }
0x297: {  	v52 =	vor.u32 v14, v37;
	v61 =	vor.u32 v31, v36;
	v60 =	vld.idx.msk [tilespmem:v50+s14+$0x0], $0xffff;
	[tilespmem:v3+s25+$0x0] =	vst.idx.msk $0xffff, v1  }
0x298: {  	[tilespmem:v5+s25+$0x0] =	vst.idx.msk $0xffff, v0;
	v1 =	vor.u32 v44, v29;
	v0 =	vld.idx.msk [tilespmem:v7+s14+$0x0], $0xffff  }
0x299: {  	[tilespmem:v9+s25+$0x0] =	vst.idx.msk $0xffff, v13;
	v5 =	vor.u32 v44, v56;
	v3 =	vld.idx.msk [tilespmem:v11+s14+$0x0], $0xffff;
	v7 =	vor.u32 v4, v59  }
0x29a: {  	v9 =	vor.u32 v44, v57;
	v13 =	vld.idx.msk [tilespmem:v18+s14+$0x0], $0xffff;
	v11 =	vor.u32 v4, v53;
	[tilespmem:v16+s25+$0x0] =	vst.idx.msk $0xffff, v15  }
0x29b: {  	v26 =	vor.u32 v8, v17;
	[tilespmem:v42+s25+$0x0] =	vst.idx.msk $0xffff, v19;
	v42 =	vor.u32 v4, v51;
	v15 =	vld.idx.msk [tilespmem:v43+s14+$0x0], $0xffff  }
0x29c: {  	v44 =	vor.u32 v48, v39;
	[tilespmem:v61+s25+$0x0] =	vst.idx.msk $0xffff, v60;
	v43 =	vld.idx.msk [tilespmem:v52+s14+$0x0], $0xffff  }
0x29d: {  	v50 =	vor.u32 v4, v40;
	v52 =	vld.idx.msk [tilespmem:v55+s14+$0x0], $0xffff;
	v55 =	vor.u32 v48, v35;
	[tilespmem:v1+s25+$0x0] =	vst.idx.msk $0xffff, v0  }
0x29e: {  	[tilespmem:v5+s25+$0x0] =	vst.idx.msk $0xffff, v3;
	v3 =	vor.u32 v46, v29;
	v1 =	vld.idx.msk [tilespmem:v7+s14+$0x0], $0xffff  }
0x29f: {  	[tilespmem:v9+s25+$0x0] =	vst.idx.msk $0xffff, v13;
	v5 =	vld.idx.msk [tilespmem:v11+s14+$0x0], $0xffff;
	v7 =	vor.u32 v46, v56  }
0x2a0: {  	v11 =	vor.u32 v46, v57;
	[tilespmem:v26+s25+$0x0] =	vst.idx.msk $0xffff, v15;
	v15 =	vld.idx.msk [tilespmem:v42+s14+$0x0], $0xffff  }
0x2a1: {  	v0 =	vor.u32 v10, v37;
	v37 =	vor.u32 v48, v34;
	[tilespmem:v44+s25+$0x0] =	vst.idx.msk $0xffff, v43;
	v26 =	vld.idx.msk [tilespmem:v54+s14+$0x0], $0xffff  }
0x2a2: {  	v24 =	vor.u32 v41, v17;
	v9 =	vor.u32 v30, v59;
	[tilespmem:v55+s25+$0x0] =	vst.idx.msk $0xffff, v52;
	v61 =	vld.idx.msk [tilespmem:v50+s14+$0x0], $0xffff  }
0x2a3: {  	[tilespmem:v3+s25+$0x0] =	vst.idx.msk $0xffff, v1  }
0x2a4: {  	v13 =	vor.u32 v30, v53;
	[tilespmem:v7+s25+$0x0] =	vst.idx.msk $0xffff, v5  }
0x2a5: {  	v60 =	vor.u32 v30, v51;
	[tilespmem:v11+s25+$0x0] =	vst.idx.msk $0xffff, v15  }
0x2a6: {  	v0 =	vld.idx.msk [tilespmem:v0+s14+$0x0], $0xffff;
	v1 =	vor.u32 v10, v32;
	[tilespmem:v37+s25+$0x0] =	vst.idx.msk $0xffff, v26  }
0x2a7: {  	v41 =	vor.u32 v30, v40;
	v42 =	vor.u32 v49, v39;
	v3 =	vld.idx.msk [tilespmem:v9+s14+$0x0], $0xffff;
	[tilespmem:v24+s25+$0x0] =	vst.idx.msk $0xffff, v61  }
0x2a8: {  	v25 =	vmov v8;
	v5 =	vor.u32 v47, v29;
	v8 =	vld [tilespmem:$0x1FF80]  }
0x2a9: {  	v7 =	vld.idx.msk [tilespmem:v13+s14+$0x0], $0xffff;
	v9 =	vor.u32 v47, v56  }
0x2aa: {  	v15 =	vor.u32 v47, v57;
	v16 =	vld.idx.msk [tilespmem:v60+s14+$0x0], $0xffff  }
0x2ab: {  	v50 =	vor.u32 v49, v35;
	v1 =	vld.idx.msk [tilespmem:v1+s14+$0x0], $0xffff  }
0x2ac: {  	v44 =	vor.u32 v31, v17;
	v19 =	vld.idx.msk [tilespmem:v41+s14+$0x0], $0xffff;
	[tilespmem:v42+s25+$0x0] =	vst.idx.msk $0xffff, v0  }
0x2ad: {  	v45 =	vld.idx.msk [tilespmem:v45+s14+$0x0], $0xffff;
	v11 =	vor.u32 v14, v59;
	[tilespmem:v5+s25+$0x0] =	vst.idx.msk $0xffff, v3;
	v46 =	vor.u32 v8, v36  }
0x2ae: {  	[tilespmem:v9+s25+$0x0] =	vst.idx.msk $0xffff, v7  }
0x2af: {  	v13 =	vor.u32 v14, v53;
	[tilespmem:v15+s25+$0x0] =	vst.idx.msk $0xffff, v16  }
0x2b0: {  	v47 =	vor.u32 v10, v33;
	[tilespmem:v50+s25+$0x0] =	vst.idx.msk $0xffff, v1  }
0x2b1: {  	v43 =	vor.u32 v14, v51;
	[tilespmem:v44+s25+$0x0] =	vst.idx.msk $0xffff, v19  }
0x2b2: {  	v0 =	vor.u32 v14, v40;
	v7 =	vor.u32 v48, v29;
	v5 =	vld.idx.msk [tilespmem:v11+s14+$0x0], $0xffff;
	[tilespmem:v46+s25+$0x0] =	vst.idx.msk $0xffff, v45  }
0x2b3: {  	v28 =	vmov v6;
	v6 =	vld [tilespmem:$0x1FF60]  }
0x2b4: {  	v9 =	vld.idx.msk [tilespmem:v13+s14+$0x0], $0xffff;
	v13 =	vor.u32 v10, v59  }
0x2b5: {  	v3 =	vor.u32 v10, v38;
	v11 =	vor.u32 v48, v56;
	v60 =	vld.idx.msk [tilespmem:v47+s14+$0x0], $0xffff  }
0x2b6: {  	v52 =	vor.u32 v48, v57;
	v53 =	vor.u32 v10, v53;
	v15 =	vld.idx.msk [tilespmem:v43+s14+$0x0], $0xffff  }
0x2b7: {  	v54 =	vor.u32 v10, v51;
	v55 =	vor.u32 v8, v17;
	v0 =	vld.idx.msk [tilespmem:v0+s14+$0x0], $0xffff;
	[tilespmem:v7+s25+$0x0] =	vst.idx.msk $0xffff, v5  }
0x2b8: {  	v59 =	vor.u32 v49, v34;
	v1 =	vor.u32 v10, v40;
	v61 =	vor.u32 v6, v36;
	v6 =	vld [tilespmem:$0x1FF60]  }
0x2b9: {  	v7 =	vor.u32 v49, v29;
	v5 =	vld.idx.msk [tilespmem:v13+s14+$0x0], $0xffff  }
0x2ba: {  	v3 =	vld.idx.msk [tilespmem:v3+s14+$0x0], $0xffff;
	[tilespmem:v11+s25+$0x0] =	vst.idx.msk $0xffff, v9  }
0x2bb: {  	v9 =	vor.u32 v49, v56;
	[tilespmem:v52+s25+$0x0] =	vst.idx.msk $0xffff, v15;
	v11 =	vld.idx.msk [tilespmem:v53+s14+$0x0], $0xffff  }
0x2bc: {  	v13 =	vor.u32 v49, v57;
	[tilespmem:v55+s25+$0x0] =	vst.idx.msk $0xffff, v0;
	v15 =	vld.idx.msk [tilespmem:v54+s14+$0x0], $0xffff  }
0x2bd: {  	[tilespmem:v59+s25+$0x0] =	vst.idx.msk $0xffff, v60;
	v0 =	vld.idx.msk [tilespmem:v1+s14+$0x0], $0xffff;
	v1 =	vor.u32 v6, v17  }
0x2be: {  	[tilespmem:v7+s25+$0x0] =	vst.idx.msk $0xffff, v5  }
0x2bf: {  	p2 =	seq.s32 s21, $0xC7;
	[tilespmem:v61+s25+$0x0] =	vst.idx.msk $0xffff, v3  }
0x2c0: {  	p6 =	sne.s32 s21, $0x0;
	p0 =	por p2, p0;
	[tilespmem:v9+s25+$0x0] =	vst.idx.msk $0xffff, v11  }
0x2c1: {  	p1 =	por !p6, !p1;
	s22 =	sshll.u32 @p0 s22, $0x13;
	s23 =	sshll.u32 @p0 s23, $0xC;
	[tilespmem:v13+s25+$0x0] =	vst.idx.msk $0xffff, v15  }
0x2c2: {  	s26 =	simm.s32 @p0 $0x20000;
	p1 =	por !p1, !p1;
	s22 =	sor.u32 @p0 s23, s22;
	[tilespmem:v1+s25+$0x0] =	vst.idx.msk $0xffff, v0  }
0x2c3: {  	s23 =	sor.u32 @p0 $0x4, s24;
	s22 =	sshrl.u32 @p0 s22, $0x3;
	_ =	strace $0x9000004B  }
0x2c4: {  	s24 =	simm.s32 @p0 $0x1000;
	s22 =	sadd.s32 @p0 s1, s22;
	_ =	strace @p0 $0x8000004C  }
0x2c5: {  	[hbm4b:s22+s24] =	stream.strided.scatter @p0 [tilespmem:s25], [sflag:s23], $0x4000, s26, s24, $0x200038;
	[tilespmem:$0xC400] =	vst v63  }
0x2c6: {  	s21 =	sadd.s32 $0x1, s21;
	s22 =	simm.s32 $0x1;
	s23 =	sand.u32 @p1 $0x1, s16  }
0x2c7: {  	_ =	strace @p0 $0x9000004C;
	s22 =	simm.s32 @!p0 $0x0;
	p0 =	sne.s32 s21, $0xC8  }
.Ltmp4:
0x2c8: {  	s23 =	sor.u32 @p1 $0x4, s23;
	_ =	strace @p1 $0x8000004D;
	(pc) =	sbr.rel @p0 .LBB2_2-.Ltmp4, $4  }
0x2c9: {  	_ =	swait.ge @p1 [sflag:s23], $0x4000  }
0x2ca: {  	s24 =	simm.s32 $0x1;
	[sflag:s23] =	ssyncset.done @p1 $0x0  }
0x2cb: {  	s24 =	simm.s32 @!p1 $0x0;
	s18 =	sadd.s32 s22, s18;
	[sflag:s23] =	ssyncadd.s32 @p1 $0xFFFFC000  }
0x2cc: {  	v37 =	vmovc v30;
	v5 =	vmovc v27;
	v7 =	vmov v25;
	v1 =	vmov v12;
	v12 =	vmov v8;
	s16 =	sadd.s32 s24, s16;
	s19 =	sadd.s32 s22, s19;
	_ =	strace @p1 $0x9000004D  }
0x2cd: {  	s15 =	sadd.s32 $0x1, s15  }
0x2ce: {  	s16 =	sand.u32 $0x1, s16;
	p0 =	sne.s32 s15, s8  }
.Ltmp5:
0x2cf: {  	_ =	strace $0x8000004E;
	s16 =	sor.u32 $0x4, s16;
	(pc) =	sbr.rel @p0 .LBB2_1-.Ltmp5, $4  }
0x2d0: {  	_ =	swait.ge [sflag:s16], $0x4000  }
0x2d1: {  	[sflag:s16] =	ssyncset.done $0x0  }
0x2d2: {  	[sflag:s16] =	ssyncadd.s32 $0xFFFFC000  }
0x2d3: {  	_ =	strace $0x9000004E  }
0x2d4: {  	_ =	sfence.sel $0x180000  }
0x2d5: {  	[bflag:$0x0] =	sbarrier.arrive $0xFFFF  }
0x2d6: {  	p0 =	sne.s32 s2, $0x0;
	_ =	strace $0x90000047  }
0x2d7: {  	s0 =	sadd.s32 @!p0 $0x100000, s0;
	[bflag:$0x2] =	sbarrier.arrive $0xFFFF  }
0x2d8: {  	[sflag:s0] =	ssyncadd.tile.s32 @!p0 $0x1;
	_ =	shalt  }
.Lfunc_end2:
_tile_overlayer_lowered:
.L_overlay_start_2:
0x2d9: {  	(tag) =	ssettag $0x2  }
0x2da: {  	s0 =	rddreg [dreg:$0x0];
	s2 =	stileid.u32  }
0x2db: {  	s1 =	rddreg [dreg:$0x1];
	p0 =	sne.s32 s2, $0x0  }
0x2dc: {  	s3 =	rddreg [dreg:$0x2];
	[bflag:$0x3] =	sbarrier.arrive $0xFFFF;
	s2 =	simm.s32 @!p0 $0x1C02  }
0x2dd: {  	[timem:s3], [sflag:s2] =	dma.local @!p0 [hbm:s0], s1  }
0x2de: {  	s0 =	simm.s32 @!p0 $0x2  }
0x2df: {  	_ =	swait.ge @!p0 [sflag:s0], s1  }
0x2e0: {  	s1 =	ssub.s32 @!p0 $0x0, s1;
	[sflag:s0] =	ssyncset.done @!p0 $0x0  }
0x2e1: {  	[sflag:s0] =	ssyncadd.s32 @!p0 s1  }
0x2e2: {  	[bflag:$0x3] =	sbarrier.arrive $0xFFFF  }
0x2e3: {  	_ =	shalt  }

</sc_bundles>
